<compile_context>
chip_gen: v7x
topology: tpu7x:2x2x1
jax: 0.10.2.dev20260603
libtpu: 0.0.44.dev20260713+nightly
codegen_flags: <defaults>
</compile_context>

<pallas_src>
import functools

import jax
import jax.numpy as jnp
from jax import lax
from jax.experimental import pallas as pl
from jax.experimental.pallas import tpu as pltpu
from jax.experimental.pallas import tpu_sc as plsc

BATCH = 16384
NUM_PROGRAMS = 100000
DIM = 32
N_FEATS = 16
OUT_DIM = 4 * DIM + N_FEATS

ROWS_PER_SLAB = 4
SLAB_W = ROWS_PER_SLAB * DIM
NUM_SLABS = NUM_PROGRAMS // ROWS_PER_SLAB

NUM_CORES = 2
NUM_SUBCORES = 16
NUM_WORKERS = NUM_CORES * NUM_SUBCORES
BPW = BATCH // NUM_WORKERS
CHUNK = 64
NCHUNK = BPW // CHUNK
LANES = 16

_mesh = plsc.VectorSubcoreMesh(core_axis_name="c", subcore_axis_name="s")


@functools.partial(
    pl.kernel,
    mesh=_mesh,
    out_type=jax.ShapeDtypeStruct((OUT_DIM, BATCH), jnp.float32),
    scratch_types=[
        [pltpu.VMEM((BPW,), jnp.int32) for _ in range(4)],
        [pltpu.VMEM((CHUNK,), jnp.int32) for _ in range(4)],
        [pltpu.VMEM((CHUNK, SLAB_W), jnp.float32) for _ in range(4)],
        pltpu.VMEM((4 * DIM, BPW), jnp.float32),
        [pltpu.SemaphoreType.DMA for _ in range(4)],
        pltpu.SemaphoreType.DMA,
        pltpu.SemaphoreType.DMA,
    ],
    compiler_params=pltpu.CompilerParams(
        needs_layout_passes=False, skip_device_barrier=True),
)
def _matchup_sc(idx_hbm, feats_hbm, pws_hbm, tws_hbm, out_hbm,
                icols, sids, slabs, outv, gsems, fsem, isem):
    wid = lax.axis_index("s") * NUM_CORES + lax.axis_index("c")
    base = wid * BPW

    cf = pltpu.async_copy(
        feats_hbm.at[:, pl.ds(base, BPW)],
        out_hbm.at[pl.ds(4 * DIM, N_FEATS), pl.ds(base, BPW)], fsem)
    ih = [
        pltpu.async_copy(
            idx_hbm.at[pl.ds(col * BATCH + base, BPW)], icols[col], isem)
        for col in range(4)
    ]
    for h in ih:
        h.wait()

    tables = [pws_hbm, tws_hbm, pws_hbm, tws_hbm]

    def fill_and_start(col, ch):
        for i in range(CHUNK // LANES):
            v = icols[col][pl.ds(ch * CHUNK + i * LANES, LANES)]
            sids[col][pl.ds(i * LANES, LANES)] = (
                jax.lax.shift_right_logical(v, 2))
        pltpu.async_copy(tables[col].at[sids[col]], slabs[col], gsems[col])

    def extract(col, ch):
        frow = col * DIM
        slab_ref = slabs[col]
        icol = icols[col]

        def group_body(g, _):
            b0 = ch * CHUNK + g * LANES
            v = icol[pl.ds(b0, LANES)]
            colbase = jax.lax.bitwise_and(v, 3) * DIM
            rows = jax.lax.iota(jnp.int32, LANES) + g * LANES
            for f in range(DIM):
                vals = plsc.load_gather(slab_ref, [rows, colbase + f])
                outv[frow + f, pl.ds(b0, LANES)] = vals
            return ()

        jax.lax.fori_loop(0, CHUNK // LANES, group_body, ())

    for col in range(4):
        fill_and_start(col, 0)

    def round_body(r, _):
        for col in range(4):
            pltpu.make_async_copy(
                tables[col].at[sids[col]], slabs[col], gsems[col]).wait()
            extract(col, r)

            @pl.when(r + 1 < NCHUNK)
            def _():
                fill_and_start(col, r + 1)
        return ()

    jax.lax.fori_loop(0, NCHUNK, round_body, ())

    pltpu.sync_copy(outv, out_hbm.at[pl.ds(0, 4 * DIM), pl.ds(base, BPW)])
    cf.wait()


def kernel(x, program_weight, team_weight):
    idx_flat = x[:, :4].astype(jnp.int32).T.reshape(-1)
    feats_t = x[:, 4:].T
    pws = program_weight.reshape(NUM_SLABS, SLAB_W)
    tws = team_weight[:NUM_PROGRAMS].reshape(NUM_SLABS, SLAB_W)
    out_t = _matchup_sc(idx_flat, feats_t, pws, tws)
    return out_t.T

# --- scband reference (transcript-rebuilt; emitter-appended) ---
"""Pipeline reference for scband-matchup-layer-76072460746754 (READ-ONLY COPY).

The authoritative reference and input builder live on the scoring server;
editing this copy changes nothing except your own understanding.
"""

import jax, jax.numpy as jnp
import numpy as np

BATCH = 16384
NUM_PROGRAMS = 100000
NUM_TEAMS = 1000000
PROG_DIM = 32
TEAM_DIM = 32
N_FEATS = 16


def setup_inputs(seed: int = 0) -> dict:
    key = jax.random.key(seed)
    k1, k2, k3, k4 = jax.random.split(key, 4)
    # first 4 columns are indices (valid for both tables: < min(NUM_PROGRAMS, NUM_TEAMS))
    idx = jax.random.randint(k1, (BATCH, 4), 0, NUM_PROGRAMS)
    feats = jax.random.normal(k2, (BATCH, N_FEATS), dtype=jnp.float32)
    x = jnp.concatenate([idx.astype(jnp.float32), feats], axis=1)
    program_weight = jax.random.normal(k3, (NUM_PROGRAMS, PROG_DIM), dtype=jnp.float32) * 0.02
    team_weight = jax.random.normal(k4, (NUM_TEAMS, TEAM_DIM), dtype=jnp.float32) * 0.02
    return {"x": x, "program_weight": program_weight, "team_weight": team_weight}


def reference(x, program_weight, team_weight):
    idx = x[:, :4].astype(jnp.int32)
    program = jnp.take(program_weight, idx[:, 0], axis=0)
    team = jnp.take(team_weight, idx[:, 1], axis=0)
    opponent_program = jnp.take(program_weight, idx[:, 2], axis=0)
    opponent = jnp.take(team_weight, idx[:, 3], axis=0)
    matchup = jnp.concatenate([program, team, opponent_program, opponent, x[:, 4:]], axis=1)
    return matchup

if __name__ == "__main__":
    import jax
    _d = setup_inputs()
    print(jax.jit(kernel)(*tuple(_d.values())))

</pallas_src>

<mosaic_0001>
#map = affine_map<(d0, d1) -> (0)>
#map1 = affine_map<(d0, d1) -> (0, 0)>
module attributes {stable_mosaic.version = 14 : i64} {
  func.func @_matchup_sc(%arg0: i32, %arg1: i32, %arg2: memref<65536xi32, #tpu.memory_space<hbm>>, %arg3: memref<16x16384xf32, #tpu.memory_space<hbm>>, %arg4: memref<25000x128xf32, #tpu.memory_space<hbm>>, %arg5: memref<25000x128xf32, #tpu.memory_space<hbm>>, %arg6: memref<144x16384xf32, #tpu.memory_space<hbm>>, %arg7: memref<512xi32, #tpu.memory_space<vmem>>, %arg8: memref<512xi32, #tpu.memory_space<vmem>>, %arg9: memref<512xi32, #tpu.memory_space<vmem>>, %arg10: memref<512xi32, #tpu.memory_space<vmem>>, %arg11: memref<64xi32, #tpu.memory_space<vmem>>, %arg12: memref<64xi32, #tpu.memory_space<vmem>>, %arg13: memref<64xi32, #tpu.memory_space<vmem>>, %arg14: memref<64xi32, #tpu.memory_space<vmem>>, %arg15: memref<64x128xf32, #tpu.memory_space<vmem>>, %arg16: memref<64x128xf32, #tpu.memory_space<vmem>>, %arg17: memref<64x128xf32, #tpu.memory_space<vmem>>, %arg18: memref<64x128xf32, #tpu.memory_space<vmem>>, %arg19: memref<128x512xf32, #tpu.memory_space<vmem>>, %arg20: memref<!tpu.dma_semaphore, #tpu.memory_space<semaphore_mem>>, %arg21: memref<!tpu.dma_semaphore, #tpu.memory_space<semaphore_mem>>, %arg22: memref<!tpu.dma_semaphore, #tpu.memory_space<semaphore_mem>>, %arg23: memref<!tpu.dma_semaphore, #tpu.memory_space<semaphore_mem>>, %arg24: memref<!tpu.dma_semaphore, #tpu.memory_space<semaphore_mem>>, %arg25: memref<!tpu.dma_semaphore, #tpu.memory_space<semaphore_mem>>) attributes {dimension_semantics = [#tpu.dimension_semantics<core_parallel>, #tpu.dimension_semantics<subcore_parallel>], iteration_bounds = array<i64: 2, 16>, scalar_prefetch = 0 : i64, scratch_operands = 19 : i64, tpu.core_type = #tpu.core_type<sc_vector_subcore>, window_params = [{transform_indices = #map}, {transform_indices = #map1}, {transform_indices = #map1}, {transform_indices = #map1}, {transform_indices = #map1}]} {
    %mul3A = arith.constant 2 : i32
    %mul3A_0 = arith.muli %arg1, %mul3A : i32
    %add3A = arith.addi %mul3A_0, %arg0 : i32
    %mul3A_1 = arith.constant 512 : i32
    %mul3A_2 = arith.muli %add3A, %mul3A_1 : i32
    %dma_start3A = arith.constant 128 : i32
    %dma_start3A_3 = tpu.memref_slice %arg6[%dma_start3A, %mul3A_2] : memref<144x16384xf32, #tpu.memory_space<hbm>> -> memref<16x512xf32, #tpu.memory_space<hbm>>
    %dma_start3A_4 = arith.constant 0 : i32
    %dma_start3A_5 = tpu.memref_slice %arg3[%dma_start3A_4, %mul3A_2] : memref<16x16384xf32, #tpu.memory_space<hbm>> -> memref<16x512xf32, #tpu.memory_space<hbm>>
    tpu.enqueue_dma source(%dma_start3A_5 : memref<16x512xf32, #tpu.memory_space<hbm>>) target(%dma_start3A_3 : memref<16x512xf32, #tpu.memory_space<hbm>>) target_semaphore(%arg24 : memref<!tpu.dma_semaphore, #tpu.memory_space<semaphore_mem>>)
    %add3A_6 = arith.constant 0 : i32
    %add3A_7 = arith.addi %add3A_6, %mul3A_2 : i32
    %dma_start3A_8 = tpu.memref_slice %arg2[%add3A_7] : memref<65536xi32, #tpu.memory_space<hbm>> -> memref<512xi32, #tpu.memory_space<hbm>>
    %dma_start3A_9 = tpu.memref_slice %arg2[%add3A_7] : memref<65536xi32, #tpu.memory_space<hbm>> -> memref<512xi32, #tpu.memory_space<hbm>>
    tpu.enqueue_dma source(%dma_start3A_9 : memref<512xi32, #tpu.memory_space<hbm>>) target(%arg7 : memref<512xi32, #tpu.memory_space<vmem>>) target_semaphore(%arg25 : memref<!tpu.dma_semaphore, #tpu.memory_space<semaphore_mem>>)
    %add3A_10 = arith.constant 16384 : i32
    %add3A_11 = arith.addi %add3A_10, %mul3A_2 : i32
    %dma_start3A_12 = tpu.memref_slice %arg2[%add3A_11] : memref<65536xi32, #tpu.memory_space<hbm>> -> memref<512xi32, #tpu.memory_space<hbm>>
    %dma_start3A_13 = tpu.memref_slice %arg2[%add3A_11] : memref<65536xi32, #tpu.memory_space<hbm>> -> memref<512xi32, #tpu.memory_space<hbm>>
    tpu.enqueue_dma source(%dma_start3A_13 : memref<512xi32, #tpu.memory_space<hbm>>) target(%arg8 : memref<512xi32, #tpu.memory_space<vmem>>) target_semaphore(%arg25 : memref<!tpu.dma_semaphore, #tpu.memory_space<semaphore_mem>>)
    %add3A_14 = arith.constant 32768 : i32
    %add3A_15 = arith.addi %add3A_14, %mul3A_2 : i32
    %dma_start3A_16 = tpu.memref_slice %arg2[%add3A_15] : memref<65536xi32, #tpu.memory_space<hbm>> -> memref<512xi32, #tpu.memory_space<hbm>>
    %dma_start3A_17 = tpu.memref_slice %arg2[%add3A_15] : memref<65536xi32, #tpu.memory_space<hbm>> -> memref<512xi32, #tpu.memory_space<hbm>>
    tpu.enqueue_dma source(%dma_start3A_17 : memref<512xi32, #tpu.memory_space<hbm>>) target(%arg9 : memref<512xi32, #tpu.memory_space<vmem>>) target_semaphore(%arg25 : memref<!tpu.dma_semaphore, #tpu.memory_space<semaphore_mem>>)
    %add3A_18 = arith.constant 49152 : i32
    %add3A_19 = arith.addi %add3A_18, %mul3A_2 : i32
    %dma_start3A_20 = tpu.memref_slice %arg2[%add3A_19] : memref<65536xi32, #tpu.memory_space<hbm>> -> memref<512xi32, #tpu.memory_space<hbm>>
    %dma_start3A_21 = tpu.memref_slice %arg2[%add3A_19] : memref<65536xi32, #tpu.memory_space<hbm>> -> memref<512xi32, #tpu.memory_space<hbm>>
    tpu.enqueue_dma source(%dma_start3A_21 : memref<512xi32, #tpu.memory_space<hbm>>) target(%arg10 : memref<512xi32, #tpu.memory_space<vmem>>) target_semaphore(%arg25 : memref<!tpu.dma_semaphore, #tpu.memory_space<semaphore_mem>>)
    %dma_wait3A = tpu.memref_slice %arg2[%add3A_7] : memref<65536xi32, #tpu.memory_space<hbm>> -> memref<512xi32, #tpu.memory_space<hbm>>
    %dma_wait3A_22 = tpu.memref_slice %arg2[%add3A_7] : memref<65536xi32, #tpu.memory_space<hbm>> -> memref<512xi32, #tpu.memory_space<hbm>>
    tpu.wait_dma2 semaphore(%arg25 : memref<!tpu.dma_semaphore, #tpu.memory_space<semaphore_mem>>) src(%dma_wait3A_22 : memref<512xi32, #tpu.memory_space<hbm>>) dst(%arg7 : memref<512xi32, #tpu.memory_space<vmem>>)
    %dma_wait3A_23 = tpu.memref_slice %arg2[%add3A_11] : memref<65536xi32, #tpu.memory_space<hbm>> -> memref<512xi32, #tpu.memory_space<hbm>>
    %dma_wait3A_24 = tpu.memref_slice %arg2[%add3A_11] : memref<65536xi32, #tpu.memory_space<hbm>> -> memref<512xi32, #tpu.memory_space<hbm>>
    tpu.wait_dma2 semaphore(%arg25 : memref<!tpu.dma_semaphore, #tpu.memory_space<semaphore_mem>>) src(%dma_wait3A_24 : memref<512xi32, #tpu.memory_space<hbm>>) dst(%arg8 : memref<512xi32, #tpu.memory_space<vmem>>)
    %dma_wait3A_25 = tpu.memref_slice %arg2[%add3A_15] : memref<65536xi32, #tpu.memory_space<hbm>> -> memref<512xi32, #tpu.memory_space<hbm>>
    %dma_wait3A_26 = tpu.memref_slice %arg2[%add3A_15] : memref<65536xi32, #tpu.memory_space<hbm>> -> memref<512xi32, #tpu.memory_space<hbm>>
    tpu.wait_dma2 semaphore(%arg25 : memref<!tpu.dma_semaphore, #tpu.memory_space<semaphore_mem>>) src(%dma_wait3A_26 : memref<512xi32, #tpu.memory_space<hbm>>) dst(%arg9 : memref<512xi32, #tpu.memory_space<vmem>>)
    %dma_wait3A_27 = tpu.memref_slice %arg2[%add3A_19] : memref<65536xi32, #tpu.memory_space<hbm>> -> memref<512xi32, #tpu.memory_space<hbm>>
    %dma_wait3A_28 = tpu.memref_slice %arg2[%add3A_19] : memref<65536xi32, #tpu.memory_space<hbm>> -> memref<512xi32, #tpu.memory_space<hbm>>
    tpu.wait_dma2 semaphore(%arg25 : memref<!tpu.dma_semaphore, #tpu.memory_space<semaphore_mem>>) src(%dma_wait3A_28 : memref<512xi32, #tpu.memory_space<hbm>>) dst(%arg10 : memref<512xi32, #tpu.memory_space<vmem>>)
    %get3A = arith.constant 0 : index
    %get3A_29 = tpu.vector_load %arg7[%get3A] {strides = array<i32>} : memref<512xi32, #tpu.memory_space<vmem>>, vector<16xi32>,
    %shift_right_logical3A = arith.constant 2 : i32
    %shift_right_logical3A_30 = vector.broadcast %shift_right_logical3A : i32 to vector<16xi32>
    %shift_right_logical3A_31 = arith.shrui %get3A_29, %shift_right_logical3A_30 : vector<16xi32>
    %swap3A = arith.constant 0 : index
    %swap3A_32 = tpu.vector_load %arg11[%swap3A] {strides = array<i32>} : memref<64xi32, #tpu.memory_space<vmem>>, vector<16xi32>,
    tpu.vector_store %arg11[%swap3A], %shift_right_logical3A_31 {strides = array<i32>} : memref<64xi32, #tpu.memory_space<vmem>>, vector<16xi32>,
    %get3A_33 = arith.constant 16 : index
    %get3A_34 = tpu.vector_load %arg7[%get3A_33] {strides = array<i32>} : memref<512xi32, #tpu.memory_space<vmem>>, vector<16xi32>,
    %shift_right_logical3A_35 = arith.constant 2 : i32
    %shift_right_logical3A_36 = vector.broadcast %shift_right_logical3A_35 : i32 to vector<16xi32>
    %shift_right_logical3A_37 = arith.shrui %get3A_34, %shift_right_logical3A_36 : vector<16xi32>
    %swap3A_38 = arith.constant 16 : index
    %swap3A_39 = tpu.vector_load %arg11[%swap3A_38] {strides = array<i32>} : memref<64xi32, #tpu.memory_space<vmem>>, vector<16xi32>,
    tpu.vector_store %arg11[%swap3A_38], %shift_right_logical3A_37 {strides = array<i32>} : memref<64xi32, #tpu.memory_space<vmem>>, vector<16xi32>,
    %get3A_40 = arith.constant 32 : index
    %get3A_41 = tpu.vector_load %arg7[%get3A_40] {strides = array<i32>} : memref<512xi32, #tpu.memory_space<vmem>>, vector<16xi32>,
    %shift_right_logical3A_42 = arith.constant 2 : i32
    %shift_right_logical3A_43 = vector.broadcast %shift_right_logical3A_42 : i32 to vector<16xi32>
    %shift_right_logical3A_44 = arith.shrui %get3A_41, %shift_right_logical3A_43 : vector<16xi32>
    %swap3A_45 = arith.constant 32 : index
    %swap3A_46 = tpu.vector_load %arg11[%swap3A_45] {strides = array<i32>} : memref<64xi32, #tpu.memory_space<vmem>>, vector<16xi32>,
    tpu.vector_store %arg11[%swap3A_45], %shift_right_logical3A_44 {strides = array<i32>} : memref<64xi32, #tpu.memory_space<vmem>>, vector<16xi32>,
    %get3A_47 = arith.constant 48 : index
    %get3A_48 = tpu.vector_load %arg7[%get3A_47] {strides = array<i32>} : memref<512xi32, #tpu.memory_space<vmem>>, vector<16xi32>,
    %shift_right_logical3A_49 = arith.constant 2 : i32
    %shift_right_logical3A_50 = vector.broadcast %shift_right_logical3A_49 : i32 to vector<16xi32>
    %shift_right_logical3A_51 = arith.shrui %get3A_48, %shift_right_logical3A_50 : vector<16xi32>
    %swap3A_52 = arith.constant 48 : index
    %swap3A_53 = tpu.vector_load %arg11[%swap3A_52] {strides = array<i32>} : memref<64xi32, #tpu.memory_space<vmem>>, vector<16xi32>,
    tpu.vector_store %arg11[%swap3A_52], %shift_right_logical3A_51 {strides = array<i32>} : memref<64xi32, #tpu.memory_space<vmem>>, vector<16xi32>,
    %dma_start3A_54 = arith.constant 0 : i32
    %dma_start3A_55 = arith.constant 0 : i32
    %dma_start3A_56 = tpu.memref_slice %arg4[%dma_start3A_54, %dma_start3A_55] : memref<25000x128xf32, #tpu.memory_space<hbm>> -> memref<25000x128xf32, #tpu.memory_space<hbm>>
    tpu.enqueue_indirect_dma source(%dma_start3A_56 : memref<25000x128xf32, #tpu.memory_space<hbm>>) target(%arg15 : memref<64x128xf32, #tpu.memory_space<vmem>>) offsets(%arg11 : memref<64xi32, #tpu.memory_space<vmem>>) semaphore(%arg20 : memref<!tpu.dma_semaphore, #tpu.memory_space<semaphore_mem>>)
    %get3A_57 = arith.constant 0 : index
    %get3A_58 = tpu.vector_load %arg8[%get3A_57] {strides = array<i32>} : memref<512xi32, #tpu.memory_space<vmem>>, vector<16xi32>,
    %shift_right_logical3A_59 = arith.constant 2 : i32
    %shift_right_logical3A_60 = vector.broadcast %shift_right_logical3A_59 : i32 to vector<16xi32>
    %shift_right_logical3A_61 = arith.shrui %get3A_58, %shift_right_logical3A_60 : vector<16xi32>
    %swap3A_62 = arith.constant 0 : index
    %swap3A_63 = tpu.vector_load %arg12[%swap3A_62] {strides = array<i32>} : memref<64xi32, #tpu.memory_space<vmem>>, vector<16xi32>,
    tpu.vector_store %arg12[%swap3A_62], %shift_right_logical3A_61 {strides = array<i32>} : memref<64xi32, #tpu.memory_space<vmem>>, vector<16xi32>,
    %get3A_64 = arith.constant 16 : index
    %get3A_65 = tpu.vector_load %arg8[%get3A_64] {strides = array<i32>} : memref<512xi32, #tpu.memory_space<vmem>>, vector<16xi32>,
    %shift_right_logical3A_66 = arith.constant 2 : i32
    %shift_right_logical3A_67 = vector.broadcast %shift_right_logical3A_66 : i32 to vector<16xi32>
    %shift_right_logical3A_68 = arith.shrui %get3A_65, %shift_right_logical3A_67 : vector<16xi32>
    %swap3A_69 = arith.constant 16 : index
    %swap3A_70 = tpu.vector_load %arg12[%swap3A_69] {strides = array<i32>} : memref<64xi32, #tpu.memory_space<vmem>>, vector<16xi32>,
    tpu.vector_store %arg12[%swap3A_69], %shift_right_logical3A_68 {strides = array<i32>} : memref<64xi32, #tpu.memory_space<vmem>>, vector<16xi32>,
    %get3A_71 = arith.constant 32 : index
    %get3A_72 = tpu.vector_load %arg8[%get3A_71] {strides = array<i32>} : memref<512xi32, #tpu.memory_space<vmem>>, vector<16xi32>,
    %shift_right_logical3A_73 = arith.constant 2 : i32
    %shift_right_logical3A_74 = vector.broadcast %shift_right_logical3A_73 : i32 to vector<16xi32>
    %shift_right_logical3A_75 = arith.shrui %get3A_72, %shift_right_logical3A_74 : vector<16xi32>
    %swap3A_76 = arith.constant 32 : index
    %swap3A_77 = tpu.vector_load %arg12[%swap3A_76] {strides = array<i32>} : memref<64xi32, #tpu.memory_space<vmem>>, vector<16xi32>,
    tpu.vector_store %arg12[%swap3A_76], %shift_right_logical3A_75 {strides = array<i32>} : memref<64xi32, #tpu.memory_space<vmem>>, vector<16xi32>,
    %get3A_78 = arith.constant 48 : index
    %get3A_79 = tpu.vector_load %arg8[%get3A_78] {strides = array<i32>} : memref<512xi32, #tpu.memory_space<vmem>>, vector<16xi32>,
    %shift_right_logical3A_80 = arith.constant 2 : i32
    %shift_right_logical3A_81 = vector.broadcast %shift_right_logical3A_80 : i32 to vector<16xi32>
    %shift_right_logical3A_82 = arith.shrui %get3A_79, %shift_right_logical3A_81 : vector<16xi32>
    %swap3A_83 = arith.constant 48 : index
    %swap3A_84 = tpu.vector_load %arg12[%swap3A_83] {strides = array<i32>} : memref<64xi32, #tpu.memory_space<vmem>>, vector<16xi32>,
    tpu.vector_store %arg12[%swap3A_83], %shift_right_logical3A_82 {strides = array<i32>} : memref<64xi32, #tpu.memory_space<vmem>>, vector<16xi32>,
    %dma_start3A_85 = arith.constant 0 : i32
    %dma_start3A_86 = arith.constant 0 : i32
    %dma_start3A_87 = tpu.memref_slice %arg5[%dma_start3A_85, %dma_start3A_86] : memref<25000x128xf32, #tpu.memory_space<hbm>> -> memref<25000x128xf32, #tpu.memory_space<hbm>>
    tpu.enqueue_indirect_dma source(%dma_start3A_87 : memref<25000x128xf32, #tpu.memory_space<hbm>>) target(%arg16 : memref<64x128xf32, #tpu.memory_space<vmem>>) offsets(%arg12 : memref<64xi32, #tpu.memory_space<vmem>>) semaphore(%arg21 : memref<!tpu.dma_semaphore, #tpu.memory_space<semaphore_mem>>)
    %get3A_88 = arith.constant 0 : index
    %get3A_89 = tpu.vector_load %arg9[%get3A_88] {strides = array<i32>} : memref<512xi32, #tpu.memory_space<vmem>>, vector<16xi32>,
    %shift_right_logical3A_90 = arith.constant 2 : i32
    %shift_right_logical3A_91 = vector.broadcast %shift_right_logical3A_90 : i32 to vector<16xi32>
    %shift_right_logical3A_92 = arith.shrui %get3A_89, %shift_right_logical3A_91 : vector<16xi32>
    %swap3A_93 = arith.constant 0 : index
    %swap3A_94 = tpu.vector_load %arg13[%swap3A_93] {strides = array<i32>} : memref<64xi32, #tpu.memory_space<vmem>>, vector<16xi32>,
    tpu.vector_store %arg13[%swap3A_93], %shift_right_logical3A_92 {strides = array<i32>} : memref<64xi32, #tpu.memory_space<vmem>>, vector<16xi32>,
    %get3A_95 = arith.constant 16 : index
    %get3A_96 = tpu.vector_load %arg9[%get3A_95] {strides = array<i32>} : memref<512xi32, #tpu.memory_space<vmem>>, vector<16xi32>,
    %shift_right_logical3A_97 = arith.constant 2 : i32
    %shift_right_logical3A_98 = vector.broadcast %shift_right_logical3A_97 : i32 to vector<16xi32>
    %shift_right_logical3A_99 = arith.shrui %get3A_96, %shift_right_logical3A_98 : vector<16xi32>
    %swap3A_100 = arith.constant 16 : index
    %swap3A_101 = tpu.vector_load %arg13[%swap3A_100] {strides = array<i32>} : memref<64xi32, #tpu.memory_space<vmem>>, vector<16xi32>,
    tpu.vector_store %arg13[%swap3A_100], %shift_right_logical3A_99 {strides = array<i32>} : memref<64xi32, #tpu.memory_space<vmem>>, vector<16xi32>,
    %get3A_102 = arith.constant 32 : index
    %get3A_103 = tpu.vector_load %arg9[%get3A_102] {strides = array<i32>} : memref<512xi32, #tpu.memory_space<vmem>>, vector<16xi32>,
    %shift_right_logical3A_104 = arith.constant 2 : i32
    %shift_right_logical3A_105 = vector.broadcast %shift_right_logical3A_104 : i32 to vector<16xi32>
    %shift_right_logical3A_106 = arith.shrui %get3A_103, %shift_right_logical3A_105 : vector<16xi32>
    %swap3A_107 = arith.constant 32 : index
    %swap3A_108 = tpu.vector_load %arg13[%swap3A_107] {strides = array<i32>} : memref<64xi32, #tpu.memory_space<vmem>>, vector<16xi32>,
    tpu.vector_store %arg13[%swap3A_107], %shift_right_logical3A_106 {strides = array<i32>} : memref<64xi32, #tpu.memory_space<vmem>>, vector<16xi32>,
    %get3A_109 = arith.constant 48 : index
    %get3A_110 = tpu.vector_load %arg9[%get3A_109] {strides = array<i32>} : memref<512xi32, #tpu.memory_space<vmem>>, vector<16xi32>,
    %shift_right_logical3A_111 = arith.constant 2 : i32
    %shift_right_logical3A_112 = vector.broadcast %shift_right_logical3A_111 : i32 to vector<16xi32>
    %shift_right_logical3A_113 = arith.shrui %get3A_110, %shift_right_logical3A_112 : vector<16xi32>
    %swap3A_114 = arith.constant 48 : index
    %swap3A_115 = tpu.vector_load %arg13[%swap3A_114] {strides = array<i32>} : memref<64xi32, #tpu.memory_space<vmem>>, vector<16xi32>,
    tpu.vector_store %arg13[%swap3A_114], %shift_right_logical3A_113 {strides = array<i32>} : memref<64xi32, #tpu.memory_space<vmem>>, vector<16xi32>,
    %dma_start3A_116 = arith.constant 0 : i32
    %dma_start3A_117 = arith.constant 0 : i32
    %dma_start3A_118 = tpu.memref_slice %arg4[%dma_start3A_116, %dma_start3A_117] : memref<25000x128xf32, #tpu.memory_space<hbm>> -> memref<25000x128xf32, #tpu.memory_space<hbm>>
    tpu.enqueue_indirect_dma source(%dma_start3A_118 : memref<25000x128xf32, #tpu.memory_space<hbm>>) target(%arg17 : memref<64x128xf32, #tpu.memory_space<vmem>>) offsets(%arg13 : memref<64xi32, #tpu.memory_space<vmem>>) semaphore(%arg22 : memref<!tpu.dma_semaphore, #tpu.memory_space<semaphore_mem>>)
    %get3A_119 = arith.constant 0 : index
    %get3A_120 = tpu.vector_load %arg10[%get3A_119] {strides = array<i32>} : memref<512xi32, #tpu.memory_space<vmem>>, vector<16xi32>,
    %shift_right_logical3A_121 = arith.constant 2 : i32
    %shift_right_logical3A_122 = vector.broadcast %shift_right_logical3A_121 : i32 to vector<16xi32>
    %shift_right_logical3A_123 = arith.shrui %get3A_120, %shift_right_logical3A_122 : vector<16xi32>
    %swap3A_124 = arith.constant 0 : index
    %swap3A_125 = tpu.vector_load %arg14[%swap3A_124] {strides = array<i32>} : memref<64xi32, #tpu.memory_space<vmem>>, vector<16xi32>,
    tpu.vector_store %arg14[%swap3A_124], %shift_right_logical3A_123 {strides = array<i32>} : memref<64xi32, #tpu.memory_space<vmem>>, vector<16xi32>,
    %get3A_126 = arith.constant 16 : index
    %get3A_127 = tpu.vector_load %arg10[%get3A_126] {strides = array<i32>} : memref<512xi32, #tpu.memory_space<vmem>>, vector<16xi32>,
    %shift_right_logical3A_128 = arith.constant 2 : i32
    %shift_right_logical3A_129 = vector.broadcast %shift_right_logical3A_128 : i32 to vector<16xi32>
    %shift_right_logical3A_130 = arith.shrui %get3A_127, %shift_right_logical3A_129 : vector<16xi32>
    %swap3A_131 = arith.constant 16 : index
    %swap3A_132 = tpu.vector_load %arg14[%swap3A_131] {strides = array<i32>} : memref<64xi32, #tpu.memory_space<vmem>>, vector<16xi32>,
    tpu.vector_store %arg14[%swap3A_131], %shift_right_logical3A_130 {strides = array<i32>} : memref<64xi32, #tpu.memory_space<vmem>>, vector<16xi32>,
    %get3A_133 = arith.constant 32 : index
    %get3A_134 = tpu.vector_load %arg10[%get3A_133] {strides = array<i32>} : memref<512xi32, #tpu.memory_space<vmem>>, vector<16xi32>,
    %shift_right_logical3A_135 = arith.constant 2 : i32
    %shift_right_logical3A_136 = vector.broadcast %shift_right_logical3A_135 : i32 to vector<16xi32>
    %shift_right_logical3A_137 = arith.shrui %get3A_134, %shift_right_logical3A_136 : vector<16xi32>
    %swap3A_138 = arith.constant 32 : index
    %swap3A_139 = tpu.vector_load %arg14[%swap3A_138] {strides = array<i32>} : memref<64xi32, #tpu.memory_space<vmem>>, vector<16xi32>,
    tpu.vector_store %arg14[%swap3A_138], %shift_right_logical3A_137 {strides = array<i32>} : memref<64xi32, #tpu.memory_space<vmem>>, vector<16xi32>,
    %get3A_140 = arith.constant 48 : index
    %get3A_141 = tpu.vector_load %arg10[%get3A_140] {strides = array<i32>} : memref<512xi32, #tpu.memory_space<vmem>>, vector<16xi32>,
    %shift_right_logical3A_142 = arith.constant 2 : i32
    %shift_right_logical3A_143 = vector.broadcast %shift_right_logical3A_142 : i32 to vector<16xi32>
    %shift_right_logical3A_144 = arith.shrui %get3A_141, %shift_right_logical3A_143 : vector<16xi32>
    %swap3A_145 = arith.constant 48 : index
    %swap3A_146 = tpu.vector_load %arg14[%swap3A_145] {strides = array<i32>} : memref<64xi32, #tpu.memory_space<vmem>>, vector<16xi32>,
    tpu.vector_store %arg14[%swap3A_145], %shift_right_logical3A_144 {strides = array<i32>} : memref<64xi32, #tpu.memory_space<vmem>>, vector<16xi32>,
    %dma_start3A_147 = arith.constant 0 : i32
    %dma_start3A_148 = arith.constant 0 : i32
    %dma_start3A_149 = tpu.memref_slice %arg5[%dma_start3A_147, %dma_start3A_148] : memref<25000x128xf32, #tpu.memory_space<hbm>> -> memref<25000x128xf32, #tpu.memory_space<hbm>>
    tpu.enqueue_indirect_dma source(%dma_start3A_149 : memref<25000x128xf32, #tpu.memory_space<hbm>>) target(%arg18 : memref<64x128xf32, #tpu.memory_space<vmem>>) offsets(%arg14 : memref<64xi32, #tpu.memory_space<vmem>>) semaphore(%arg23 : memref<!tpu.dma_semaphore, #tpu.memory_space<semaphore_mem>>)
    %scan3A = arith.constant 0 : i32
    %scan3A_150 = arith.constant 8 : i32
    %scan3A_151 = arith.addi %scan3A, %scan3A_150 : i32
    %scan3A_152 = arith.constant 1 : i32
    scf.for %scan3A_158 = %scan3A to %scan3A_151 step %scan3A_152  : i32 {
      %dma_wait3A_159 = arith.constant 0 : i32
      %dma_wait3A_160 = arith.constant 0 : i32
      %dma_wait3A_161 = tpu.memref_slice %arg4[%dma_wait3A_159, %dma_wait3A_160] : memref<25000x128xf32, #tpu.memory_space<hbm>> -> memref<25000x128xf32, #tpu.memory_space<hbm>>
      tpu.wait_indirect_dma semaphore(%arg20 : memref<!tpu.dma_semaphore, #tpu.memory_space<semaphore_mem>>) src(%dma_wait3A_161 : memref<25000x128xf32, #tpu.memory_space<hbm>>) dst(%arg15 : memref<64x128xf32, #tpu.memory_space<vmem>>)
      %scan3A_162 = arith.constant 0 : i32
      %scan3A_163 = arith.constant 4 : i32
      %scan3A_164 = arith.addi %scan3A_162, %scan3A_163 : i32
      %scan3A_165 = arith.constant 1 : i32
      scf.for %scan3A_216 = %scan3A_162 to %scan3A_164 step %scan3A_165  : i32 {
        %mul3A_217 = arith.constant 64 : i32
        %mul3A_218 = arith.muli %scan3A_158, %mul3A_217 : i32
        %mul3A_219 = arith.constant 16 : i32
        %mul3A_220 = arith.muli %scan3A_216, %mul3A_219 : i32
        %add3A_221 = arith.addi %mul3A_218, %mul3A_220 : i32
        %get3A_222 = arith.index_cast %add3A_221 : i32 to index
        %get3A_223 = tpu.vector_load %arg7[%get3A_222] {strides = array<i32>} : memref<512xi32, #tpu.memory_space<vmem>>, vector<16xi32>,
        %and3A = arith.constant 3 : i32
        %and3A_224 = vector.broadcast %and3A : i32 to vector<16xi32>
        %and3A_225 = arith.andi %get3A_223, %and3A_224 : vector<16xi32>
        %mul3A_226 = arith.constant 32 : i32
        %mul3A_227 = vector.broadcast %mul3A_226 : i32 to vector<16xi32>
        %mul3A_228 = arith.muli %and3A_225, %mul3A_227 : vector<16xi32>
        %iota3A = tpu.iota {dimensions = array<i32: 0>} : vector<16xi32>
        %mul3A_229 = arith.constant 16 : i32
        %mul3A_230 = arith.muli %scan3A_216, %mul3A_229 : i32
        %add3A_231 = vector.broadcast %mul3A_230 : i32 to vector<16xi32>
        %add3A_232 = arith.addi %iota3A, %add3A_231 : vector<16xi32>
        %add3A_233 = arith.constant 0 : i32
        %add3A_234 = vector.broadcast %add3A_233 : i32 to vector<16xi32>
        %add3A_235 = arith.addi %mul3A_228, %add3A_234 : vector<16xi32>
        %gather3A = tpu.vector_load_idx %arg15[%add3A_232, %add3A_235] : memref<64x128xf32, #tpu.memory_space<vmem>>[vector<16xi32>, vector<16xi32>], vector<16xf32>,
        %swap3A_236 = arith.constant 0 : i32
        %swap3A_237 = arith.index_cast %swap3A_236 : i32 to index
        %swap3A_238 = arith.index_cast %add3A_221 : i32 to index
        %swap3A_239 = tpu.vector_load %arg19[%swap3A_237, %swap3A_238] {strides = array<i32>} : memref<128x512xf32, #tpu.memory_space<vmem>>, vector<16xf32>,
        tpu.vector_store %arg19[%swap3A_237, %swap3A_238], %gather3A {strides = array<i32>} : memref<128x512xf32, #tpu.memory_space<vmem>>, vector<16xf32>,
        %add3A_240 = arith.constant 1 : i32
        %add3A_241 = vector.broadcast %add3A_240 : i32 to vector<16xi32>
        %add3A_242 = arith.addi %mul3A_228, %add3A_241 : vector<16xi32>
        %gather3A_243 = tpu.vector_load_idx %arg15[%add3A_232, %add3A_242] : memref<64x128xf32, #tpu.memory_space<vmem>>[vector<16xi32>, vector<16xi32>], vector<16xf32>,
        %swap3A_244 = arith.constant 1 : i32
        %swap3A_245 = arith.index_cast %swap3A_244 : i32 to index
        %swap3A_246 = arith.index_cast %add3A_221 : i32 to index
        %swap3A_247 = tpu.vector_load %arg19[%swap3A_245, %swap3A_246] {strides = array<i32>} : memref<128x512xf32, #tpu.memory_space<vmem>>, vector<16xf32>,
        tpu.vector_store %arg19[%swap3A_245, %swap3A_246], %gather3A_243 {strides = array<i32>} : memref<128x512xf32, #tpu.memory_space<vmem>>, vector<16xf32>,
        %add3A_248 = arith.constant 2 : i32
        %add3A_249 = vector.broadcast %add3A_248 : i32 to vector<16xi32>
        %add3A_250 = arith.addi %mul3A_228, %add3A_249 : vector<16xi32>
        %gather3A_251 = tpu.vector_load_idx %arg15[%add3A_232, %add3A_250] : memref<64x128xf32, #tpu.memory_space<vmem>>[vector<16xi32>, vector<16xi32>], vector<16xf32>,
        %swap3A_252 = arith.constant 2 : i32
        %swap3A_253 = arith.index_cast %swap3A_252 : i32 to index
        %swap3A_254 = arith.index_cast %add3A_221 : i32 to index
        %swap3A_255 = tpu.vector_load %arg19[%swap3A_253, %swap3A_254] {strides = array<i32>} : memref<128x512xf32, #tpu.memory_space<vmem>>, vector<16xf32>,
        tpu.vector_store %arg19[%swap3A_253, %swap3A_254], %gather3A_251 {strides = array<i32>} : memref<128x512xf32, #tpu.memory_space<vmem>>, vector<16xf32>,
        %add3A_256 = arith.constant 3 : i32
        %add3A_257 = vector.broadcast %add3A_256 : i32 to vector<16xi32>
        %add3A_258 = arith.addi %mul3A_228, %add3A_257 : vector<16xi32>
        %gather3A_259 = tpu.vector_load_idx %arg15[%add3A_232, %add3A_258] : memref<64x128xf32, #tpu.memory_space<vmem>>[vector<16xi32>, vector<16xi32>], vector<16xf32>,
        %swap3A_260 = arith.constant 3 : i32
        %swap3A_261 = arith.index_cast %swap3A_260 : i32 to index
        %swap3A_262 = arith.index_cast %add3A_221 : i32 to index
        %swap3A_263 = tpu.vector_load %arg19[%swap3A_261, %swap3A_262] {strides = array<i32>} : memref<128x512xf32, #tpu.memory_space<vmem>>, vector<16xf32>,
        tpu.vector_store %arg19[%swap3A_261, %swap3A_262], %gather3A_259 {strides = array<i32>} : memref<128x512xf32, #tpu.memory_space<vmem>>, vector<16xf32>,
        %add3A_264 = arith.constant 4 : i32
        %add3A_265 = vector.broadcast %add3A_264 : i32 to vector<16xi32>
        %add3A_266 = arith.addi %mul3A_228, %add3A_265 : vector<16xi32>
        %gather3A_267 = tpu.vector_load_idx %arg15[%add3A_232, %add3A_266] : memref<64x128xf32, #tpu.memory_space<vmem>>[vector<16xi32>, vector<16xi32>], vector<16xf32>,
        %swap3A_268 = arith.constant 4 : i32
        %swap3A_269 = arith.index_cast %swap3A_268 : i32 to index
        %swap3A_270 = arith.index_cast %add3A_221 : i32 to index
        %swap3A_271 = tpu.vector_load %arg19[%swap3A_269, %swap3A_270] {strides = array<i32>} : memref<128x512xf32, #tpu.memory_space<vmem>>, vector<16xf32>,
        tpu.vector_store %arg19[%swap3A_269, %swap3A_270], %gather3A_267 {strides = array<i32>} : memref<128x512xf32, #tpu.memory_space<vmem>>, vector<16xf32>,
        %add3A_272 = arith.constant 5 : i32
        %add3A_273 = vector.broadcast %add3A_272 : i32 to vector<16xi32>
        %add3A_274 = arith.addi %mul3A_228, %add3A_273 : vector<16xi32>
        %gather3A_275 = tpu.vector_load_idx %arg15[%add3A_232, %add3A_274] : memref<64x128xf32, #tpu.memory_space<vmem>>[vector<16xi32>, vector<16xi32>], vector<16xf32>,
        %swap3A_276 = arith.constant 5 : i32
        %swap3A_277 = arith.index_cast %swap3A_276 : i32 to index
        %swap3A_278 = arith.index_cast %add3A_221 : i32 to index
        %swap3A_279 = tpu.vector_load %arg19[%swap3A_277, %swap3A_278] {strides = array<i32>} : memref<128x512xf32, #tpu.memory_space<vmem>>, vector<16xf32>,
        tpu.vector_store %arg19[%swap3A_277, %swap3A_278], %gather3A_275 {strides = array<i32>} : memref<128x512xf32, #tpu.memory_space<vmem>>, vector<16xf32>,
        %add3A_280 = arith.constant 6 : i32
        %add3A_281 = vector.broadcast %add3A_280 : i32 to vector<16xi32>
        %add3A_282 = arith.addi %mul3A_228, %add3A_281 : vector<16xi32>
        %gather3A_283 = tpu.vector_load_idx %arg15[%add3A_232, %add3A_282] : memref<64x128xf32, #tpu.memory_space<vmem>>[vector<16xi32>, vector<16xi32>], vector<16xf32>,
        %swap3A_284 = arith.constant 6 : i32
        %swap3A_285 = arith.index_cast %swap3A_284 : i32 to index
        %swap3A_286 = arith.index_cast %add3A_221 : i32 to index
        %swap3A_287 = tpu.vector_load %arg19[%swap3A_285, %swap3A_286] {strides = array<i32>} : memref<128x512xf32, #tpu.memory_space<vmem>>, vector<16xf32>,
        tpu.vector_store %arg19[%swap3A_285, %swap3A_286], %gather3A_283 {strides = array<i32>} : memref<128x512xf32, #tpu.memory_space<vmem>>, vector<16xf32>,
        %add3A_288 = arith.constant 7 : i32
        %add3A_289 = vector.broadcast %add3A_288 : i32 to vector<16xi32>
        %add3A_290 = arith.addi %mul3A_228, %add3A_289 : vector<16xi32>
        %gather3A_291 = tpu.vector_load_idx %arg15[%add3A_232, %add3A_290] : memref<64x128xf32, #tpu.memory_space<vmem>>[vector<16xi32>, vector<16xi32>], vector<16xf32>,
        %swap3A_292 = arith.constant 7 : i32
        %swap3A_293 = arith.index_cast %swap3A_292 : i32 to index
        %swap3A_294 = arith.index_cast %add3A_221 : i32 to index
        %swap3A_295 = tpu.vector_load %arg19[%swap3A_293, %swap3A_294] {strides = array<i32>} : memref<128x512xf32, #tpu.memory_space<vmem>>, vector<16xf32>,
        tpu.vector_store %arg19[%swap3A_293, %swap3A_294], %gather3A_291 {strides = array<i32>} : memref<128x512xf32, #tpu.memory_space<vmem>>, vector<16xf32>,
        %add3A_296 = arith.constant 8 : i32
        %add3A_297 = vector.broadcast %add3A_296 : i32 to vector<16xi32>
        %add3A_298 = arith.addi %mul3A_228, %add3A_297 : vector<16xi32>
        %gather3A_299 = tpu.vector_load_idx %arg15[%add3A_232, %add3A_298] : memref<64x128xf32, #tpu.memory_space<vmem>>[vector<16xi32>, vector<16xi32>], vector<16xf32>,
        %swap3A_300 = arith.constant 8 : i32
        %swap3A_301 = arith.index_cast %swap3A_300 : i32 to index
        %swap3A_302 = arith.index_cast %add3A_221 : i32 to index
        %swap3A_303 = tpu.vector_load %arg19[%swap3A_301, %swap3A_302] {strides = array<i32>} : memref<128x512xf32, #tpu.memory_space<vmem>>, vector<16xf32>,
        tpu.vector_store %arg19[%swap3A_301, %swap3A_302], %gather3A_299 {strides = array<i32>} : memref<128x512xf32, #tpu.memory_space<vmem>>, vector<16xf32>,
        %add3A_304 = arith.constant 9 : i32
        %add3A_305 = vector.broadcast %add3A_304 : i32 to vector<16xi32>
        %add3A_306 = arith.addi %mul3A_228, %add3A_305 : vector<16xi32>
        %gather3A_307 = tpu.vector_load_idx %arg15[%add3A_232, %add3A_306] : memref<64x128xf32, #tpu.memory_space<vmem>>[vector<16xi32>, vector<16xi32>], vector<16xf32>,
        %swap3A_308 = arith.constant 9 : i32
        %swap3A_309 = arith.index_cast %swap3A_308 : i32 to index
        %swap3A_310 = arith.index_cast %add3A_221 : i32 to index
        %swap3A_311 = tpu.vector_load %arg19[%swap3A_309, %swap3A_310] {strides = array<i32>} : memref<128x512xf32, #tpu.memory_space<vmem>>, vector<16xf32>,
        tpu.vector_store %arg19[%swap3A_309, %swap3A_310], %gather3A_307 {strides = array<i32>} : memref<128x512xf32, #tpu.memory_space<vmem>>, vector<16xf32>,
        %add3A_312 = arith.constant 10 : i32
        %add3A_313 = vector.broadcast %add3A_312 : i32 to vector<16xi32>
        %add3A_314 = arith.addi %mul3A_228, %add3A_313 : vector<16xi32>
        %gather3A_315 = tpu.vector_load_idx %arg15[%add3A_232, %add3A_314] : memref<64x128xf32, #tpu.memory_space<vmem>>[vector<16xi32>, vector<16xi32>], vector<16xf32>,
        %swap3A_316 = arith.constant 10 : i32
        %swap3A_317 = arith.index_cast %swap3A_316 : i32 to index
        %swap3A_318 = arith.index_cast %add3A_221 : i32 to index
        %swap3A_319 = tpu.vector_load %arg19[%swap3A_317, %swap3A_318] {strides = array<i32>} : memref<128x512xf32, #tpu.memory_space<vmem>>, vector<16xf32>,
        tpu.vector_store %arg19[%swap3A_317, %swap3A_318], %gather3A_315 {strides = array<i32>} : memref<128x512xf32, #tpu.memory_space<vmem>>, vector<16xf32>,
        %add3A_320 = arith.constant 11 : i32
        %add3A_321 = vector.broadcast %add3A_320 : i32 to vector<16xi32>
        %add3A_322 = arith.addi %mul3A_228, %add3A_321 : vector<16xi32>
        %gather3A_323 = tpu.vector_load_idx %arg15[%add3A_232, %add3A_322] : memref<64x128xf32, #tpu.memory_space<vmem>>[vector<16xi32>, vector<16xi32>], vector<16xf32>,
        %swap3A_324 = arith.constant 11 : i32
        %swap3A_325 = arith.index_cast %swap3A_324 : i32 to index
        %swap3A_326 = arith.index_cast %add3A_221 : i32 to index
        %swap3A_327 = tpu.vector_load %arg19[%swap3A_325, %swap3A_326] {strides = array<i32>} : memref<128x512xf32, #tpu.memory_space<vmem>>, vector<16xf32>,
        tpu.vector_store %arg19[%swap3A_325, %swap3A_326], %gather3A_323 {strides = array<i32>} : memref<128x512xf32, #tpu.memory_space<vmem>>, vector<16xf32>,
        %add3A_328 = arith.constant 12 : i32
        %add3A_329 = vector.broadcast %add3A_328 : i32 to vector<16xi32>
        %add3A_330 = arith.addi %mul3A_228, %add3A_329 : vector<16xi32>
        %gather3A_331 = tpu.vector_load_idx %arg15[%add3A_232, %add3A_330] : memref<64x128xf32, #tpu.memory_space<vmem>>[vector<16xi32>, vector<16xi32>], vector<16xf32>,
        %swap3A_332 = arith.constant 12 : i32
        %swap3A_333 = arith.index_cast %swap3A_332 : i32 to index
        %swap3A_334 = arith.index_cast %add3A_221 : i32 to index
        %swap3A_335 = tpu.vector_load %arg19[%swap3A_333, %swap3A_334] {strides = array<i32>} : memref<128x512xf32, #tpu.memory_space<vmem>>, vector<16xf32>,
        tpu.vector_store %arg19[%swap3A_333, %swap3A_334], %gather3A_331 {strides = array<i32>} : memref<128x512xf32, #tpu.memory_space<vmem>>, vector<16xf32>,
        %add3A_336 = arith.constant 13 : i32
        %add3A_337 = vector.broadcast %add3A_336 : i32 to vector<16xi32>
        %add3A_338 = arith.addi %mul3A_228, %add3A_337 : vector<16xi32>
        %gather3A_339 = tpu.vector_load_idx %arg15[%add3A_232, %add3A_338] : memref<64x128xf32, #tpu.memory_space<vmem>>[vector<16xi32>, vector<16xi32>], vector<16xf32>,
        %swap3A_340 = arith.constant 13 : i32
        %swap3A_341 = arith.index_cast %swap3A_340 : i32 to index
        %swap3A_342 = arith.index_cast %add3A_221 : i32 to index
        %swap3A_343 = tpu.vector_load %arg19[%swap3A_341, %swap3A_342] {strides = array<i32>} : memref<128x512xf32, #tpu.memory_space<vmem>>, vector<16xf32>,
        tpu.vector_store %arg19[%swap3A_341, %swap3A_342], %gather3A_339 {strides = array<i32>} : memref<128x512xf32, #tpu.memory_space<vmem>>, vector<16xf32>,
        %add3A_344 = arith.constant 14 : i32
        %add3A_345 = vector.broadcast %add3A_344 : i32 to vector<16xi32>
        %add3A_346 = arith.addi %mul3A_228, %add3A_345 : vector<16xi32>
        %gather3A_347 = tpu.vector_load_idx %arg15[%add3A_232, %add3A_346] : memref<64x128xf32, #tpu.memory_space<vmem>>[vector<16xi32>, vector<16xi32>], vector<16xf32>,
        %swap3A_348 = arith.constant 14 : i32
        %swap3A_349 = arith.index_cast %swap3A_348 : i32 to index
        %swap3A_350 = arith.index_cast %add3A_221 : i32 to index
        %swap3A_351 = tpu.vector_load %arg19[%swap3A_349, %swap3A_350] {strides = array<i32>} : memref<128x512xf32, #tpu.memory_space<vmem>>, vector<16xf32>,
        tpu.vector_store %arg19[%swap3A_349, %swap3A_350], %gather3A_347 {strides = array<i32>} : memref<128x512xf32, #tpu.memory_space<vmem>>, vector<16xf32>,
        %add3A_352 = arith.constant 15 : i32
        %add3A_353 = vector.broadcast %add3A_352 : i32 to vector<16xi32>
        %add3A_354 = arith.addi %mul3A_228, %add3A_353 : vector<16xi32>
        %gather3A_355 = tpu.vector_load_idx %arg15[%add3A_232, %add3A_354] : memref<64x128xf32, #tpu.memory_space<vmem>>[vector<16xi32>, vector<16xi32>], vector<16xf32>,
        %swap3A_356 = arith.constant 15 : i32
        %swap3A_357 = arith.index_cast %swap3A_356 : i32 to index
        %swap3A_358 = arith.index_cast %add3A_221 : i32 to index
        %swap3A_359 = tpu.vector_load %arg19[%swap3A_357, %swap3A_358] {strides = array<i32>} : memref<128x512xf32, #tpu.memory_space<vmem>>, vector<16xf32>,
        tpu.vector_store %arg19[%swap3A_357, %swap3A_358], %gather3A_355 {strides = array<i32>} : memref<128x512xf32, #tpu.memory_space<vmem>>, vector<16xf32>,
        %add3A_360 = arith.constant 16 : i32
        %add3A_361 = vector.broadcast %add3A_360 : i32 to vector<16xi32>
        %add3A_362 = arith.addi %mul3A_228, %add3A_361 : vector<16xi32>
        %gather3A_363 = tpu.vector_load_idx %arg15[%add3A_232, %add3A_362] : memref<64x128xf32, #tpu.memory_space<vmem>>[vector<16xi32>, vector<16xi32>], vector<16xf32>,
        %swap3A_364 = arith.constant 16 : i32
        %swap3A_365 = arith.index_cast %swap3A_364 : i32 to index
        %swap3A_366 = arith.index_cast %add3A_221 : i32 to index
        %swap3A_367 = tpu.vector_load %arg19[%swap3A_365, %swap3A_366] {strides = array<i32>} : memref<128x512xf32, #tpu.memory_space<vmem>>, vector<16xf32>,
        tpu.vector_store %arg19[%swap3A_365, %swap3A_366], %gather3A_363 {strides = array<i32>} : memref<128x512xf32, #tpu.memory_space<vmem>>, vector<16xf32>,
        %add3A_368 = arith.constant 17 : i32
        %add3A_369 = vector.broadcast %add3A_368 : i32 to vector<16xi32>
        %add3A_370 = arith.addi %mul3A_228, %add3A_369 : vector<16xi32>
        %gather3A_371 = tpu.vector_load_idx %arg15[%add3A_232, %add3A_370] : memref<64x128xf32, #tpu.memory_space<vmem>>[vector<16xi32>, vector<16xi32>], vector<16xf32>,
        %swap3A_372 = arith.constant 17 : i32
        %swap3A_373 = arith.index_cast %swap3A_372 : i32 to index
        %swap3A_374 = arith.index_cast %add3A_221 : i32 to index
        %swap3A_375 = tpu.vector_load %arg19[%swap3A_373, %swap3A_374] {strides = array<i32>} : memref<128x512xf32, #tpu.memory_space<vmem>>, vector<16xf32>,
        tpu.vector_store %arg19[%swap3A_373, %swap3A_374], %gather3A_371 {strides = array<i32>} : memref<128x512xf32, #tpu.memory_space<vmem>>, vector<16xf32>,
        %add3A_376 = arith.constant 18 : i32
        %add3A_377 = vector.broadcast %add3A_376 : i32 to vector<16xi32>
        %add3A_378 = arith.addi %mul3A_228, %add3A_377 : vector<16xi32>
        %gather3A_379 = tpu.vector_load_idx %arg15[%add3A_232, %add3A_378] : memref<64x128xf32, #tpu.memory_space<vmem>>[vector<16xi32>, vector<16xi32>], vector<16xf32>,
        %swap3A_380 = arith.constant 18 : i32
        %swap3A_381 = arith.index_cast %swap3A_380 : i32 to index
        %swap3A_382 = arith.index_cast %add3A_221 : i32 to index
        %swap3A_383 = tpu.vector_load %arg19[%swap3A_381, %swap3A_382] {strides = array<i32>} : memref<128x512xf32, #tpu.memory_space<vmem>>, vector<16xf32>,
        tpu.vector_store %arg19[%swap3A_381, %swap3A_382], %gather3A_379 {strides = array<i32>} : memref<128x512xf32, #tpu.memory_space<vmem>>, vector<16xf32>,
        %add3A_384 = arith.constant 19 : i32
        %add3A_385 = vector.broadcast %add3A_384 : i32 to vector<16xi32>
        %add3A_386 = arith.addi %mul3A_228, %add3A_385 : vector<16xi32>
        %gather3A_387 = tpu.vector_load_idx %arg15[%add3A_232, %add3A_386] : memref<64x128xf32, #tpu.memory_space<vmem>>[vector<16xi32>, vector<16xi32>], vector<16xf32>,
        %swap3A_388 = arith.constant 19 : i32
        %swap3A_389 = arith.index_cast %swap3A_388 : i32 to index
        %swap3A_390 = arith.index_cast %add3A_221 : i32 to index
        %swap3A_391 = tpu.vector_load %arg19[%swap3A_389, %swap3A_390] {strides = array<i32>} : memref<128x512xf32, #tpu.memory_space<vmem>>, vector<16xf32>,
        tpu.vector_store %arg19[%swap3A_389, %swap3A_390], %gather3A_387 {strides = array<i32>} : memref<128x512xf32, #tpu.memory_space<vmem>>, vector<16xf32>,
        %add3A_392 = arith.constant 20 : i32
        %add3A_393 = vector.broadcast %add3A_392 : i32 to vector<16xi32>
        %add3A_394 = arith.addi %mul3A_228, %add3A_393 : vector<16xi32>
        %gather3A_395 = tpu.vector_load_idx %arg15[%add3A_232, %add3A_394] : memref<64x128xf32, #tpu.memory_space<vmem>>[vector<16xi32>, vector<16xi32>], vector<16xf32>,
        %swap3A_396 = arith.constant 20 : i32
        %swap3A_397 = arith.index_cast %swap3A_396 : i32 to index
        %swap3A_398 = arith.index_cast %add3A_221 : i32 to index
        %swap3A_399 = tpu.vector_load %arg19[%swap3A_397, %swap3A_398] {strides = array<i32>} : memref<128x512xf32, #tpu.memory_space<vmem>>, vector<16xf32>,
        tpu.vector_store %arg19[%swap3A_397, %swap3A_398], %gather3A_395 {strides = array<i32>} : memref<128x512xf32, #tpu.memory_space<vmem>>, vector<16xf32>,
        %add3A_400 = arith.constant 21 : i32
        %add3A_401 = vector.broadcast %add3A_400 : i32 to vector<16xi32>
        %add3A_402 = arith.addi %mul3A_228, %add3A_401 : vector<16xi32>
        %gather3A_403 = tpu.vector_load_idx %arg15[%add3A_232, %add3A_402] : memref<64x128xf32, #tpu.memory_space<vmem>>[vector<16xi32>, vector<16xi32>], vector<16xf32>,
        %swap3A_404 = arith.constant 21 : i32
        %swap3A_405 = arith.index_cast %swap3A_404 : i32 to index
        %swap3A_406 = arith.index_cast %add3A_221 : i32 to index
        %swap3A_407 = tpu.vector_load %arg19[%swap3A_405, %swap3A_406] {strides = array<i32>} : memref<128x512xf32, #tpu.memory_space<vmem>>, vector<16xf32>,
        tpu.vector_store %arg19[%swap3A_405, %swap3A_406], %gather3A_403 {strides = array<i32>} : memref<128x512xf32, #tpu.memory_space<vmem>>, vector<16xf32>,
        %add3A_408 = arith.constant 22 : i32
        %add3A_409 = vector.broadcast %add3A_408 : i32 to vector<16xi32>
        %add3A_410 = arith.addi %mul3A_228, %add3A_409 : vector<16xi32>
        %gather3A_411 = tpu.vector_load_idx %arg15[%add3A_232, %add3A_410] : memref<64x128xf32, #tpu.memory_space<vmem>>[vector<16xi32>, vector<16xi32>], vector<16xf32>,
        %swap3A_412 = arith.constant 22 : i32
        %swap3A_413 = arith.index_cast %swap3A_412 : i32 to index
        %swap3A_414 = arith.index_cast %add3A_221 : i32 to index
        %swap3A_415 = tpu.vector_load %arg19[%swap3A_413, %swap3A_414] {strides = array<i32>} : memref<128x512xf32, #tpu.memory_space<vmem>>, vector<16xf32>,
        tpu.vector_store %arg19[%swap3A_413, %swap3A_414], %gather3A_411 {strides = array<i32>} : memref<128x512xf32, #tpu.memory_space<vmem>>, vector<16xf32>,
        %add3A_416 = arith.constant 23 : i32
        %add3A_417 = vector.broadcast %add3A_416 : i32 to vector<16xi32>
        %add3A_418 = arith.addi %mul3A_228, %add3A_417 : vector<16xi32>
        %gather3A_419 = tpu.vector_load_idx %arg15[%add3A_232, %add3A_418] : memref<64x128xf32, #tpu.memory_space<vmem>>[vector<16xi32>, vector<16xi32>], vector<16xf32>,
        %swap3A_420 = arith.constant 23 : i32
        %swap3A_421 = arith.index_cast %swap3A_420 : i32 to index
        %swap3A_422 = arith.index_cast %add3A_221 : i32 to index
        %swap3A_423 = tpu.vector_load %arg19[%swap3A_421, %swap3A_422] {strides = array<i32>} : memref<128x512xf32, #tpu.memory_space<vmem>>, vector<16xf32>,
        tpu.vector_store %arg19[%swap3A_421, %swap3A_422], %gather3A_419 {strides = array<i32>} : memref<128x512xf32, #tpu.memory_space<vmem>>, vector<16xf32>,
        %add3A_424 = arith.constant 24 : i32
        %add3A_425 = vector.broadcast %add3A_424 : i32 to vector<16xi32>
        %add3A_426 = arith.addi %mul3A_228, %add3A_425 : vector<16xi32>
        %gather3A_427 = tpu.vector_load_idx %arg15[%add3A_232, %add3A_426] : memref<64x128xf32, #tpu.memory_space<vmem>>[vector<16xi32>, vector<16xi32>], vector<16xf32>,
        %swap3A_428 = arith.constant 24 : i32
        %swap3A_429 = arith.index_cast %swap3A_428 : i32 to index
        %swap3A_430 = arith.index_cast %add3A_221 : i32 to index
        %swap3A_431 = tpu.vector_load %arg19[%swap3A_429, %swap3A_430] {strides = array<i32>} : memref<128x512xf32, #tpu.memory_space<vmem>>, vector<16xf32>,
        tpu.vector_store %arg19[%swap3A_429, %swap3A_430], %gather3A_427 {strides = array<i32>} : memref<128x512xf32, #tpu.memory_space<vmem>>, vector<16xf32>,
        %add3A_432 = arith.constant 25 : i32
        %add3A_433 = vector.broadcast %add3A_432 : i32 to vector<16xi32>
        %add3A_434 = arith.addi %mul3A_228, %add3A_433 : vector<16xi32>
        %gather3A_435 = tpu.vector_load_idx %arg15[%add3A_232, %add3A_434] : memref<64x128xf32, #tpu.memory_space<vmem>>[vector<16xi32>, vector<16xi32>], vector<16xf32>,
        %swap3A_436 = arith.constant 25 : i32
        %swap3A_437 = arith.index_cast %swap3A_436 : i32 to index
        %swap3A_438 = arith.index_cast %add3A_221 : i32 to index
        %swap3A_439 = tpu.vector_load %arg19[%swap3A_437, %swap3A_438] {strides = array<i32>} : memref<128x512xf32, #tpu.memory_space<vmem>>, vector<16xf32>,
        tpu.vector_store %arg19[%swap3A_437, %swap3A_438], %gather3A_435 {strides = array<i32>} : memref<128x512xf32, #tpu.memory_space<vmem>>, vector<16xf32>,
        %add3A_440 = arith.constant 26 : i32
        %add3A_441 = vector.broadcast %add3A_440 : i32 to vector<16xi32>
        %add3A_442 = arith.addi %mul3A_228, %add3A_441 : vector<16xi32>
        %gather3A_443 = tpu.vector_load_idx %arg15[%add3A_232, %add3A_442] : memref<64x128xf32, #tpu.memory_space<vmem>>[vector<16xi32>, vector<16xi32>], vector<16xf32>,
        %swap3A_444 = arith.constant 26 : i32
        %swap3A_445 = arith.index_cast %swap3A_444 : i32 to index
        %swap3A_446 = arith.index_cast %add3A_221 : i32 to index
        %swap3A_447 = tpu.vector_load %arg19[%swap3A_445, %swap3A_446] {strides = array<i32>} : memref<128x512xf32, #tpu.memory_space<vmem>>, vector<16xf32>,
        tpu.vector_store %arg19[%swap3A_445, %swap3A_446], %gather3A_443 {strides = array<i32>} : memref<128x512xf32, #tpu.memory_space<vmem>>, vector<16xf32>,
        %add3A_448 = arith.constant 27 : i32
        %add3A_449 = vector.broadcast %add3A_448 : i32 to vector<16xi32>
        %add3A_450 = arith.addi %mul3A_228, %add3A_449 : vector<16xi32>
        %gather3A_451 = tpu.vector_load_idx %arg15[%add3A_232, %add3A_450] : memref<64x128xf32, #tpu.memory_space<vmem>>[vector<16xi32>, vector<16xi32>], vector<16xf32>,
        %swap3A_452 = arith.constant 27 : i32
        %swap3A_453 = arith.index_cast %swap3A_452 : i32 to index
        %swap3A_454 = arith.index_cast %add3A_221 : i32 to index
        %swap3A_455 = tpu.vector_load %arg19[%swap3A_453, %swap3A_454] {strides = array<i32>} : memref<128x512xf32, #tpu.memory_space<vmem>>, vector<16xf32>,
        tpu.vector_store %arg19[%swap3A_453, %swap3A_454], %gather3A_451 {strides = array<i32>} : memref<128x512xf32, #tpu.memory_space<vmem>>, vector<16xf32>,
        %add3A_456 = arith.constant 28 : i32
        %add3A_457 = vector.broadcast %add3A_456 : i32 to vector<16xi32>
        %add3A_458 = arith.addi %mul3A_228, %add3A_457 : vector<16xi32>
        %gather3A_459 = tpu.vector_load_idx %arg15[%add3A_232, %add3A_458] : memref<64x128xf32, #tpu.memory_space<vmem>>[vector<16xi32>, vector<16xi32>], vector<16xf32>,
        %swap3A_460 = arith.constant 28 : i32
        %swap3A_461 = arith.index_cast %swap3A_460 : i32 to index
        %swap3A_462 = arith.index_cast %add3A_221 : i32 to index
        %swap3A_463 = tpu.vector_load %arg19[%swap3A_461, %swap3A_462] {strides = array<i32>} : memref<128x512xf32, #tpu.memory_space<vmem>>, vector<16xf32>,
        tpu.vector_store %arg19[%swap3A_461, %swap3A_462], %gather3A_459 {strides = array<i32>} : memref<128x512xf32, #tpu.memory_space<vmem>>, vector<16xf32>,
        %add3A_464 = arith.constant 29 : i32
        %add3A_465 = vector.broadcast %add3A_464 : i32 to vector<16xi32>
        %add3A_466 = arith.addi %mul3A_228, %add3A_465 : vector<16xi32>
        %gather3A_467 = tpu.vector_load_idx %arg15[%add3A_232, %add3A_466] : memref<64x128xf32, #tpu.memory_space<vmem>>[vector<16xi32>, vector<16xi32>], vector<16xf32>,
        %swap3A_468 = arith.constant 29 : i32
        %swap3A_469 = arith.index_cast %swap3A_468 : i32 to index
        %swap3A_470 = arith.index_cast %add3A_221 : i32 to index
        %swap3A_471 = tpu.vector_load %arg19[%swap3A_469, %swap3A_470] {strides = array<i32>} : memref<128x512xf32, #tpu.memory_space<vmem>>, vector<16xf32>,
        tpu.vector_store %arg19[%swap3A_469, %swap3A_470], %gather3A_467 {strides = array<i32>} : memref<128x512xf32, #tpu.memory_space<vmem>>, vector<16xf32>,
        %add3A_472 = arith.constant 30 : i32
        %add3A_473 = vector.broadcast %add3A_472 : i32 to vector<16xi32>
        %add3A_474 = arith.addi %mul3A_228, %add3A_473 : vector<16xi32>
        %gather3A_475 = tpu.vector_load_idx %arg15[%add3A_232, %add3A_474] : memref<64x128xf32, #tpu.memory_space<vmem>>[vector<16xi32>, vector<16xi32>], vector<16xf32>,
        %swap3A_476 = arith.constant 30 : i32
        %swap3A_477 = arith.index_cast %swap3A_476 : i32 to index
        %swap3A_478 = arith.index_cast %add3A_221 : i32 to index
        %swap3A_479 = tpu.vector_load %arg19[%swap3A_477, %swap3A_478] {strides = array<i32>} : memref<128x512xf32, #tpu.memory_space<vmem>>, vector<16xf32>,
        tpu.vector_store %arg19[%swap3A_477, %swap3A_478], %gather3A_475 {strides = array<i32>} : memref<128x512xf32, #tpu.memory_space<vmem>>, vector<16xf32>,
        %add3A_480 = arith.constant 31 : i32
        %add3A_481 = vector.broadcast %add3A_480 : i32 to vector<16xi32>
        %add3A_482 = arith.addi %mul3A_228, %add3A_481 : vector<16xi32>
        %gather3A_483 = tpu.vector_load_idx %arg15[%add3A_232, %add3A_482] : memref<64x128xf32, #tpu.memory_space<vmem>>[vector<16xi32>, vector<16xi32>], vector<16xf32>,
        %swap3A_484 = arith.constant 31 : i32
        %swap3A_485 = arith.index_cast %swap3A_484 : i32 to index
        %swap3A_486 = arith.index_cast %add3A_221 : i32 to index
        %swap3A_487 = tpu.vector_load %arg19[%swap3A_485, %swap3A_486] {strides = array<i32>} : memref<128x512xf32, #tpu.memory_space<vmem>>, vector<16xf32>,
        tpu.vector_store %arg19[%swap3A_485, %swap3A_486], %gather3A_483 {strides = array<i32>} : memref<128x512xf32, #tpu.memory_space<vmem>>, vector<16xf32>,
      }
      %scan3A_166 = arith.constant 4 : i32
      %add3A_167 = arith.constant 1 : i32
      %add3A_168 = arith.addi %scan3A_158, %add3A_167 : i32
      %lt3A = arith.constant 8 : i32
      %lt3A_169 = arith.cmpi slt, %add3A_168, %lt3A : i32
      %convert_element_type3A = arith.extui %lt3A_169 : i1 to i32
      %cond3A = arith.constant 0 : i32
      %cond3A_170 = arith.cmpi ne, %convert_element_type3A, %cond3A : i32
      scf.if %cond3A_170 {
        %add3A_216 = arith.constant 1 : i32
        %add3A_217 = arith.addi %scan3A_158, %add3A_216 : i32
        %mul3A_218 = arith.constant 64 : i32
        %mul3A_219 = arith.muli %add3A_217, %mul3A_218 : i32
        %add3A_220 = arith.constant 0 : i32
        %add3A_221 = arith.addi %mul3A_219, %add3A_220 : i32
        %get3A_222 = arith.index_cast %add3A_221 : i32 to index
        %get3A_223 = tpu.vector_load %arg7[%get3A_222] {strides = array<i32>} : memref<512xi32, #tpu.memory_space<vmem>>, vector<16xi32>,
        %shift_right_logical3A_224 = arith.constant 2 : i32
        %shift_right_logical3A_225 = vector.broadcast %shift_right_logical3A_224 : i32 to vector<16xi32>
        %shift_right_logical3A_226 = arith.shrui %get3A_223, %shift_right_logical3A_225 : vector<16xi32>
        %swap3A_227 = arith.constant 0 : index
        %swap3A_228 = tpu.vector_load %arg11[%swap3A_227] {strides = array<i32>} : memref<64xi32, #tpu.memory_space<vmem>>, vector<16xi32>,
        tpu.vector_store %arg11[%swap3A_227], %shift_right_logical3A_226 {strides = array<i32>} : memref<64xi32, #tpu.memory_space<vmem>>, vector<16xi32>,
        %mul3A_229 = arith.constant 64 : i32
        %mul3A_230 = arith.muli %add3A_217, %mul3A_229 : i32
        %add3A_231 = arith.constant 16 : i32
        %add3A_232 = arith.addi %mul3A_230, %add3A_231 : i32
        %get3A_233 = arith.index_cast %add3A_232 : i32 to index
        %get3A_234 = tpu.vector_load %arg7[%get3A_233] {strides = array<i32>} : memref<512xi32, #tpu.memory_space<vmem>>, vector<16xi32>,
        %shift_right_logical3A_235 = arith.constant 2 : i32
        %shift_right_logical3A_236 = vector.broadcast %shift_right_logical3A_235 : i32 to vector<16xi32>
        %shift_right_logical3A_237 = arith.shrui %get3A_234, %shift_right_logical3A_236 : vector<16xi32>
        %swap3A_238 = arith.constant 16 : index
        %swap3A_239 = tpu.vector_load %arg11[%swap3A_238] {strides = array<i32>} : memref<64xi32, #tpu.memory_space<vmem>>, vector<16xi32>,
        tpu.vector_store %arg11[%swap3A_238], %shift_right_logical3A_237 {strides = array<i32>} : memref<64xi32, #tpu.memory_space<vmem>>, vector<16xi32>,
        %mul3A_240 = arith.constant 64 : i32
        %mul3A_241 = arith.muli %add3A_217, %mul3A_240 : i32
        %add3A_242 = arith.constant 32 : i32
        %add3A_243 = arith.addi %mul3A_241, %add3A_242 : i32
        %get3A_244 = arith.index_cast %add3A_243 : i32 to index
        %get3A_245 = tpu.vector_load %arg7[%get3A_244] {strides = array<i32>} : memref<512xi32, #tpu.memory_space<vmem>>, vector<16xi32>,
        %shift_right_logical3A_246 = arith.constant 2 : i32
        %shift_right_logical3A_247 = vector.broadcast %shift_right_logical3A_246 : i32 to vector<16xi32>
        %shift_right_logical3A_248 = arith.shrui %get3A_245, %shift_right_logical3A_247 : vector<16xi32>
        %swap3A_249 = arith.constant 32 : index
        %swap3A_250 = tpu.vector_load %arg11[%swap3A_249] {strides = array<i32>} : memref<64xi32, #tpu.memory_space<vmem>>, vector<16xi32>,
        tpu.vector_store %arg11[%swap3A_249], %shift_right_logical3A_248 {strides = array<i32>} : memref<64xi32, #tpu.memory_space<vmem>>, vector<16xi32>,
        %mul3A_251 = arith.constant 64 : i32
        %mul3A_252 = arith.muli %add3A_217, %mul3A_251 : i32
        %add3A_253 = arith.constant 48 : i32
        %add3A_254 = arith.addi %mul3A_252, %add3A_253 : i32
        %get3A_255 = arith.index_cast %add3A_254 : i32 to index
        %get3A_256 = tpu.vector_load %arg7[%get3A_255] {strides = array<i32>} : memref<512xi32, #tpu.memory_space<vmem>>, vector<16xi32>,
        %shift_right_logical3A_257 = arith.constant 2 : i32
        %shift_right_logical3A_258 = vector.broadcast %shift_right_logical3A_257 : i32 to vector<16xi32>
        %shift_right_logical3A_259 = arith.shrui %get3A_256, %shift_right_logical3A_258 : vector<16xi32>
        %swap3A_260 = arith.constant 48 : index
        %swap3A_261 = tpu.vector_load %arg11[%swap3A_260] {strides = array<i32>} : memref<64xi32, #tpu.memory_space<vmem>>, vector<16xi32>,
        tpu.vector_store %arg11[%swap3A_260], %shift_right_logical3A_259 {strides = array<i32>} : memref<64xi32, #tpu.memory_space<vmem>>, vector<16xi32>,
        %dma_start3A_262 = arith.constant 0 : i32
        %dma_start3A_263 = arith.constant 0 : i32
        %dma_start3A_264 = tpu.memref_slice %arg4[%dma_start3A_262, %dma_start3A_263] : memref<25000x128xf32, #tpu.memory_space<hbm>> -> memref<25000x128xf32, #tpu.memory_space<hbm>>
        tpu.enqueue_indirect_dma source(%dma_start3A_264 : memref<25000x128xf32, #tpu.memory_space<hbm>>) target(%arg15 : memref<64x128xf32, #tpu.memory_space<vmem>>) offsets(%arg11 : memref<64xi32, #tpu.memory_space<vmem>>) semaphore(%arg20 : memref<!tpu.dma_semaphore, #tpu.memory_space<semaphore_mem>>)
      } else {
      }
      %dma_wait3A_171 = arith.constant 0 : i32
      %dma_wait3A_172 = arith.constant 0 : i32
      %dma_wait3A_173 = tpu.memref_slice %arg5[%dma_wait3A_171, %dma_wait3A_172] : memref<25000x128xf32, #tpu.memory_space<hbm>> -> memref<25000x128xf32, #tpu.memory_space<hbm>>
      tpu.wait_indirect_dma semaphore(%arg21 : memref<!tpu.dma_semaphore, #tpu.memory_space<semaphore_mem>>) src(%dma_wait3A_173 : memref<25000x128xf32, #tpu.memory_space<hbm>>) dst(%arg16 : memref<64x128xf32, #tpu.memory_space<vmem>>)
      %scan3A_174 = arith.constant 0 : i32
      %scan3A_175 = arith.constant 4 : i32
      %scan3A_176 = arith.addi %scan3A_174, %scan3A_175 : i32
      %scan3A_177 = arith.constant 1 : i32
      scf.for %scan3A_216 = %scan3A_174 to %scan3A_176 step %scan3A_177  : i32 {
        %mul3A_217 = arith.constant 64 : i32
        %mul3A_218 = arith.muli %scan3A_158, %mul3A_217 : i32
        %mul3A_219 = arith.constant 16 : i32
        %mul3A_220 = arith.muli %scan3A_216, %mul3A_219 : i32
        %add3A_221 = arith.addi %mul3A_218, %mul3A_220 : i32
        %get3A_222 = arith.index_cast %add3A_221 : i32 to index
        %get3A_223 = tpu.vector_load %arg8[%get3A_222] {strides = array<i32>} : memref<512xi32, #tpu.memory_space<vmem>>, vector<16xi32>,
        %and3A = arith.constant 3 : i32
        %and3A_224 = vector.broadcast %and3A : i32 to vector<16xi32>
        %and3A_225 = arith.andi %get3A_223, %and3A_224 : vector<16xi32>
        %mul3A_226 = arith.constant 32 : i32
        %mul3A_227 = vector.broadcast %mul3A_226 : i32 to vector<16xi32>
        %mul3A_228 = arith.muli %and3A_225, %mul3A_227 : vector<16xi32>
        %iota3A = tpu.iota {dimensions = array<i32: 0>} : vector<16xi32>
        %mul3A_229 = arith.constant 16 : i32
        %mul3A_230 = arith.muli %scan3A_216, %mul3A_229 : i32
        %add3A_231 = vector.broadcast %mul3A_230 : i32 to vector<16xi32>
        %add3A_232 = arith.addi %iota3A, %add3A_231 : vector<16xi32>
        %add3A_233 = arith.constant 0 : i32
        %add3A_234 = vector.broadcast %add3A_233 : i32 to vector<16xi32>
        %add3A_235 = arith.addi %mul3A_228, %add3A_234 : vector<16xi32>
        %gather3A = tpu.vector_load_idx %arg16[%add3A_232, %add3A_235] : memref<64x128xf32, #tpu.memory_space<vmem>>[vector<16xi32>, vector<16xi32>], vector<16xf32>,
        %swap3A_236 = arith.constant 32 : i32
        %swap3A_237 = arith.index_cast %swap3A_236 : i32 to index
        %swap3A_238 = arith.index_cast %add3A_221 : i32 to index
        %swap3A_239 = tpu.vector_load %arg19[%swap3A_237, %swap3A_238] {strides = array<i32>} : memref<128x512xf32, #tpu.memory_space<vmem>>, vector<16xf32>,
        tpu.vector_store %arg19[%swap3A_237, %swap3A_238], %gather3A {strides = array<i32>} : memref<128x512xf32, #tpu.memory_space<vmem>>, vector<16xf32>,
        %add3A_240 = arith.constant 1 : i32
        %add3A_241 = vector.broadcast %add3A_240 : i32 to vector<16xi32>
        %add3A_242 = arith.addi %mul3A_228, %add3A_241 : vector<16xi32>
        %gather3A_243 = tpu.vector_load_idx %arg16[%add3A_232, %add3A_242] : memref<64x128xf32, #tpu.memory_space<vmem>>[vector<16xi32>, vector<16xi32>], vector<16xf32>,
        %swap3A_244 = arith.constant 33 : i32
        %swap3A_245 = arith.index_cast %swap3A_244 : i32 to index
        %swap3A_246 = arith.index_cast %add3A_221 : i32 to index
        %swap3A_247 = tpu.vector_load %arg19[%swap3A_245, %swap3A_246] {strides = array<i32>} : memref<128x512xf32, #tpu.memory_space<vmem>>, vector<16xf32>,
        tpu.vector_store %arg19[%swap3A_245, %swap3A_246], %gather3A_243 {strides = array<i32>} : memref<128x512xf32, #tpu.memory_space<vmem>>, vector<16xf32>,
        %add3A_248 = arith.constant 2 : i32
        %add3A_249 = vector.broadcast %add3A_248 : i32 to vector<16xi32>
        %add3A_250 = arith.addi %mul3A_228, %add3A_249 : vector<16xi32>
        %gather3A_251 = tpu.vector_load_idx %arg16[%add3A_232, %add3A_250] : memref<64x128xf32, #tpu.memory_space<vmem>>[vector<16xi32>, vector<16xi32>], vector<16xf32>,
        %swap3A_252 = arith.constant 34 : i32
        %swap3A_253 = arith.index_cast %swap3A_252 : i32 to index
        %swap3A_254 = arith.index_cast %add3A_221 : i32 to index
        %swap3A_255 = tpu.vector_load %arg19[%swap3A_253, %swap3A_254] {strides = array<i32>} : memref<128x512xf32, #tpu.memory_space<vmem>>, vector<16xf32>,
        tpu.vector_store %arg19[%swap3A_253, %swap3A_254], %gather3A_251 {strides = array<i32>} : memref<128x512xf32, #tpu.memory_space<vmem>>, vector<16xf32>,
        %add3A_256 = arith.constant 3 : i32
        %add3A_257 = vector.broadcast %add3A_256 : i32 to vector<16xi32>
        %add3A_258 = arith.addi %mul3A_228, %add3A_257 : vector<16xi32>
        %gather3A_259 = tpu.vector_load_idx %arg16[%add3A_232, %add3A_258] : memref<64x128xf32, #tpu.memory_space<vmem>>[vector<16xi32>, vector<16xi32>], vector<16xf32>,
        %swap3A_260 = arith.constant 35 : i32
        %swap3A_261 = arith.index_cast %swap3A_260 : i32 to index
        %swap3A_262 = arith.index_cast %add3A_221 : i32 to index
        %swap3A_263 = tpu.vector_load %arg19[%swap3A_261, %swap3A_262] {strides = array<i32>} : memref<128x512xf32, #tpu.memory_space<vmem>>, vector<16xf32>,
        tpu.vector_store %arg19[%swap3A_261, %swap3A_262], %gather3A_259 {strides = array<i32>} : memref<128x512xf32, #tpu.memory_space<vmem>>, vector<16xf32>,
        %add3A_264 = arith.constant 4 : i32
        %add3A_265 = vector.broadcast %add3A_264 : i32 to vector<16xi32>
        %add3A_266 = arith.addi %mul3A_228, %add3A_265 : vector<16xi32>
        %gather3A_267 = tpu.vector_load_idx %arg16[%add3A_232, %add3A_266] : memref<64x128xf32, #tpu.memory_space<vmem>>[vector<16xi32>, vector<16xi32>], vector<16xf32>,
        %swap3A_268 = arith.constant 36 : i32
        %swap3A_269 = arith.index_cast %swap3A_268 : i32 to index
        %swap3A_270 = arith.index_cast %add3A_221 : i32 to index
        %swap3A_271 = tpu.vector_load %arg19[%swap3A_269, %swap3A_270] {strides = array<i32>} : memref<128x512xf32, #tpu.memory_space<vmem>>, vector<16xf32>,
        tpu.vector_store %arg19[%swap3A_269, %swap3A_270], %gather3A_267 {strides = array<i32>} : memref<128x512xf32, #tpu.memory_space<vmem>>, vector<16xf32>,
        %add3A_272 = arith.constant 5 : i32
        %add3A_273 = vector.broadcast %add3A_272 : i32 to vector<16xi32>
        %add3A_274 = arith.addi %mul3A_228, %add3A_273 : vector<16xi32>
        %gather3A_275 = tpu.vector_load_idx %arg16[%add3A_232, %add3A_274] : memref<64x128xf32, #tpu.memory_space<vmem>>[vector<16xi32>, vector<16xi32>], vector<16xf32>,
        %swap3A_276 = arith.constant 37 : i32
        %swap3A_277 = arith.index_cast %swap3A_276 : i32 to index
        %swap3A_278 = arith.index_cast %add3A_221 : i32 to index
        %swap3A_279 = tpu.vector_load %arg19[%swap3A_277, %swap3A_278] {strides = array<i32>} : memref<128x512xf32, #tpu.memory_space<vmem>>, vector<16xf32>,
        tpu.vector_store %arg19[%swap3A_277, %swap3A_278], %gather3A_275 {strides = array<i32>} : memref<128x512xf32, #tpu.memory_space<vmem>>, vector<16xf32>,
        %add3A_280 = arith.constant 6 : i32
        %add3A_281 = vector.broadcast %add3A_280 : i32 to vector<16xi32>
        %add3A_282 = arith.addi %mul3A_228, %add3A_281 : vector<16xi32>
        %gather3A_283 = tpu.vector_load_idx %arg16[%add3A_232, %add3A_282] : memref<64x128xf32, #tpu.memory_space<vmem>>[vector<16xi32>, vector<16xi32>], vector<16xf32>,
        %swap3A_284 = arith.constant 38 : i32
        %swap3A_285 = arith.index_cast %swap3A_284 : i32 to index
        %swap3A_286 = arith.index_cast %add3A_221 : i32 to index
        %swap3A_287 = tpu.vector_load %arg19[%swap3A_285, %swap3A_286] {strides = array<i32>} : memref<128x512xf32, #tpu.memory_space<vmem>>, vector<16xf32>,
        tpu.vector_store %arg19[%swap3A_285, %swap3A_286], %gather3A_283 {strides = array<i32>} : memref<128x512xf32, #tpu.memory_space<vmem>>, vector<16xf32>,
        %add3A_288 = arith.constant 7 : i32
        %add3A_289 = vector.broadcast %add3A_288 : i32 to vector<16xi32>
        %add3A_290 = arith.addi %mul3A_228, %add3A_289 : vector<16xi32>
        %gather3A_291 = tpu.vector_load_idx %arg16[%add3A_232, %add3A_290] : memref<64x128xf32, #tpu.memory_space<vmem>>[vector<16xi32>, vector<16xi32>], vector<16xf32>,
        %swap3A_292 = arith.constant 39 : i32
        %swap3A_293 = arith.index_cast %swap3A_292 : i32 to index
        %swap3A_294 = arith.index_cast %add3A_221 : i32 to index
        %swap3A_295 = tpu.vector_load %arg19[%swap3A_293, %swap3A_294] {strides = array<i32>} : memref<128x512xf32, #tpu.memory_space<vmem>>, vector<16xf32>,
        tpu.vector_store %arg19[%swap3A_293, %swap3A_294], %gather3A_291 {strides = array<i32>} : memref<128x512xf32, #tpu.memory_space<vmem>>, vector<16xf32>,
        %add3A_296 = arith.constant 8 : i32
        %add3A_297 = vector.broadcast %add3A_296 : i32 to vector<16xi32>
        %add3A_298 = arith.addi %mul3A_228, %add3A_297 : vector<16xi32>
        %gather3A_299 = tpu.vector_load_idx %arg16[%add3A_232, %add3A_298] : memref<64x128xf32, #tpu.memory_space<vmem>>[vector<16xi32>, vector<16xi32>], vector<16xf32>,
        %swap3A_300 = arith.constant 40 : i32
        %swap3A_301 = arith.index_cast %swap3A_300 : i32 to index
        %swap3A_302 = arith.index_cast %add3A_221 : i32 to index
        %swap3A_303 = tpu.vector_load %arg19[%swap3A_301, %swap3A_302] {strides = array<i32>} : memref<128x512xf32, #tpu.memory_space<vmem>>, vector<16xf32>,
        tpu.vector_store %arg19[%swap3A_301, %swap3A_302], %gather3A_299 {strides = array<i32>} : memref<128x512xf32, #tpu.memory_space<vmem>>, vector<16xf32>,
        %add3A_304 = arith.constant 9 : i32
        %add3A_305 = vector.broadcast %add3A_304 : i32 to vector<16xi32>
        %add3A_306 = arith.addi %mul3A_228, %add3A_305 : vector<16xi32>
        %gather3A_307 = tpu.vector_load_idx %arg16[%add3A_232, %add3A_306] : memref<64x128xf32, #tpu.memory_space<vmem>>[vector<16xi32>, vector<16xi32>], vector<16xf32>,
        %swap3A_308 = arith.constant 41 : i32
        %swap3A_309 = arith.index_cast %swap3A_308 : i32 to index
        %swap3A_310 = arith.index_cast %add3A_221 : i32 to index
        %swap3A_311 = tpu.vector_load %arg19[%swap3A_309, %swap3A_310] {strides = array<i32>} : memref<128x512xf32, #tpu.memory_space<vmem>>, vector<16xf32>,
        tpu.vector_store %arg19[%swap3A_309, %swap3A_310], %gather3A_307 {strides = array<i32>} : memref<128x512xf32, #tpu.memory_space<vmem>>, vector<16xf32>,
        %add3A_312 = arith.constant 10 : i32
        %add3A_313 = vector.broadcast %add3A_312 : i32 to vector<16xi32>
        %add3A_314 = arith.addi %mul3A_228, %add3A_313 : vector<16xi32>
        %gather3A_315 = tpu.vector_load_idx %arg16[%add3A_232, %add3A_314] : memref<64x128xf32, #tpu.memory_space<vmem>>[vector<16xi32>, vector<16xi32>], vector<16xf32>,
        %swap3A_316 = arith.constant 42 : i32
        %swap3A_317 = arith.index_cast %swap3A_316 : i32 to index
        %swap3A_318 = arith.index_cast %add3A_221 : i32 to index
        %swap3A_319 = tpu.vector_load %arg19[%swap3A_317, %swap3A_318] {strides = array<i32>} : memref<128x512xf32, #tpu.memory_space<vmem>>, vector<16xf32>,
        tpu.vector_store %arg19[%swap3A_317, %swap3A_318], %gather3A_315 {strides = array<i32>} : memref<128x512xf32, #tpu.memory_space<vmem>>, vector<16xf32>,
        %add3A_320 = arith.constant 11 : i32
        %add3A_321 = vector.broadcast %add3A_320 : i32 to vector<16xi32>
        %add3A_322 = arith.addi %mul3A_228, %add3A_321 : vector<16xi32>
        %gather3A_323 = tpu.vector_load_idx %arg16[%add3A_232, %add3A_322] : memref<64x128xf32, #tpu.memory_space<vmem>>[vector<16xi32>, vector<16xi32>], vector<16xf32>,
        %swap3A_324 = arith.constant 43 : i32
        %swap3A_325 = arith.index_cast %swap3A_324 : i32 to index
        %swap3A_326 = arith.index_cast %add3A_221 : i32 to index
        %swap3A_327 = tpu.vector_load %arg19[%swap3A_325, %swap3A_326] {strides = array<i32>} : memref<128x512xf32, #tpu.memory_space<vmem>>, vector<16xf32>,
        tpu.vector_store %arg19[%swap3A_325, %swap3A_326], %gather3A_323 {strides = array<i32>} : memref<128x512xf32, #tpu.memory_space<vmem>>, vector<16xf32>,
        %add3A_328 = arith.constant 12 : i32
        %add3A_329 = vector.broadcast %add3A_328 : i32 to vector<16xi32>
        %add3A_330 = arith.addi %mul3A_228, %add3A_329 : vector<16xi32>
        %gather3A_331 = tpu.vector_load_idx %arg16[%add3A_232, %add3A_330] : memref<64x128xf32, #tpu.memory_space<vmem>>[vector<16xi32>, vector<16xi32>], vector<16xf32>,
        %swap3A_332 = arith.constant 44 : i32
        %swap3A_333 = arith.index_cast %swap3A_332 : i32 to index
        %swap3A_334 = arith.index_cast %add3A_221 : i32 to index
        %swap3A_335 = tpu.vector_load %arg19[%swap3A_333, %swap3A_334] {strides = array<i32>} : memref<128x512xf32, #tpu.memory_space<vmem>>, vector<16xf32>,
        tpu.vector_store %arg19[%swap3A_333, %swap3A_334], %gather3A_331 {strides = array<i32>} : memref<128x512xf32, #tpu.memory_space<vmem>>, vector<16xf32>,
        %add3A_336 = arith.constant 13 : i32
        %add3A_337 = vector.broadcast %add3A_336 : i32 to vector<16xi32>
        %add3A_338 = arith.addi %mul3A_228, %add3A_337 : vector<16xi32>
        %gather3A_339 = tpu.vector_load_idx %arg16[%add3A_232, %add3A_338] : memref<64x128xf32, #tpu.memory_space<vmem>>[vector<16xi32>, vector<16xi32>], vector<16xf32>,
        %swap3A_340 = arith.constant 45 : i32
        %swap3A_341 = arith.index_cast %swap3A_340 : i32 to index
        %swap3A_342 = arith.index_cast %add3A_221 : i32 to index
        %swap3A_343 = tpu.vector_load %arg19[%swap3A_341, %swap3A_342] {strides = array<i32>} : memref<128x512xf32, #tpu.memory_space<vmem>>, vector<16xf32>,
        tpu.vector_store %arg19[%swap3A_341, %swap3A_342], %gather3A_339 {strides = array<i32>} : memref<128x512xf32, #tpu.memory_space<vmem>>, vector<16xf32>,
        %add3A_344 = arith.constant 14 : i32
        %add3A_345 = vector.broadcast %add3A_344 : i32 to vector<16xi32>
        %add3A_346 = arith.addi %mul3A_228, %add3A_345 : vector<16xi32>
        %gather3A_347 = tpu.vector_load_idx %arg16[%add3A_232, %add3A_346] : memref<64x128xf32, #tpu.memory_space<vmem>>[vector<16xi32>, vector<16xi32>], vector<16xf32>,
        %swap3A_348 = arith.constant 46 : i32
        %swap3A_349 = arith.index_cast %swap3A_348 : i32 to index
        %swap3A_350 = arith.index_cast %add3A_221 : i32 to index
        %swap3A_351 = tpu.vector_load %arg19[%swap3A_349, %swap3A_350] {strides = array<i32>} : memref<128x512xf32, #tpu.memory_space<vmem>>, vector<16xf32>,
        tpu.vector_store %arg19[%swap3A_349, %swap3A_350], %gather3A_347 {strides = array<i32>} : memref<128x512xf32, #tpu.memory_space<vmem>>, vector<16xf32>,
        %add3A_352 = arith.constant 15 : i32
        %add3A_353 = vector.broadcast %add3A_352 : i32 to vector<16xi32>
        %add3A_354 = arith.addi %mul3A_228, %add3A_353 : vector<16xi32>
        %gather3A_355 = tpu.vector_load_idx %arg16[%add3A_232, %add3A_354] : memref<64x128xf32, #tpu.memory_space<vmem>>[vector<16xi32>, vector<16xi32>], vector<16xf32>,
        %swap3A_356 = arith.constant 47 : i32
        %swap3A_357 = arith.index_cast %swap3A_356 : i32 to index
        %swap3A_358 = arith.index_cast %add3A_221 : i32 to index
        %swap3A_359 = tpu.vector_load %arg19[%swap3A_357, %swap3A_358] {strides = array<i32>} : memref<128x512xf32, #tpu.memory_space<vmem>>, vector<16xf32>,
        tpu.vector_store %arg19[%swap3A_357, %swap3A_358], %gather3A_355 {strides = array<i32>} : memref<128x512xf32, #tpu.memory_space<vmem>>, vector<16xf32>,
        %add3A_360 = arith.constant 16 : i32
        %add3A_361 = vector.broadcast %add3A_360 : i32 to vector<16xi32>
        %add3A_362 = arith.addi %mul3A_228, %add3A_361 : vector<16xi32>
        %gather3A_363 = tpu.vector_load_idx %arg16[%add3A_232, %add3A_362] : memref<64x128xf32, #tpu.memory_space<vmem>>[vector<16xi32>, vector<16xi32>], vector<16xf32>,
        %swap3A_364 = arith.constant 48 : i32
        %swap3A_365 = arith.index_cast %swap3A_364 : i32 to index
        %swap3A_366 = arith.index_cast %add3A_221 : i32 to index
        %swap3A_367 = tpu.vector_load %arg19[%swap3A_365, %swap3A_366] {strides = array<i32>} : memref<128x512xf32, #tpu.memory_space<vmem>>, vector<16xf32>,
        tpu.vector_store %arg19[%swap3A_365, %swap3A_366], %gather3A_363 {strides = array<i32>} : memref<128x512xf32, #tpu.memory_space<vmem>>, vector<16xf32>,
        %add3A_368 = arith.constant 17 : i32
        %add3A_369 = vector.broadcast %add3A_368 : i32 to vector<16xi32>
        %add3A_370 = arith.addi %mul3A_228, %add3A_369 : vector<16xi32>
        %gather3A_371 = tpu.vector_load_idx %arg16[%add3A_232, %add3A_370] : memref<64x128xf32, #tpu.memory_space<vmem>>[vector<16xi32>, vector<16xi32>], vector<16xf32>,
        %swap3A_372 = arith.constant 49 : i32
        %swap3A_373 = arith.index_cast %swap3A_372 : i32 to index
        %swap3A_374 = arith.index_cast %add3A_221 : i32 to index
        %swap3A_375 = tpu.vector_load %arg19[%swap3A_373, %swap3A_374] {strides = array<i32>} : memref<128x512xf32, #tpu.memory_space<vmem>>, vector<16xf32>,
        tpu.vector_store %arg19[%swap3A_373, %swap3A_374], %gather3A_371 {strides = array<i32>} : memref<128x512xf32, #tpu.memory_space<vmem>>, vector<16xf32>,
        %add3A_376 = arith.constant 18 : i32
        %add3A_377 = vector.broadcast %add3A_376 : i32 to vector<16xi32>
        %add3A_378 = arith.addi %mul3A_228, %add3A_377 : vector<16xi32>
        %gather3A_379 = tpu.vector_load_idx %arg16[%add3A_232, %add3A_378] : memref<64x128xf32, #tpu.memory_space<vmem>>[vector<16xi32>, vector<16xi32>], vector<16xf32>,
        %swap3A_380 = arith.constant 50 : i32
        %swap3A_381 = arith.index_cast %swap3A_380 : i32 to index
        %swap3A_382 = arith.index_cast %add3A_221 : i32 to index
        %swap3A_383 = tpu.vector_load %arg19[%swap3A_381, %swap3A_382] {strides = array<i32>} : memref<128x512xf32, #tpu.memory_space<vmem>>, vector<16xf32>,
        tpu.vector_store %arg19[%swap3A_381, %swap3A_382], %gather3A_379 {strides = array<i32>} : memref<128x512xf32, #tpu.memory_space<vmem>>, vector<16xf32>,
        %add3A_384 = arith.constant 19 : i32
        %add3A_385 = vector.broadcast %add3A_384 : i32 to vector<16xi32>
        %add3A_386 = arith.addi %mul3A_228, %add3A_385 : vector<16xi32>
        %gather3A_387 = tpu.vector_load_idx %arg16[%add3A_232, %add3A_386] : memref<64x128xf32, #tpu.memory_space<vmem>>[vector<16xi32>, vector<16xi32>], vector<16xf32>,
        %swap3A_388 = arith.constant 51 : i32
        %swap3A_389 = arith.index_cast %swap3A_388 : i32 to index
        %swap3A_390 = arith.index_cast %add3A_221 : i32 to index
        %swap3A_391 = tpu.vector_load %arg19[%swap3A_389, %swap3A_390] {strides = array<i32>} : memref<128x512xf32, #tpu.memory_space<vmem>>, vector<16xf32>,
        tpu.vector_store %arg19[%swap3A_389, %swap3A_390], %gather3A_387 {strides = array<i32>} : memref<128x512xf32, #tpu.memory_space<vmem>>, vector<16xf32>,
        %add3A_392 = arith.constant 20 : i32
        %add3A_393 = vector.broadcast %add3A_392 : i32 to vector<16xi32>
        %add3A_394 = arith.addi %mul3A_228, %add3A_393 : vector<16xi32>
        %gather3A_395 = tpu.vector_load_idx %arg16[%add3A_232, %add3A_394] : memref<64x128xf32, #tpu.memory_space<vmem>>[vector<16xi32>, vector<16xi32>], vector<16xf32>,
        %swap3A_396 = arith.constant 52 : i32
        %swap3A_397 = arith.index_cast %swap3A_396 : i32 to index
        %swap3A_398 = arith.index_cast %add3A_221 : i32 to index
        %swap3A_399 = tpu.vector_load %arg19[%swap3A_397, %swap3A_398] {strides = array<i32>} : memref<128x512xf32, #tpu.memory_space<vmem>>, vector<16xf32>,
        tpu.vector_store %arg19[%swap3A_397, %swap3A_398], %gather3A_395 {strides = array<i32>} : memref<128x512xf32, #tpu.memory_space<vmem>>, vector<16xf32>,
        %add3A_400 = arith.constant 21 : i32
        %add3A_401 = vector.broadcast %add3A_400 : i32 to vector<16xi32>
        %add3A_402 = arith.addi %mul3A_228, %add3A_401 : vector<16xi32>
        %gather3A_403 = tpu.vector_load_idx %arg16[%add3A_232, %add3A_402] : memref<64x128xf32, #tpu.memory_space<vmem>>[vector<16xi32>, vector<16xi32>], vector<16xf32>,
        %swap3A_404 = arith.constant 53 : i32
        %swap3A_405 = arith.index_cast %swap3A_404 : i32 to index
        %swap3A_406 = arith.index_cast %add3A_221 : i32 to index
        %swap3A_407 = tpu.vector_load %arg19[%swap3A_405, %swap3A_406] {strides = array<i32>} : memref<128x512xf32, #tpu.memory_space<vmem>>, vector<16xf32>,
        tpu.vector_store %arg19[%swap3A_405, %swap3A_406], %gather3A_403 {strides = array<i32>} : memref<128x512xf32, #tpu.memory_space<vmem>>, vector<16xf32>,
        %add3A_408 = arith.constant 22 : i32
        %add3A_409 = vector.broadcast %add3A_408 : i32 to vector<16xi32>
        %add3A_410 = arith.addi %mul3A_228, %add3A_409 : vector<16xi32>
        %gather3A_411 = tpu.vector_load_idx %arg16[%add3A_232, %add3A_410] : memref<64x128xf32, #tpu.memory_space<vmem>>[vector<16xi32>, vector<16xi32>], vector<16xf32>,
        %swap3A_412 = arith.constant 54 : i32
        %swap3A_413 = arith.index_cast %swap3A_412 : i32 to index
        %swap3A_414 = arith.index_cast %add3A_221 : i32 to index
        %swap3A_415 = tpu.vector_load %arg19[%swap3A_413, %swap3A_414] {strides = array<i32>} : memref<128x512xf32, #tpu.memory_space<vmem>>, vector<16xf32>,
        tpu.vector_store %arg19[%swap3A_413, %swap3A_414], %gather3A_411 {strides = array<i32>} : memref<128x512xf32, #tpu.memory_space<vmem>>, vector<16xf32>,
        %add3A_416 = arith.constant 23 : i32
        %add3A_417 = vector.broadcast %add3A_416 : i32 to vector<16xi32>
        %add3A_418 = arith.addi %mul3A_228, %add3A_417 : vector<16xi32>
        %gather3A_419 = tpu.vector_load_idx %arg16[%add3A_232, %add3A_418] : memref<64x128xf32, #tpu.memory_space<vmem>>[vector<16xi32>, vector<16xi32>], vector<16xf32>,
        %swap3A_420 = arith.constant 55 : i32
        %swap3A_421 = arith.index_cast %swap3A_420 : i32 to index
        %swap3A_422 = arith.index_cast %add3A_221 : i32 to index
        %swap3A_423 = tpu.vector_load %arg19[%swap3A_421, %swap3A_422] {strides = array<i32>} : memref<128x512xf32, #tpu.memory_space<vmem>>, vector<16xf32>,
        tpu.vector_store %arg19[%swap3A_421, %swap3A_422], %gather3A_419 {strides = array<i32>} : memref<128x512xf32, #tpu.memory_space<vmem>>, vector<16xf32>,
        %add3A_424 = arith.constant 24 : i32
        %add3A_425 = vector.broadcast %add3A_424 : i32 to vector<16xi32>
        %add3A_426 = arith.addi %mul3A_228, %add3A_425 : vector<16xi32>
        %gather3A_427 = tpu.vector_load_idx %arg16[%add3A_232, %add3A_426] : memref<64x128xf32, #tpu.memory_space<vmem>>[vector<16xi32>, vector<16xi32>], vector<16xf32>,
        %swap3A_428 = arith.constant 56 : i32
        %swap3A_429 = arith.index_cast %swap3A_428 : i32 to index
        %swap3A_430 = arith.index_cast %add3A_221 : i32 to index
        %swap3A_431 = tpu.vector_load %arg19[%swap3A_429, %swap3A_430] {strides = array<i32>} : memref<128x512xf32, #tpu.memory_space<vmem>>, vector<16xf32>,
        tpu.vector_store %arg19[%swap3A_429, %swap3A_430], %gather3A_427 {strides = array<i32>} : memref<128x512xf32, #tpu.memory_space<vmem>>, vector<16xf32>,
        %add3A_432 = arith.constant 25 : i32
        %add3A_433 = vector.broadcast %add3A_432 : i32 to vector<16xi32>
        %add3A_434 = arith.addi %mul3A_228, %add3A_433 : vector<16xi32>
        %gather3A_435 = tpu.vector_load_idx %arg16[%add3A_232, %add3A_434] : memref<64x128xf32, #tpu.memory_space<vmem>>[vector<16xi32>, vector<16xi32>], vector<16xf32>,
        %swap3A_436 = arith.constant 57 : i32
        %swap3A_437 = arith.index_cast %swap3A_436 : i32 to index
        %swap3A_438 = arith.index_cast %add3A_221 : i32 to index
        %swap3A_439 = tpu.vector_load %arg19[%swap3A_437, %swap3A_438] {strides = array<i32>} : memref<128x512xf32, #tpu.memory_space<vmem>>, vector<16xf32>,
        tpu.vector_store %arg19[%swap3A_437, %swap3A_438], %gather3A_435 {strides = array<i32>} : memref<128x512xf32, #tpu.memory_space<vmem>>, vector<16xf32>,
        %add3A_440 = arith.constant 26 : i32
        %add3A_441 = vector.broadcast %add3A_440 : i32 to vector<16xi32>
        %add3A_442 = arith.addi %mul3A_228, %add3A_441 : vector<16xi32>
        %gather3A_443 = tpu.vector_load_idx %arg16[%add3A_232, %add3A_442] : memref<64x128xf32, #tpu.memory_space<vmem>>[vector<16xi32>, vector<16xi32>], vector<16xf32>,
        %swap3A_444 = arith.constant 58 : i32
        %swap3A_445 = arith.index_cast %swap3A_444 : i32 to index
        %swap3A_446 = arith.index_cast %add3A_221 : i32 to index
        %swap3A_447 = tpu.vector_load %arg19[%swap3A_445, %swap3A_446] {strides = array<i32>} : memref<128x512xf32, #tpu.memory_space<vmem>>, vector<16xf32>,
        tpu.vector_store %arg19[%swap3A_445, %swap3A_446], %gather3A_443 {strides = array<i32>} : memref<128x512xf32, #tpu.memory_space<vmem>>, vector<16xf32>,
        %add3A_448 = arith.constant 27 : i32
        %add3A_449 = vector.broadcast %add3A_448 : i32 to vector<16xi32>
        %add3A_450 = arith.addi %mul3A_228, %add3A_449 : vector<16xi32>
        %gather3A_451 = tpu.vector_load_idx %arg16[%add3A_232, %add3A_450] : memref<64x128xf32, #tpu.memory_space<vmem>>[vector<16xi32>, vector<16xi32>], vector<16xf32>,
        %swap3A_452 = arith.constant 59 : i32
        %swap3A_453 = arith.index_cast %swap3A_452 : i32 to index
        %swap3A_454 = arith.index_cast %add3A_221 : i32 to index
        %swap3A_455 = tpu.vector_load %arg19[%swap3A_453, %swap3A_454] {strides = array<i32>} : memref<128x512xf32, #tpu.memory_space<vmem>>, vector<16xf32>,
        tpu.vector_store %arg19[%swap3A_453, %swap3A_454], %gather3A_451 {strides = array<i32>} : memref<128x512xf32, #tpu.memory_space<vmem>>, vector<16xf32>,
        %add3A_456 = arith.constant 28 : i32
        %add3A_457 = vector.broadcast %add3A_456 : i32 to vector<16xi32>
        %add3A_458 = arith.addi %mul3A_228, %add3A_457 : vector<16xi32>
        %gather3A_459 = tpu.vector_load_idx %arg16[%add3A_232, %add3A_458] : memref<64x128xf32, #tpu.memory_space<vmem>>[vector<16xi32>, vector<16xi32>], vector<16xf32>,
        %swap3A_460 = arith.constant 60 : i32
        %swap3A_461 = arith.index_cast %swap3A_460 : i32 to index
        %swap3A_462 = arith.index_cast %add3A_221 : i32 to index
        %swap3A_463 = tpu.vector_load %arg19[%swap3A_461, %swap3A_462] {strides = array<i32>} : memref<128x512xf32, #tpu.memory_space<vmem>>, vector<16xf32>,
        tpu.vector_store %arg19[%swap3A_461, %swap3A_462], %gather3A_459 {strides = array<i32>} : memref<128x512xf32, #tpu.memory_space<vmem>>, vector<16xf32>,
        %add3A_464 = arith.constant 29 : i32
        %add3A_465 = vector.broadcast %add3A_464 : i32 to vector<16xi32>
        %add3A_466 = arith.addi %mul3A_228, %add3A_465 : vector<16xi32>
        %gather3A_467 = tpu.vector_load_idx %arg16[%add3A_232, %add3A_466] : memref<64x128xf32, #tpu.memory_space<vmem>>[vector<16xi32>, vector<16xi32>], vector<16xf32>,
        %swap3A_468 = arith.constant 61 : i32
        %swap3A_469 = arith.index_cast %swap3A_468 : i32 to index
        %swap3A_470 = arith.index_cast %add3A_221 : i32 to index
        %swap3A_471 = tpu.vector_load %arg19[%swap3A_469, %swap3A_470] {strides = array<i32>} : memref<128x512xf32, #tpu.memory_space<vmem>>, vector<16xf32>,
        tpu.vector_store %arg19[%swap3A_469, %swap3A_470], %gather3A_467 {strides = array<i32>} : memref<128x512xf32, #tpu.memory_space<vmem>>, vector<16xf32>,
        %add3A_472 = arith.constant 30 : i32
        %add3A_473 = vector.broadcast %add3A_472 : i32 to vector<16xi32>
        %add3A_474 = arith.addi %mul3A_228, %add3A_473 : vector<16xi32>
        %gather3A_475 = tpu.vector_load_idx %arg16[%add3A_232, %add3A_474] : memref<64x128xf32, #tpu.memory_space<vmem>>[vector<16xi32>, vector<16xi32>], vector<16xf32>,
        %swap3A_476 = arith.constant 62 : i32
        %swap3A_477 = arith.index_cast %swap3A_476 : i32 to index
        %swap3A_478 = arith.index_cast %add3A_221 : i32 to index
        %swap3A_479 = tpu.vector_load %arg19[%swap3A_477, %swap3A_478] {strides = array<i32>} : memref<128x512xf32, #tpu.memory_space<vmem>>, vector<16xf32>,
        tpu.vector_store %arg19[%swap3A_477, %swap3A_478], %gather3A_475 {strides = array<i32>} : memref<128x512xf32, #tpu.memory_space<vmem>>, vector<16xf32>,
        %add3A_480 = arith.constant 31 : i32
        %add3A_481 = vector.broadcast %add3A_480 : i32 to vector<16xi32>
        %add3A_482 = arith.addi %mul3A_228, %add3A_481 : vector<16xi32>
        %gather3A_483 = tpu.vector_load_idx %arg16[%add3A_232, %add3A_482] : memref<64x128xf32, #tpu.memory_space<vmem>>[vector<16xi32>, vector<16xi32>], vector<16xf32>,
        %swap3A_484 = arith.constant 63 : i32
        %swap3A_485 = arith.index_cast %swap3A_484 : i32 to index
        %swap3A_486 = arith.index_cast %add3A_221 : i32 to index
        %swap3A_487 = tpu.vector_load %arg19[%swap3A_485, %swap3A_486] {strides = array<i32>} : memref<128x512xf32, #tpu.memory_space<vmem>>, vector<16xf32>,
        tpu.vector_store %arg19[%swap3A_485, %swap3A_486], %gather3A_483 {strides = array<i32>} : memref<128x512xf32, #tpu.memory_space<vmem>>, vector<16xf32>,
      }
      %scan3A_178 = arith.constant 4 : i32
      %add3A_179 = arith.constant 1 : i32
      %add3A_180 = arith.addi %scan3A_158, %add3A_179 : i32
      %lt3A_181 = arith.constant 8 : i32
      %lt3A_182 = arith.cmpi slt, %add3A_180, %lt3A_181 : i32
      %convert_element_type3A_183 = arith.extui %lt3A_182 : i1 to i32
      %cond3A_184 = arith.constant 0 : i32
      %cond3A_185 = arith.cmpi ne, %convert_element_type3A_183, %cond3A_184 : i32
      scf.if %cond3A_185 {
        %add3A_216 = arith.constant 1 : i32
        %add3A_217 = arith.addi %scan3A_158, %add3A_216 : i32
        %mul3A_218 = arith.constant 64 : i32
        %mul3A_219 = arith.muli %add3A_217, %mul3A_218 : i32
        %add3A_220 = arith.constant 0 : i32
        %add3A_221 = arith.addi %mul3A_219, %add3A_220 : i32
        %get3A_222 = arith.index_cast %add3A_221 : i32 to index
        %get3A_223 = tpu.vector_load %arg8[%get3A_222] {strides = array<i32>} : memref<512xi32, #tpu.memory_space<vmem>>, vector<16xi32>,
        %shift_right_logical3A_224 = arith.constant 2 : i32
        %shift_right_logical3A_225 = vector.broadcast %shift_right_logical3A_224 : i32 to vector<16xi32>
        %shift_right_logical3A_226 = arith.shrui %get3A_223, %shift_right_logical3A_225 : vector<16xi32>
        %swap3A_227 = arith.constant 0 : index
        %swap3A_228 = tpu.vector_load %arg12[%swap3A_227] {strides = array<i32>} : memref<64xi32, #tpu.memory_space<vmem>>, vector<16xi32>,
        tpu.vector_store %arg12[%swap3A_227], %shift_right_logical3A_226 {strides = array<i32>} : memref<64xi32, #tpu.memory_space<vmem>>, vector<16xi32>,
        %mul3A_229 = arith.constant 64 : i32
        %mul3A_230 = arith.muli %add3A_217, %mul3A_229 : i32
        %add3A_231 = arith.constant 16 : i32
        %add3A_232 = arith.addi %mul3A_230, %add3A_231 : i32
        %get3A_233 = arith.index_cast %add3A_232 : i32 to index
        %get3A_234 = tpu.vector_load %arg8[%get3A_233] {strides = array<i32>} : memref<512xi32, #tpu.memory_space<vmem>>, vector<16xi32>,
        %shift_right_logical3A_235 = arith.constant 2 : i32
        %shift_right_logical3A_236 = vector.broadcast %shift_right_logical3A_235 : i32 to vector<16xi32>
        %shift_right_logical3A_237 = arith.shrui %get3A_234, %shift_right_logical3A_236 : vector<16xi32>
        %swap3A_238 = arith.constant 16 : index
        %swap3A_239 = tpu.vector_load %arg12[%swap3A_238] {strides = array<i32>} : memref<64xi32, #tpu.memory_space<vmem>>, vector<16xi32>,
        tpu.vector_store %arg12[%swap3A_238], %shift_right_logical3A_237 {strides = array<i32>} : memref<64xi32, #tpu.memory_space<vmem>>, vector<16xi32>,
        %mul3A_240 = arith.constant 64 : i32
        %mul3A_241 = arith.muli %add3A_217, %mul3A_240 : i32
        %add3A_242 = arith.constant 32 : i32
        %add3A_243 = arith.addi %mul3A_241, %add3A_242 : i32
        %get3A_244 = arith.index_cast %add3A_243 : i32 to index
        %get3A_245 = tpu.vector_load %arg8[%get3A_244] {strides = array<i32>} : memref<512xi32, #tpu.memory_space<vmem>>, vector<16xi32>,
        %shift_right_logical3A_246 = arith.constant 2 : i32
        %shift_right_logical3A_247 = vector.broadcast %shift_right_logical3A_246 : i32 to vector<16xi32>
        %shift_right_logical3A_248 = arith.shrui %get3A_245, %shift_right_logical3A_247 : vector<16xi32>
        %swap3A_249 = arith.constant 32 : index
        %swap3A_250 = tpu.vector_load %arg12[%swap3A_249] {strides = array<i32>} : memref<64xi32, #tpu.memory_space<vmem>>, vector<16xi32>,
        tpu.vector_store %arg12[%swap3A_249], %shift_right_logical3A_248 {strides = array<i32>} : memref<64xi32, #tpu.memory_space<vmem>>, vector<16xi32>,
        %mul3A_251 = arith.constant 64 : i32
        %mul3A_252 = arith.muli %add3A_217, %mul3A_251 : i32
        %add3A_253 = arith.constant 48 : i32
        %add3A_254 = arith.addi %mul3A_252, %add3A_253 : i32
        %get3A_255 = arith.index_cast %add3A_254 : i32 to index
        %get3A_256 = tpu.vector_load %arg8[%get3A_255] {strides = array<i32>} : memref<512xi32, #tpu.memory_space<vmem>>, vector<16xi32>,
        %shift_right_logical3A_257 = arith.constant 2 : i32
        %shift_right_logical3A_258 = vector.broadcast %shift_right_logical3A_257 : i32 to vector<16xi32>
        %shift_right_logical3A_259 = arith.shrui %get3A_256, %shift_right_logical3A_258 : vector<16xi32>
        %swap3A_260 = arith.constant 48 : index
        %swap3A_261 = tpu.vector_load %arg12[%swap3A_260] {strides = array<i32>} : memref<64xi32, #tpu.memory_space<vmem>>, vector<16xi32>,
        tpu.vector_store %arg12[%swap3A_260], %shift_right_logical3A_259 {strides = array<i32>} : memref<64xi32, #tpu.memory_space<vmem>>, vector<16xi32>,
        %dma_start3A_262 = arith.constant 0 : i32
        %dma_start3A_263 = arith.constant 0 : i32
        %dma_start3A_264 = tpu.memref_slice %arg5[%dma_start3A_262, %dma_start3A_263] : memref<25000x128xf32, #tpu.memory_space<hbm>> -> memref<25000x128xf32, #tpu.memory_space<hbm>>
        tpu.enqueue_indirect_dma source(%dma_start3A_264 : memref<25000x128xf32, #tpu.memory_space<hbm>>) target(%arg16 : memref<64x128xf32, #tpu.memory_space<vmem>>) offsets(%arg12 : memref<64xi32, #tpu.memory_space<vmem>>) semaphore(%arg21 : memref<!tpu.dma_semaphore, #tpu.memory_space<semaphore_mem>>)
      } else {
      }
      %dma_wait3A_186 = arith.constant 0 : i32
      %dma_wait3A_187 = arith.constant 0 : i32
      %dma_wait3A_188 = tpu.memref_slice %arg4[%dma_wait3A_186, %dma_wait3A_187] : memref<25000x128xf32, #tpu.memory_space<hbm>> -> memref<25000x128xf32, #tpu.memory_space<hbm>>
      tpu.wait_indirect_dma semaphore(%arg22 : memref<!tpu.dma_semaphore, #tpu.memory_space<semaphore_mem>>) src(%dma_wait3A_188 : memref<25000x128xf32, #tpu.memory_space<hbm>>) dst(%arg17 : memref<64x128xf32, #tpu.memory_space<vmem>>)
      %scan3A_189 = arith.constant 0 : i32
      %scan3A_190 = arith.constant 4 : i32
      %scan3A_191 = arith.addi %scan3A_189, %scan3A_190 : i32
      %scan3A_192 = arith.constant 1 : i32
      scf.for %scan3A_216 = %scan3A_189 to %scan3A_191 step %scan3A_192  : i32 {
        %mul3A_217 = arith.constant 64 : i32
        %mul3A_218 = arith.muli %scan3A_158, %mul3A_217 : i32
        %mul3A_219 = arith.constant 16 : i32
        %mul3A_220 = arith.muli %scan3A_216, %mul3A_219 : i32
        %add3A_221 = arith.addi %mul3A_218, %mul3A_220 : i32
        %get3A_222 = arith.index_cast %add3A_221 : i32 to index
        %get3A_223 = tpu.vector_load %arg9[%get3A_222] {strides = array<i32>} : memref<512xi32, #tpu.memory_space<vmem>>, vector<16xi32>,
        %and3A = arith.constant 3 : i32
        %and3A_224 = vector.broadcast %and3A : i32 to vector<16xi32>
        %and3A_225 = arith.andi %get3A_223, %and3A_224 : vector<16xi32>
        %mul3A_226 = arith.constant 32 : i32
        %mul3A_227 = vector.broadcast %mul3A_226 : i32 to vector<16xi32>
        %mul3A_228 = arith.muli %and3A_225, %mul3A_227 : vector<16xi32>
        %iota3A = tpu.iota {dimensions = array<i32: 0>} : vector<16xi32>
        %mul3A_229 = arith.constant 16 : i32
        %mul3A_230 = arith.muli %scan3A_216, %mul3A_229 : i32
        %add3A_231 = vector.broadcast %mul3A_230 : i32 to vector<16xi32>
        %add3A_232 = arith.addi %iota3A, %add3A_231 : vector<16xi32>
        %add3A_233 = arith.constant 0 : i32
        %add3A_234 = vector.broadcast %add3A_233 : i32 to vector<16xi32>
        %add3A_235 = arith.addi %mul3A_228, %add3A_234 : vector<16xi32>
        %gather3A = tpu.vector_load_idx %arg17[%add3A_232, %add3A_235] : memref<64x128xf32, #tpu.memory_space<vmem>>[vector<16xi32>, vector<16xi32>], vector<16xf32>,
        %swap3A_236 = arith.constant 64 : i32
        %swap3A_237 = arith.index_cast %swap3A_236 : i32 to index
        %swap3A_238 = arith.index_cast %add3A_221 : i32 to index
        %swap3A_239 = tpu.vector_load %arg19[%swap3A_237, %swap3A_238] {strides = array<i32>} : memref<128x512xf32, #tpu.memory_space<vmem>>, vector<16xf32>,
        tpu.vector_store %arg19[%swap3A_237, %swap3A_238], %gather3A {strides = array<i32>} : memref<128x512xf32, #tpu.memory_space<vmem>>, vector<16xf32>,
        %add3A_240 = arith.constant 1 : i32
        %add3A_241 = vector.broadcast %add3A_240 : i32 to vector<16xi32>
        %add3A_242 = arith.addi %mul3A_228, %add3A_241 : vector<16xi32>
        %gather3A_243 = tpu.vector_load_idx %arg17[%add3A_232, %add3A_242] : memref<64x128xf32, #tpu.memory_space<vmem>>[vector<16xi32>, vector<16xi32>], vector<16xf32>,
        %swap3A_244 = arith.constant 65 : i32
        %swap3A_245 = arith.index_cast %swap3A_244 : i32 to index
        %swap3A_246 = arith.index_cast %add3A_221 : i32 to index
        %swap3A_247 = tpu.vector_load %arg19[%swap3A_245, %swap3A_246] {strides = array<i32>} : memref<128x512xf32, #tpu.memory_space<vmem>>, vector<16xf32>,
        tpu.vector_store %arg19[%swap3A_245, %swap3A_246], %gather3A_243 {strides = array<i32>} : memref<128x512xf32, #tpu.memory_space<vmem>>, vector<16xf32>,
        %add3A_248 = arith.constant 2 : i32
        %add3A_249 = vector.broadcast %add3A_248 : i32 to vector<16xi32>
        %add3A_250 = arith.addi %mul3A_228, %add3A_249 : vector<16xi32>
        %gather3A_251 = tpu.vector_load_idx %arg17[%add3A_232, %add3A_250] : memref<64x128xf32, #tpu.memory_space<vmem>>[vector<16xi32>, vector<16xi32>], vector<16xf32>,
        %swap3A_252 = arith.constant 66 : i32
        %swap3A_253 = arith.index_cast %swap3A_252 : i32 to index
        %swap3A_254 = arith.index_cast %add3A_221 : i32 to index
        %swap3A_255 = tpu.vector_load %arg19[%swap3A_253, %swap3A_254] {strides = array<i32>} : memref<128x512xf32, #tpu.memory_space<vmem>>, vector<16xf32>,
        tpu.vector_store %arg19[%swap3A_253, %swap3A_254], %gather3A_251 {strides = array<i32>} : memref<128x512xf32, #tpu.memory_space<vmem>>, vector<16xf32>,
        %add3A_256 = arith.constant 3 : i32
        %add3A_257 = vector.broadcast %add3A_256 : i32 to vector<16xi32>
        %add3A_258 = arith.addi %mul3A_228, %add3A_257 : vector<16xi32>
        %gather3A_259 = tpu.vector_load_idx %arg17[%add3A_232, %add3A_258] : memref<64x128xf32, #tpu.memory_space<vmem>>[vector<16xi32>, vector<16xi32>], vector<16xf32>,
        %swap3A_260 = arith.constant 67 : i32
        %swap3A_261 = arith.index_cast %swap3A_260 : i32 to index
        %swap3A_262 = arith.index_cast %add3A_221 : i32 to index
        %swap3A_263 = tpu.vector_load %arg19[%swap3A_261, %swap3A_262] {strides = array<i32>} : memref<128x512xf32, #tpu.memory_space<vmem>>, vector<16xf32>,
        tpu.vector_store %arg19[%swap3A_261, %swap3A_262], %gather3A_259 {strides = array<i32>} : memref<128x512xf32, #tpu.memory_space<vmem>>, vector<16xf32>,
        %add3A_264 = arith.constant 4 : i32
        %add3A_265 = vector.broadcast %add3A_264 : i32 to vector<16xi32>
        %add3A_266 = arith.addi %mul3A_228, %add3A_265 : vector<16xi32>
        %gather3A_267 = tpu.vector_load_idx %arg17[%add3A_232, %add3A_266] : memref<64x128xf32, #tpu.memory_space<vmem>>[vector<16xi32>, vector<16xi32>], vector<16xf32>,
        %swap3A_268 = arith.constant 68 : i32
        %swap3A_269 = arith.index_cast %swap3A_268 : i32 to index
        %swap3A_270 = arith.index_cast %add3A_221 : i32 to index
        %swap3A_271 = tpu.vector_load %arg19[%swap3A_269, %swap3A_270] {strides = array<i32>} : memref<128x512xf32, #tpu.memory_space<vmem>>, vector<16xf32>,
        tpu.vector_store %arg19[%swap3A_269, %swap3A_270], %gather3A_267 {strides = array<i32>} : memref<128x512xf32, #tpu.memory_space<vmem>>, vector<16xf32>,
        %add3A_272 = arith.constant 5 : i32
        %add3A_273 = vector.broadcast %add3A_272 : i32 to vector<16xi32>
        %add3A_274 = arith.addi %mul3A_228, %add3A_273 : vector<16xi32>
        %gather3A_275 = tpu.vector_load_idx %arg17[%add3A_232, %add3A_274] : memref<64x128xf32, #tpu.memory_space<vmem>>[vector<16xi32>, vector<16xi32>], vector<16xf32>,
        %swap3A_276 = arith.constant 69 : i32
        %swap3A_277 = arith.index_cast %swap3A_276 : i32 to index
        %swap3A_278 = arith.index_cast %add3A_221 : i32 to index
        %swap3A_279 = tpu.vector_load %arg19[%swap3A_277, %swap3A_278] {strides = array<i32>} : memref<128x512xf32, #tpu.memory_space<vmem>>, vector<16xf32>,
        tpu.vector_store %arg19[%swap3A_277, %swap3A_278], %gather3A_275 {strides = array<i32>} : memref<128x512xf32, #tpu.memory_space<vmem>>, vector<16xf32>,
        %add3A_280 = arith.constant 6 : i32
        %add3A_281 = vector.broadcast %add3A_280 : i32 to vector<16xi32>
        %add3A_282 = arith.addi %mul3A_228, %add3A_281 : vector<16xi32>
        %gather3A_283 = tpu.vector_load_idx %arg17[%add3A_232, %add3A_282] : memref<64x128xf32, #tpu.memory_space<vmem>>[vector<16xi32>, vector<16xi32>], vector<16xf32>,
        %swap3A_284 = arith.constant 70 : i32
        %swap3A_285 = arith.index_cast %swap3A_284 : i32 to index
        %swap3A_286 = arith.index_cast %add3A_221 : i32 to index
        %swap3A_287 = tpu.vector_load %arg19[%swap3A_285, %swap3A_286] {strides = array<i32>} : memref<128x512xf32, #tpu.memory_space<vmem>>, vector<16xf32>,
        tpu.vector_store %arg19[%swap3A_285, %swap3A_286], %gather3A_283 {strides = array<i32>} : memref<128x512xf32, #tpu.memory_space<vmem>>, vector<16xf32>,
        %add3A_288 = arith.constant 7 : i32
        %add3A_289 = vector.broadcast %add3A_288 : i32 to vector<16xi32>
        %add3A_290 = arith.addi %mul3A_228, %add3A_289 : vector<16xi32>
        %gather3A_291 = tpu.vector_load_idx %arg17[%add3A_232, %add3A_290] : memref<64x128xf32, #tpu.memory_space<vmem>>[vector<16xi32>, vector<16xi32>], vector<16xf32>,
        %swap3A_292 = arith.constant 71 : i32
        %swap3A_293 = arith.index_cast %swap3A_292 : i32 to index
        %swap3A_294 = arith.index_cast %add3A_221 : i32 to index
        %swap3A_295 = tpu.vector_load %arg19[%swap3A_293, %swap3A_294] {strides = array<i32>} : memref<128x512xf32, #tpu.memory_space<vmem>>, vector<16xf32>,
        tpu.vector_store %arg19[%swap3A_293, %swap3A_294], %gather3A_291 {strides = array<i32>} : memref<128x512xf32, #tpu.memory_space<vmem>>, vector<16xf32>,
        %add3A_296 = arith.constant 8 : i32
        %add3A_297 = vector.broadcast %add3A_296 : i32 to vector<16xi32>
        %add3A_298 = arith.addi %mul3A_228, %add3A_297 : vector<16xi32>
        %gather3A_299 = tpu.vector_load_idx %arg17[%add3A_232, %add3A_298] : memref<64x128xf32, #tpu.memory_space<vmem>>[vector<16xi32>, vector<16xi32>], vector<16xf32>,
        %swap3A_300 = arith.constant 72 : i32
        %swap3A_301 = arith.index_cast %swap3A_300 : i32 to index
        %swap3A_302 = arith.index_cast %add3A_221 : i32 to index
        %swap3A_303 = tpu.vector_load %arg19[%swap3A_301, %swap3A_302] {strides = array<i32>} : memref<128x512xf32, #tpu.memory_space<vmem>>, vector<16xf32>,
        tpu.vector_store %arg19[%swap3A_301, %swap3A_302], %gather3A_299 {strides = array<i32>} : memref<128x512xf32, #tpu.memory_space<vmem>>, vector<16xf32>,
        %add3A_304 = arith.constant 9 : i32
        %add3A_305 = vector.broadcast %add3A_304 : i32 to vector<16xi32>
        %add3A_306 = arith.addi %mul3A_228, %add3A_305 : vector<16xi32>
        %gather3A_307 = tpu.vector_load_idx %arg17[%add3A_232, %add3A_306] : memref<64x128xf32, #tpu.memory_space<vmem>>[vector<16xi32>, vector<16xi32>], vector<16xf32>,
        %swap3A_308 = arith.constant 73 : i32
        %swap3A_309 = arith.index_cast %swap3A_308 : i32 to index
        %swap3A_310 = arith.index_cast %add3A_221 : i32 to index
        %swap3A_311 = tpu.vector_load %arg19[%swap3A_309, %swap3A_310] {strides = array<i32>} : memref<128x512xf32, #tpu.memory_space<vmem>>, vector<16xf32>,
        tpu.vector_store %arg19[%swap3A_309, %swap3A_310], %gather3A_307 {strides = array<i32>} : memref<128x512xf32, #tpu.memory_space<vmem>>, vector<16xf32>,
        %add3A_312 = arith.constant 10 : i32
        %add3A_313 = vector.broadcast %add3A_312 : i32 to vector<16xi32>
        %add3A_314 = arith.addi %mul3A_228, %add3A_313 : vector<16xi32>
        %gather3A_315 = tpu.vector_load_idx %arg17[%add3A_232, %add3A_314] : memref<64x128xf32, #tpu.memory_space<vmem>>[vector<16xi32>, vector<16xi32>], vector<16xf32>,
        %swap3A_316 = arith.constant 74 : i32
        %swap3A_317 = arith.index_cast %swap3A_316 : i32 to index
        %swap3A_318 = arith.index_cast %add3A_221 : i32 to index
        %swap3A_319 = tpu.vector_load %arg19[%swap3A_317, %swap3A_318] {strides = array<i32>} : memref<128x512xf32, #tpu.memory_space<vmem>>, vector<16xf32>,
        tpu.vector_store %arg19[%swap3A_317, %swap3A_318], %gather3A_315 {strides = array<i32>} : memref<128x512xf32, #tpu.memory_space<vmem>>, vector<16xf32>,
        %add3A_320 = arith.constant 11 : i32
        %add3A_321 = vector.broadcast %add3A_320 : i32 to vector<16xi32>
        %add3A_322 = arith.addi %mul3A_228, %add3A_321 : vector<16xi32>
        %gather3A_323 = tpu.vector_load_idx %arg17[%add3A_232, %add3A_322] : memref<64x128xf32, #tpu.memory_space<vmem>>[vector<16xi32>, vector<16xi32>], vector<16xf32>,
        %swap3A_324 = arith.constant 75 : i32
        %swap3A_325 = arith.index_cast %swap3A_324 : i32 to index
        %swap3A_326 = arith.index_cast %add3A_221 : i32 to index
        %swap3A_327 = tpu.vector_load %arg19[%swap3A_325, %swap3A_326] {strides = array<i32>} : memref<128x512xf32, #tpu.memory_space<vmem>>, vector<16xf32>,
        tpu.vector_store %arg19[%swap3A_325, %swap3A_326], %gather3A_323 {strides = array<i32>} : memref<128x512xf32, #tpu.memory_space<vmem>>, vector<16xf32>,
        %add3A_328 = arith.constant 12 : i32
        %add3A_329 = vector.broadcast %add3A_328 : i32 to vector<16xi32>
        %add3A_330 = arith.addi %mul3A_228, %add3A_329 : vector<16xi32>
        %gather3A_331 = tpu.vector_load_idx %arg17[%add3A_232, %add3A_330] : memref<64x128xf32, #tpu.memory_space<vmem>>[vector<16xi32>, vector<16xi32>], vector<16xf32>,
        %swap3A_332 = arith.constant 76 : i32
        %swap3A_333 = arith.index_cast %swap3A_332 : i32 to index
        %swap3A_334 = arith.index_cast %add3A_221 : i32 to index
        %swap3A_335 = tpu.vector_load %arg19[%swap3A_333, %swap3A_334] {strides = array<i32>} : memref<128x512xf32, #tpu.memory_space<vmem>>, vector<16xf32>,
        tpu.vector_store %arg19[%swap3A_333, %swap3A_334], %gather3A_331 {strides = array<i32>} : memref<128x512xf32, #tpu.memory_space<vmem>>, vector<16xf32>,
        %add3A_336 = arith.constant 13 : i32
        %add3A_337 = vector.broadcast %add3A_336 : i32 to vector<16xi32>
        %add3A_338 = arith.addi %mul3A_228, %add3A_337 : vector<16xi32>
        %gather3A_339 = tpu.vector_load_idx %arg17[%add3A_232, %add3A_338] : memref<64x128xf32, #tpu.memory_space<vmem>>[vector<16xi32>, vector<16xi32>], vector<16xf32>,
        %swap3A_340 = arith.constant 77 : i32
        %swap3A_341 = arith.index_cast %swap3A_340 : i32 to index
        %swap3A_342 = arith.index_cast %add3A_221 : i32 to index
        %swap3A_343 = tpu.vector_load %arg19[%swap3A_341, %swap3A_342] {strides = array<i32>} : memref<128x512xf32, #tpu.memory_space<vmem>>, vector<16xf32>,
        tpu.vector_store %arg19[%swap3A_341, %swap3A_342], %gather3A_339 {strides = array<i32>} : memref<128x512xf32, #tpu.memory_space<vmem>>, vector<16xf32>,
        %add3A_344 = arith.constant 14 : i32
        %add3A_345 = vector.broadcast %add3A_344 : i32 to vector<16xi32>
        %add3A_346 = arith.addi %mul3A_228, %add3A_345 : vector<16xi32>
        %gather3A_347 = tpu.vector_load_idx %arg17[%add3A_232, %add3A_346] : memref<64x128xf32, #tpu.memory_space<vmem>>[vector<16xi32>, vector<16xi32>], vector<16xf32>,
        %swap3A_348 = arith.constant 78 : i32
        %swap3A_349 = arith.index_cast %swap3A_348 : i32 to index
        %swap3A_350 = arith.index_cast %add3A_221 : i32 to index
        %swap3A_351 = tpu.vector_load %arg19[%swap3A_349, %swap3A_350] {strides = array<i32>} : memref<128x512xf32, #tpu.memory_space<vmem>>, vector<16xf32>,
        tpu.vector_store %arg19[%swap3A_349, %swap3A_350], %gather3A_347 {strides = array<i32>} : memref<128x512xf32, #tpu.memory_space<vmem>>, vector<16xf32>,
        %add3A_352 = arith.constant 15 : i32
        %add3A_353 = vector.broadcast %add3A_352 : i32 to vector<16xi32>
        %add3A_354 = arith.addi %mul3A_228, %add3A_353 : vector<16xi32>
        %gather3A_355 = tpu.vector_load_idx %arg17[%add3A_232, %add3A_354] : memref<64x128xf32, #tpu.memory_space<vmem>>[vector<16xi32>, vector<16xi32>], vector<16xf32>,
        %swap3A_356 = arith.constant 79 : i32
        %swap3A_357 = arith.index_cast %swap3A_356 : i32 to index
        %swap3A_358 = arith.index_cast %add3A_221 : i32 to index
        %swap3A_359 = tpu.vector_load %arg19[%swap3A_357, %swap3A_358] {strides = array<i32>} : memref<128x512xf32, #tpu.memory_space<vmem>>, vector<16xf32>,
        tpu.vector_store %arg19[%swap3A_357, %swap3A_358], %gather3A_355 {strides = array<i32>} : memref<128x512xf32, #tpu.memory_space<vmem>>, vector<16xf32>,
        %add3A_360 = arith.constant 16 : i32
        %add3A_361 = vector.broadcast %add3A_360 : i32 to vector<16xi32>
        %add3A_362 = arith.addi %mul3A_228, %add3A_361 : vector<16xi32>
        %gather3A_363 = tpu.vector_load_idx %arg17[%add3A_232, %add3A_362] : memref<64x128xf32, #tpu.memory_space<vmem>>[vector<16xi32>, vector<16xi32>], vector<16xf32>,
        %swap3A_364 = arith.constant 80 : i32
        %swap3A_365 = arith.index_cast %swap3A_364 : i32 to index
        %swap3A_366 = arith.index_cast %add3A_221 : i32 to index
        %swap3A_367 = tpu.vector_load %arg19[%swap3A_365, %swap3A_366] {strides = array<i32>} : memref<128x512xf32, #tpu.memory_space<vmem>>, vector<16xf32>,
        tpu.vector_store %arg19[%swap3A_365, %swap3A_366], %gather3A_363 {strides = array<i32>} : memref<128x512xf32, #tpu.memory_space<vmem>>, vector<16xf32>,
        %add3A_368 = arith.constant 17 : i32
        %add3A_369 = vector.broadcast %add3A_368 : i32 to vector<16xi32>
        %add3A_370 = arith.addi %mul3A_228, %add3A_369 : vector<16xi32>
        %gather3A_371 = tpu.vector_load_idx %arg17[%add3A_232, %add3A_370] : memref<64x128xf32, #tpu.memory_space<vmem>>[vector<16xi32>, vector<16xi32>], vector<16xf32>,
        %swap3A_372 = arith.constant 81 : i32
        %swap3A_373 = arith.index_cast %swap3A_372 : i32 to index
        %swap3A_374 = arith.index_cast %add3A_221 : i32 to index
        %swap3A_375 = tpu.vector_load %arg19[%swap3A_373, %swap3A_374] {strides = array<i32>} : memref<128x512xf32, #tpu.memory_space<vmem>>, vector<16xf32>,
        tpu.vector_store %arg19[%swap3A_373, %swap3A_374], %gather3A_371 {strides = array<i32>} : memref<128x512xf32, #tpu.memory_space<vmem>>, vector<16xf32>,
        %add3A_376 = arith.constant 18 : i32
        %add3A_377 = vector.broadcast %add3A_376 : i32 to vector<16xi32>
        %add3A_378 = arith.addi %mul3A_228, %add3A_377 : vector<16xi32>
        %gather3A_379 = tpu.vector_load_idx %arg17[%add3A_232, %add3A_378] : memref<64x128xf32, #tpu.memory_space<vmem>>[vector<16xi32>, vector<16xi32>], vector<16xf32>,
        %swap3A_380 = arith.constant 82 : i32
        %swap3A_381 = arith.index_cast %swap3A_380 : i32 to index
        %swap3A_382 = arith.index_cast %add3A_221 : i32 to index
        %swap3A_383 = tpu.vector_load %arg19[%swap3A_381, %swap3A_382] {strides = array<i32>} : memref<128x512xf32, #tpu.memory_space<vmem>>, vector<16xf32>,
        tpu.vector_store %arg19[%swap3A_381, %swap3A_382], %gather3A_379 {strides = array<i32>} : memref<128x512xf32, #tpu.memory_space<vmem>>, vector<16xf32>,
        %add3A_384 = arith.constant 19 : i32
        %add3A_385 = vector.broadcast %add3A_384 : i32 to vector<16xi32>
        %add3A_386 = arith.addi %mul3A_228, %add3A_385 : vector<16xi32>
        %gather3A_387 = tpu.vector_load_idx %arg17[%add3A_232, %add3A_386] : memref<64x128xf32, #tpu.memory_space<vmem>>[vector<16xi32>, vector<16xi32>], vector<16xf32>,
        %swap3A_388 = arith.constant 83 : i32
        %swap3A_389 = arith.index_cast %swap3A_388 : i32 to index
        %swap3A_390 = arith.index_cast %add3A_221 : i32 to index
        %swap3A_391 = tpu.vector_load %arg19[%swap3A_389, %swap3A_390] {strides = array<i32>} : memref<128x512xf32, #tpu.memory_space<vmem>>, vector<16xf32>,
        tpu.vector_store %arg19[%swap3A_389, %swap3A_390], %gather3A_387 {strides = array<i32>} : memref<128x512xf32, #tpu.memory_space<vmem>>, vector<16xf32>,
        %add3A_392 = arith.constant 20 : i32
        %add3A_393 = vector.broadcast %add3A_392 : i32 to vector<16xi32>
        %add3A_394 = arith.addi %mul3A_228, %add3A_393 : vector<16xi32>
        %gather3A_395 = tpu.vector_load_idx %arg17[%add3A_232, %add3A_394] : memref<64x128xf32, #tpu.memory_space<vmem>>[vector<16xi32>, vector<16xi32>], vector<16xf32>,
        %swap3A_396 = arith.constant 84 : i32
        %swap3A_397 = arith.index_cast %swap3A_396 : i32 to index
        %swap3A_398 = arith.index_cast %add3A_221 : i32 to index
        %swap3A_399 = tpu.vector_load %arg19[%swap3A_397, %swap3A_398] {strides = array<i32>} : memref<128x512xf32, #tpu.memory_space<vmem>>, vector<16xf32>,
        tpu.vector_store %arg19[%swap3A_397, %swap3A_398], %gather3A_395 {strides = array<i32>} : memref<128x512xf32, #tpu.memory_space<vmem>>, vector<16xf32>,
        %add3A_400 = arith.constant 21 : i32
        %add3A_401 = vector.broadcast %add3A_400 : i32 to vector<16xi32>
        %add3A_402 = arith.addi %mul3A_228, %add3A_401 : vector<16xi32>
        %gather3A_403 = tpu.vector_load_idx %arg17[%add3A_232, %add3A_402] : memref<64x128xf32, #tpu.memory_space<vmem>>[vector<16xi32>, vector<16xi32>], vector<16xf32>,
        %swap3A_404 = arith.constant 85 : i32
        %swap3A_405 = arith.index_cast %swap3A_404 : i32 to index
        %swap3A_406 = arith.index_cast %add3A_221 : i32 to index
        %swap3A_407 = tpu.vector_load %arg19[%swap3A_405, %swap3A_406] {strides = array<i32>} : memref<128x512xf32, #tpu.memory_space<vmem>>, vector<16xf32>,
        tpu.vector_store %arg19[%swap3A_405, %swap3A_406], %gather3A_403 {strides = array<i32>} : memref<128x512xf32, #tpu.memory_space<vmem>>, vector<16xf32>,
        %add3A_408 = arith.constant 22 : i32
        %add3A_409 = vector.broadcast %add3A_408 : i32 to vector<16xi32>
        %add3A_410 = arith.addi %mul3A_228, %add3A_409 : vector<16xi32>
        %gather3A_411 = tpu.vector_load_idx %arg17[%add3A_232, %add3A_410] : memref<64x128xf32, #tpu.memory_space<vmem>>[vector<16xi32>, vector<16xi32>], vector<16xf32>,
        %swap3A_412 = arith.constant 86 : i32
        %swap3A_413 = arith.index_cast %swap3A_412 : i32 to index
        %swap3A_414 = arith.index_cast %add3A_221 : i32 to index
        %swap3A_415 = tpu.vector_load %arg19[%swap3A_413, %swap3A_414] {strides = array<i32>} : memref<128x512xf32, #tpu.memory_space<vmem>>, vector<16xf32>,
        tpu.vector_store %arg19[%swap3A_413, %swap3A_414], %gather3A_411 {strides = array<i32>} : memref<128x512xf32, #tpu.memory_space<vmem>>, vector<16xf32>,
        %add3A_416 = arith.constant 23 : i32
        %add3A_417 = vector.broadcast %add3A_416 : i32 to vector<16xi32>
        %add3A_418 = arith.addi %mul3A_228, %add3A_417 : vector<16xi32>
        %gather3A_419 = tpu.vector_load_idx %arg17[%add3A_232, %add3A_418] : memref<64x128xf32, #tpu.memory_space<vmem>>[vector<16xi32>, vector<16xi32>], vector<16xf32>,
        %swap3A_420 = arith.constant 87 : i32
        %swap3A_421 = arith.index_cast %swap3A_420 : i32 to index
        %swap3A_422 = arith.index_cast %add3A_221 : i32 to index
        %swap3A_423 = tpu.vector_load %arg19[%swap3A_421, %swap3A_422] {strides = array<i32>} : memref<128x512xf32, #tpu.memory_space<vmem>>, vector<16xf32>,
        tpu.vector_store %arg19[%swap3A_421, %swap3A_422], %gather3A_419 {strides = array<i32>} : memref<128x512xf32, #tpu.memory_space<vmem>>, vector<16xf32>,
        %add3A_424 = arith.constant 24 : i32
        %add3A_425 = vector.broadcast %add3A_424 : i32 to vector<16xi32>
        %add3A_426 = arith.addi %mul3A_228, %add3A_425 : vector<16xi32>
        %gather3A_427 = tpu.vector_load_idx %arg17[%add3A_232, %add3A_426] : memref<64x128xf32, #tpu.memory_space<vmem>>[vector<16xi32>, vector<16xi32>], vector<16xf32>,
        %swap3A_428 = arith.constant 88 : i32
        %swap3A_429 = arith.index_cast %swap3A_428 : i32 to index
        %swap3A_430 = arith.index_cast %add3A_221 : i32 to index
        %swap3A_431 = tpu.vector_load %arg19[%swap3A_429, %swap3A_430] {strides = array<i32>} : memref<128x512xf32, #tpu.memory_space<vmem>>, vector<16xf32>,
        tpu.vector_store %arg19[%swap3A_429, %swap3A_430], %gather3A_427 {strides = array<i32>} : memref<128x512xf32, #tpu.memory_space<vmem>>, vector<16xf32>,
        %add3A_432 = arith.constant 25 : i32
        %add3A_433 = vector.broadcast %add3A_432 : i32 to vector<16xi32>
        %add3A_434 = arith.addi %mul3A_228, %add3A_433 : vector<16xi32>
        %gather3A_435 = tpu.vector_load_idx %arg17[%add3A_232, %add3A_434] : memref<64x128xf32, #tpu.memory_space<vmem>>[vector<16xi32>, vector<16xi32>], vector<16xf32>,
        %swap3A_436 = arith.constant 89 : i32
        %swap3A_437 = arith.index_cast %swap3A_436 : i32 to index
        %swap3A_438 = arith.index_cast %add3A_221 : i32 to index
        %swap3A_439 = tpu.vector_load %arg19[%swap3A_437, %swap3A_438] {strides = array<i32>} : memref<128x512xf32, #tpu.memory_space<vmem>>, vector<16xf32>,
        tpu.vector_store %arg19[%swap3A_437, %swap3A_438], %gather3A_435 {strides = array<i32>} : memref<128x512xf32, #tpu.memory_space<vmem>>, vector<16xf32>,
        %add3A_440 = arith.constant 26 : i32
        %add3A_441 = vector.broadcast %add3A_440 : i32 to vector<16xi32>
        %add3A_442 = arith.addi %mul3A_228, %add3A_441 : vector<16xi32>
        %gather3A_443 = tpu.vector_load_idx %arg17[%add3A_232, %add3A_442] : memref<64x128xf32, #tpu.memory_space<vmem>>[vector<16xi32>, vector<16xi32>], vector<16xf32>,
        %swap3A_444 = arith.constant 90 : i32
        %swap3A_445 = arith.index_cast %swap3A_444 : i32 to index
        %swap3A_446 = arith.index_cast %add3A_221 : i32 to index
        %swap3A_447 = tpu.vector_load %arg19[%swap3A_445, %swap3A_446] {strides = array<i32>} : memref<128x512xf32, #tpu.memory_space<vmem>>, vector<16xf32>,
        tpu.vector_store %arg19[%swap3A_445, %swap3A_446], %gather3A_443 {strides = array<i32>} : memref<128x512xf32, #tpu.memory_space<vmem>>, vector<16xf32>,
        %add3A_448 = arith.constant 27 : i32
        %add3A_449 = vector.broadcast %add3A_448 : i32 to vector<16xi32>
        %add3A_450 = arith.addi %mul3A_228, %add3A_449 : vector<16xi32>
        %gather3A_451 = tpu.vector_load_idx %arg17[%add3A_232, %add3A_450] : memref<64x128xf32, #tpu.memory_space<vmem>>[vector<16xi32>, vector<16xi32>], vector<16xf32>,
        %swap3A_452 = arith.constant 91 : i32
        %swap3A_453 = arith.index_cast %swap3A_452 : i32 to index
        %swap3A_454 = arith.index_cast %add3A_221 : i32 to index
        %swap3A_455 = tpu.vector_load %arg19[%swap3A_453, %swap3A_454] {strides = array<i32>} : memref<128x512xf32, #tpu.memory_space<vmem>>, vector<16xf32>,
        tpu.vector_store %arg19[%swap3A_453, %swap3A_454], %gather3A_451 {strides = array<i32>} : memref<128x512xf32, #tpu.memory_space<vmem>>, vector<16xf32>,
        %add3A_456 = arith.constant 28 : i32
        %add3A_457 = vector.broadcast %add3A_456 : i32 to vector<16xi32>
        %add3A_458 = arith.addi %mul3A_228, %add3A_457 : vector<16xi32>
        %gather3A_459 = tpu.vector_load_idx %arg17[%add3A_232, %add3A_458] : memref<64x128xf32, #tpu.memory_space<vmem>>[vector<16xi32>, vector<16xi32>], vector<16xf32>,
        %swap3A_460 = arith.constant 92 : i32
        %swap3A_461 = arith.index_cast %swap3A_460 : i32 to index
        %swap3A_462 = arith.index_cast %add3A_221 : i32 to index
        %swap3A_463 = tpu.vector_load %arg19[%swap3A_461, %swap3A_462] {strides = array<i32>} : memref<128x512xf32, #tpu.memory_space<vmem>>, vector<16xf32>,
        tpu.vector_store %arg19[%swap3A_461, %swap3A_462], %gather3A_459 {strides = array<i32>} : memref<128x512xf32, #tpu.memory_space<vmem>>, vector<16xf32>,
        %add3A_464 = arith.constant 29 : i32
        %add3A_465 = vector.broadcast %add3A_464 : i32 to vector<16xi32>
        %add3A_466 = arith.addi %mul3A_228, %add3A_465 : vector<16xi32>
        %gather3A_467 = tpu.vector_load_idx %arg17[%add3A_232, %add3A_466] : memref<64x128xf32, #tpu.memory_space<vmem>>[vector<16xi32>, vector<16xi32>], vector<16xf32>,
        %swap3A_468 = arith.constant 93 : i32
        %swap3A_469 = arith.index_cast %swap3A_468 : i32 to index
        %swap3A_470 = arith.index_cast %add3A_221 : i32 to index
        %swap3A_471 = tpu.vector_load %arg19[%swap3A_469, %swap3A_470] {strides = array<i32>} : memref<128x512xf32, #tpu.memory_space<vmem>>, vector<16xf32>,
        tpu.vector_store %arg19[%swap3A_469, %swap3A_470], %gather3A_467 {strides = array<i32>} : memref<128x512xf32, #tpu.memory_space<vmem>>, vector<16xf32>,
        %add3A_472 = arith.constant 30 : i32
        %add3A_473 = vector.broadcast %add3A_472 : i32 to vector<16xi32>
        %add3A_474 = arith.addi %mul3A_228, %add3A_473 : vector<16xi32>
        %gather3A_475 = tpu.vector_load_idx %arg17[%add3A_232, %add3A_474] : memref<64x128xf32, #tpu.memory_space<vmem>>[vector<16xi32>, vector<16xi32>], vector<16xf32>,
        %swap3A_476 = arith.constant 94 : i32
        %swap3A_477 = arith.index_cast %swap3A_476 : i32 to index
        %swap3A_478 = arith.index_cast %add3A_221 : i32 to index
        %swap3A_479 = tpu.vector_load %arg19[%swap3A_477, %swap3A_478] {strides = array<i32>} : memref<128x512xf32, #tpu.memory_space<vmem>>, vector<16xf32>,
        tpu.vector_store %arg19[%swap3A_477, %swap3A_478], %gather3A_475 {strides = array<i32>} : memref<128x512xf32, #tpu.memory_space<vmem>>, vector<16xf32>,
        %add3A_480 = arith.constant 31 : i32
        %add3A_481 = vector.broadcast %add3A_480 : i32 to vector<16xi32>
        %add3A_482 = arith.addi %mul3A_228, %add3A_481 : vector<16xi32>
        %gather3A_483 = tpu.vector_load_idx %arg17[%add3A_232, %add3A_482] : memref<64x128xf32, #tpu.memory_space<vmem>>[vector<16xi32>, vector<16xi32>], vector<16xf32>,
        %swap3A_484 = arith.constant 95 : i32
        %swap3A_485 = arith.index_cast %swap3A_484 : i32 to index
        %swap3A_486 = arith.index_cast %add3A_221 : i32 to index
        %swap3A_487 = tpu.vector_load %arg19[%swap3A_485, %swap3A_486] {strides = array<i32>} : memref<128x512xf32, #tpu.memory_space<vmem>>, vector<16xf32>,
        tpu.vector_store %arg19[%swap3A_485, %swap3A_486], %gather3A_483 {strides = array<i32>} : memref<128x512xf32, #tpu.memory_space<vmem>>, vector<16xf32>,
      }
      %scan3A_193 = arith.constant 4 : i32
      %add3A_194 = arith.constant 1 : i32
      %add3A_195 = arith.addi %scan3A_158, %add3A_194 : i32
      %lt3A_196 = arith.constant 8 : i32
      %lt3A_197 = arith.cmpi slt, %add3A_195, %lt3A_196 : i32
      %convert_element_type3A_198 = arith.extui %lt3A_197 : i1 to i32
      %cond3A_199 = arith.constant 0 : i32
      %cond3A_200 = arith.cmpi ne, %convert_element_type3A_198, %cond3A_199 : i32
      scf.if %cond3A_200 {
        %add3A_216 = arith.constant 1 : i32
        %add3A_217 = arith.addi %scan3A_158, %add3A_216 : i32
        %mul3A_218 = arith.constant 64 : i32
        %mul3A_219 = arith.muli %add3A_217, %mul3A_218 : i32
        %add3A_220 = arith.constant 0 : i32
        %add3A_221 = arith.addi %mul3A_219, %add3A_220 : i32
        %get3A_222 = arith.index_cast %add3A_221 : i32 to index
        %get3A_223 = tpu.vector_load %arg9[%get3A_222] {strides = array<i32>} : memref<512xi32, #tpu.memory_space<vmem>>, vector<16xi32>,
        %shift_right_logical3A_224 = arith.constant 2 : i32
        %shift_right_logical3A_225 = vector.broadcast %shift_right_logical3A_224 : i32 to vector<16xi32>
        %shift_right_logical3A_226 = arith.shrui %get3A_223, %shift_right_logical3A_225 : vector<16xi32>
        %swap3A_227 = arith.constant 0 : index
        %swap3A_228 = tpu.vector_load %arg13[%swap3A_227] {strides = array<i32>} : memref<64xi32, #tpu.memory_space<vmem>>, vector<16xi32>,
        tpu.vector_store %arg13[%swap3A_227], %shift_right_logical3A_226 {strides = array<i32>} : memref<64xi32, #tpu.memory_space<vmem>>, vector<16xi32>,
        %mul3A_229 = arith.constant 64 : i32
        %mul3A_230 = arith.muli %add3A_217, %mul3A_229 : i32
        %add3A_231 = arith.constant 16 : i32
        %add3A_232 = arith.addi %mul3A_230, %add3A_231 : i32
        %get3A_233 = arith.index_cast %add3A_232 : i32 to index
        %get3A_234 = tpu.vector_load %arg9[%get3A_233] {strides = array<i32>} : memref<512xi32, #tpu.memory_space<vmem>>, vector<16xi32>,
        %shift_right_logical3A_235 = arith.constant 2 : i32
        %shift_right_logical3A_236 = vector.broadcast %shift_right_logical3A_235 : i32 to vector<16xi32>
        %shift_right_logical3A_237 = arith.shrui %get3A_234, %shift_right_logical3A_236 : vector<16xi32>
        %swap3A_238 = arith.constant 16 : index
        %swap3A_239 = tpu.vector_load %arg13[%swap3A_238] {strides = array<i32>} : memref<64xi32, #tpu.memory_space<vmem>>, vector<16xi32>,
        tpu.vector_store %arg13[%swap3A_238], %shift_right_logical3A_237 {strides = array<i32>} : memref<64xi32, #tpu.memory_space<vmem>>, vector<16xi32>,
        %mul3A_240 = arith.constant 64 : i32
        %mul3A_241 = arith.muli %add3A_217, %mul3A_240 : i32
        %add3A_242 = arith.constant 32 : i32
        %add3A_243 = arith.addi %mul3A_241, %add3A_242 : i32
        %get3A_244 = arith.index_cast %add3A_243 : i32 to index
        %get3A_245 = tpu.vector_load %arg9[%get3A_244] {strides = array<i32>} : memref<512xi32, #tpu.memory_space<vmem>>, vector<16xi32>,
        %shift_right_logical3A_246 = arith.constant 2 : i32
        %shift_right_logical3A_247 = vector.broadcast %shift_right_logical3A_246 : i32 to vector<16xi32>
        %shift_right_logical3A_248 = arith.shrui %get3A_245, %shift_right_logical3A_247 : vector<16xi32>
        %swap3A_249 = arith.constant 32 : index
        %swap3A_250 = tpu.vector_load %arg13[%swap3A_249] {strides = array<i32>} : memref<64xi32, #tpu.memory_space<vmem>>, vector<16xi32>,
        tpu.vector_store %arg13[%swap3A_249], %shift_right_logical3A_248 {strides = array<i32>} : memref<64xi32, #tpu.memory_space<vmem>>, vector<16xi32>,
        %mul3A_251 = arith.constant 64 : i32
        %mul3A_252 = arith.muli %add3A_217, %mul3A_251 : i32
        %add3A_253 = arith.constant 48 : i32
        %add3A_254 = arith.addi %mul3A_252, %add3A_253 : i32
        %get3A_255 = arith.index_cast %add3A_254 : i32 to index
        %get3A_256 = tpu.vector_load %arg9[%get3A_255] {strides = array<i32>} : memref<512xi32, #tpu.memory_space<vmem>>, vector<16xi32>,
        %shift_right_logical3A_257 = arith.constant 2 : i32
        %shift_right_logical3A_258 = vector.broadcast %shift_right_logical3A_257 : i32 to vector<16xi32>
        %shift_right_logical3A_259 = arith.shrui %get3A_256, %shift_right_logical3A_258 : vector<16xi32>
        %swap3A_260 = arith.constant 48 : index
        %swap3A_261 = tpu.vector_load %arg13[%swap3A_260] {strides = array<i32>} : memref<64xi32, #tpu.memory_space<vmem>>, vector<16xi32>,
        tpu.vector_store %arg13[%swap3A_260], %shift_right_logical3A_259 {strides = array<i32>} : memref<64xi32, #tpu.memory_space<vmem>>, vector<16xi32>,
        %dma_start3A_262 = arith.constant 0 : i32
        %dma_start3A_263 = arith.constant 0 : i32
        %dma_start3A_264 = tpu.memref_slice %arg4[%dma_start3A_262, %dma_start3A_263] : memref<25000x128xf32, #tpu.memory_space<hbm>> -> memref<25000x128xf32, #tpu.memory_space<hbm>>
        tpu.enqueue_indirect_dma source(%dma_start3A_264 : memref<25000x128xf32, #tpu.memory_space<hbm>>) target(%arg17 : memref<64x128xf32, #tpu.memory_space<vmem>>) offsets(%arg13 : memref<64xi32, #tpu.memory_space<vmem>>) semaphore(%arg22 : memref<!tpu.dma_semaphore, #tpu.memory_space<semaphore_mem>>)
      } else {
      }
      %dma_wait3A_201 = arith.constant 0 : i32
      %dma_wait3A_202 = arith.constant 0 : i32
      %dma_wait3A_203 = tpu.memref_slice %arg5[%dma_wait3A_201, %dma_wait3A_202] : memref<25000x128xf32, #tpu.memory_space<hbm>> -> memref<25000x128xf32, #tpu.memory_space<hbm>>
      tpu.wait_indirect_dma semaphore(%arg23 : memref<!tpu.dma_semaphore, #tpu.memory_space<semaphore_mem>>) src(%dma_wait3A_203 : memref<25000x128xf32, #tpu.memory_space<hbm>>) dst(%arg18 : memref<64x128xf32, #tpu.memory_space<vmem>>)
      %scan3A_204 = arith.constant 0 : i32
      %scan3A_205 = arith.constant 4 : i32
      %scan3A_206 = arith.addi %scan3A_204, %scan3A_205 : i32
      %scan3A_207 = arith.constant 1 : i32
      scf.for %scan3A_216 = %scan3A_204 to %scan3A_206 step %scan3A_207  : i32 {
        %mul3A_217 = arith.constant 64 : i32
        %mul3A_218 = arith.muli %scan3A_158, %mul3A_217 : i32
        %mul3A_219 = arith.constant 16 : i32
        %mul3A_220 = arith.muli %scan3A_216, %mul3A_219 : i32
        %add3A_221 = arith.addi %mul3A_218, %mul3A_220 : i32
        %get3A_222 = arith.index_cast %add3A_221 : i32 to index
        %get3A_223 = tpu.vector_load %arg10[%get3A_222] {strides = array<i32>} : memref<512xi32, #tpu.memory_space<vmem>>, vector<16xi32>,
        %and3A = arith.constant 3 : i32
        %and3A_224 = vector.broadcast %and3A : i32 to vector<16xi32>
        %and3A_225 = arith.andi %get3A_223, %and3A_224 : vector<16xi32>
        %mul3A_226 = arith.constant 32 : i32
        %mul3A_227 = vector.broadcast %mul3A_226 : i32 to vector<16xi32>
        %mul3A_228 = arith.muli %and3A_225, %mul3A_227 : vector<16xi32>
        %iota3A = tpu.iota {dimensions = array<i32: 0>} : vector<16xi32>
        %mul3A_229 = arith.constant 16 : i32
        %mul3A_230 = arith.muli %scan3A_216, %mul3A_229 : i32
        %add3A_231 = vector.broadcast %mul3A_230 : i32 to vector<16xi32>
        %add3A_232 = arith.addi %iota3A, %add3A_231 : vector<16xi32>
        %add3A_233 = arith.constant 0 : i32
        %add3A_234 = vector.broadcast %add3A_233 : i32 to vector<16xi32>
        %add3A_235 = arith.addi %mul3A_228, %add3A_234 : vector<16xi32>
        %gather3A = tpu.vector_load_idx %arg18[%add3A_232, %add3A_235] : memref<64x128xf32, #tpu.memory_space<vmem>>[vector<16xi32>, vector<16xi32>], vector<16xf32>,
        %swap3A_236 = arith.constant 96 : i32
        %swap3A_237 = arith.index_cast %swap3A_236 : i32 to index
        %swap3A_238 = arith.index_cast %add3A_221 : i32 to index
        %swap3A_239 = tpu.vector_load %arg19[%swap3A_237, %swap3A_238] {strides = array<i32>} : memref<128x512xf32, #tpu.memory_space<vmem>>, vector<16xf32>,
        tpu.vector_store %arg19[%swap3A_237, %swap3A_238], %gather3A {strides = array<i32>} : memref<128x512xf32, #tpu.memory_space<vmem>>, vector<16xf32>,
        %add3A_240 = arith.constant 1 : i32
        %add3A_241 = vector.broadcast %add3A_240 : i32 to vector<16xi32>
        %add3A_242 = arith.addi %mul3A_228, %add3A_241 : vector<16xi32>
        %gather3A_243 = tpu.vector_load_idx %arg18[%add3A_232, %add3A_242] : memref<64x128xf32, #tpu.memory_space<vmem>>[vector<16xi32>, vector<16xi32>], vector<16xf32>,
        %swap3A_244 = arith.constant 97 : i32
        %swap3A_245 = arith.index_cast %swap3A_244 : i32 to index
        %swap3A_246 = arith.index_cast %add3A_221 : i32 to index
        %swap3A_247 = tpu.vector_load %arg19[%swap3A_245, %swap3A_246] {strides = array<i32>} : memref<128x512xf32, #tpu.memory_space<vmem>>, vector<16xf32>,
        tpu.vector_store %arg19[%swap3A_245, %swap3A_246], %gather3A_243 {strides = array<i32>} : memref<128x512xf32, #tpu.memory_space<vmem>>, vector<16xf32>,
        %add3A_248 = arith.constant 2 : i32
        %add3A_249 = vector.broadcast %add3A_248 : i32 to vector<16xi32>
        %add3A_250 = arith.addi %mul3A_228, %add3A_249 : vector<16xi32>
        %gather3A_251 = tpu.vector_load_idx %arg18[%add3A_232, %add3A_250] : memref<64x128xf32, #tpu.memory_space<vmem>>[vector<16xi32>, vector<16xi32>], vector<16xf32>,
        %swap3A_252 = arith.constant 98 : i32
        %swap3A_253 = arith.index_cast %swap3A_252 : i32 to index
        %swap3A_254 = arith.index_cast %add3A_221 : i32 to index
        %swap3A_255 = tpu.vector_load %arg19[%swap3A_253, %swap3A_254] {strides = array<i32>} : memref<128x512xf32, #tpu.memory_space<vmem>>, vector<16xf32>,
        tpu.vector_store %arg19[%swap3A_253, %swap3A_254], %gather3A_251 {strides = array<i32>} : memref<128x512xf32, #tpu.memory_space<vmem>>, vector<16xf32>,
        %add3A_256 = arith.constant 3 : i32
        %add3A_257 = vector.broadcast %add3A_256 : i32 to vector<16xi32>
        %add3A_258 = arith.addi %mul3A_228, %add3A_257 : vector<16xi32>
        %gather3A_259 = tpu.vector_load_idx %arg18[%add3A_232, %add3A_258] : memref<64x128xf32, #tpu.memory_space<vmem>>[vector<16xi32>, vector<16xi32>], vector<16xf32>,
        %swap3A_260 = arith.constant 99 : i32
        %swap3A_261 = arith.index_cast %swap3A_260 : i32 to index
        %swap3A_262 = arith.index_cast %add3A_221 : i32 to index
        %swap3A_263 = tpu.vector_load %arg19[%swap3A_261, %swap3A_262] {strides = array<i32>} : memref<128x512xf32, #tpu.memory_space<vmem>>, vector<16xf32>,
        tpu.vector_store %arg19[%swap3A_261, %swap3A_262], %gather3A_259 {strides = array<i32>} : memref<128x512xf32, #tpu.memory_space<vmem>>, vector<16xf32>,
        %add3A_264 = arith.constant 4 : i32
        %add3A_265 = vector.broadcast %add3A_264 : i32 to vector<16xi32>
        %add3A_266 = arith.addi %mul3A_228, %add3A_265 : vector<16xi32>
        %gather3A_267 = tpu.vector_load_idx %arg18[%add3A_232, %add3A_266] : memref<64x128xf32, #tpu.memory_space<vmem>>[vector<16xi32>, vector<16xi32>], vector<16xf32>,
        %swap3A_268 = arith.constant 100 : i32
        %swap3A_269 = arith.index_cast %swap3A_268 : i32 to index
        %swap3A_270 = arith.index_cast %add3A_221 : i32 to index
        %swap3A_271 = tpu.vector_load %arg19[%swap3A_269, %swap3A_270] {strides = array<i32>} : memref<128x512xf32, #tpu.memory_space<vmem>>, vector<16xf32>,
        tpu.vector_store %arg19[%swap3A_269, %swap3A_270], %gather3A_267 {strides = array<i32>} : memref<128x512xf32, #tpu.memory_space<vmem>>, vector<16xf32>,
        %add3A_272 = arith.constant 5 : i32
        %add3A_273 = vector.broadcast %add3A_272 : i32 to vector<16xi32>
        %add3A_274 = arith.addi %mul3A_228, %add3A_273 : vector<16xi32>
        %gather3A_275 = tpu.vector_load_idx %arg18[%add3A_232, %add3A_274] : memref<64x128xf32, #tpu.memory_space<vmem>>[vector<16xi32>, vector<16xi32>], vector<16xf32>,
        %swap3A_276 = arith.constant 101 : i32
        %swap3A_277 = arith.index_cast %swap3A_276 : i32 to index
        %swap3A_278 = arith.index_cast %add3A_221 : i32 to index
        %swap3A_279 = tpu.vector_load %arg19[%swap3A_277, %swap3A_278] {strides = array<i32>} : memref<128x512xf32, #tpu.memory_space<vmem>>, vector<16xf32>,
        tpu.vector_store %arg19[%swap3A_277, %swap3A_278], %gather3A_275 {strides = array<i32>} : memref<128x512xf32, #tpu.memory_space<vmem>>, vector<16xf32>,
        %add3A_280 = arith.constant 6 : i32
        %add3A_281 = vector.broadcast %add3A_280 : i32 to vector<16xi32>
        %add3A_282 = arith.addi %mul3A_228, %add3A_281 : vector<16xi32>
        %gather3A_283 = tpu.vector_load_idx %arg18[%add3A_232, %add3A_282] : memref<64x128xf32, #tpu.memory_space<vmem>>[vector<16xi32>, vector<16xi32>], vector<16xf32>,
        %swap3A_284 = arith.constant 102 : i32
        %swap3A_285 = arith.index_cast %swap3A_284 : i32 to index
        %swap3A_286 = arith.index_cast %add3A_221 : i32 to index
        %swap3A_287 = tpu.vector_load %arg19[%swap3A_285, %swap3A_286] {strides = array<i32>} : memref<128x512xf32, #tpu.memory_space<vmem>>, vector<16xf32>,
        tpu.vector_store %arg19[%swap3A_285, %swap3A_286], %gather3A_283 {strides = array<i32>} : memref<128x512xf32, #tpu.memory_space<vmem>>, vector<16xf32>,
        %add3A_288 = arith.constant 7 : i32
        %add3A_289 = vector.broadcast %add3A_288 : i32 to vector<16xi32>
        %add3A_290 = arith.addi %mul3A_228, %add3A_289 : vector<16xi32>
        %gather3A_291 = tpu.vector_load_idx %arg18[%add3A_232, %add3A_290] : memref<64x128xf32, #tpu.memory_space<vmem>>[vector<16xi32>, vector<16xi32>], vector<16xf32>,
        %swap3A_292 = arith.constant 103 : i32
        %swap3A_293 = arith.index_cast %swap3A_292 : i32 to index
        %swap3A_294 = arith.index_cast %add3A_221 : i32 to index
        %swap3A_295 = tpu.vector_load %arg19[%swap3A_293, %swap3A_294] {strides = array<i32>} : memref<128x512xf32, #tpu.memory_space<vmem>>, vector<16xf32>,
        tpu.vector_store %arg19[%swap3A_293, %swap3A_294], %gather3A_291 {strides = array<i32>} : memref<128x512xf32, #tpu.memory_space<vmem>>, vector<16xf32>,
        %add3A_296 = arith.constant 8 : i32
        %add3A_297 = vector.broadcast %add3A_296 : i32 to vector<16xi32>
        %add3A_298 = arith.addi %mul3A_228, %add3A_297 : vector<16xi32>
        %gather3A_299 = tpu.vector_load_idx %arg18[%add3A_232, %add3A_298] : memref<64x128xf32, #tpu.memory_space<vmem>>[vector<16xi32>, vector<16xi32>], vector<16xf32>,
        %swap3A_300 = arith.constant 104 : i32
        %swap3A_301 = arith.index_cast %swap3A_300 : i32 to index
        %swap3A_302 = arith.index_cast %add3A_221 : i32 to index
        %swap3A_303 = tpu.vector_load %arg19[%swap3A_301, %swap3A_302] {strides = array<i32>} : memref<128x512xf32, #tpu.memory_space<vmem>>, vector<16xf32>,
        tpu.vector_store %arg19[%swap3A_301, %swap3A_302], %gather3A_299 {strides = array<i32>} : memref<128x512xf32, #tpu.memory_space<vmem>>, vector<16xf32>,
        %add3A_304 = arith.constant 9 : i32
        %add3A_305 = vector.broadcast %add3A_304 : i32 to vector<16xi32>
        %add3A_306 = arith.addi %mul3A_228, %add3A_305 : vector<16xi32>
        %gather3A_307 = tpu.vector_load_idx %arg18[%add3A_232, %add3A_306] : memref<64x128xf32, #tpu.memory_space<vmem>>[vector<16xi32>, vector<16xi32>], vector<16xf32>,
        %swap3A_308 = arith.constant 105 : i32
        %swap3A_309 = arith.index_cast %swap3A_308 : i32 to index
        %swap3A_310 = arith.index_cast %add3A_221 : i32 to index
        %swap3A_311 = tpu.vector_load %arg19[%swap3A_309, %swap3A_310] {strides = array<i32>} : memref<128x512xf32, #tpu.memory_space<vmem>>, vector<16xf32>,
        tpu.vector_store %arg19[%swap3A_309, %swap3A_310], %gather3A_307 {strides = array<i32>} : memref<128x512xf32, #tpu.memory_space<vmem>>, vector<16xf32>,
        %add3A_312 = arith.constant 10 : i32
        %add3A_313 = vector.broadcast %add3A_312 : i32 to vector<16xi32>
        %add3A_314 = arith.addi %mul3A_228, %add3A_313 : vector<16xi32>
        %gather3A_315 = tpu.vector_load_idx %arg18[%add3A_232, %add3A_314] : memref<64x128xf32, #tpu.memory_space<vmem>>[vector<16xi32>, vector<16xi32>], vector<16xf32>,
        %swap3A_316 = arith.constant 106 : i32
        %swap3A_317 = arith.index_cast %swap3A_316 : i32 to index
        %swap3A_318 = arith.index_cast %add3A_221 : i32 to index
        %swap3A_319 = tpu.vector_load %arg19[%swap3A_317, %swap3A_318] {strides = array<i32>} : memref<128x512xf32, #tpu.memory_space<vmem>>, vector<16xf32>,
        tpu.vector_store %arg19[%swap3A_317, %swap3A_318], %gather3A_315 {strides = array<i32>} : memref<128x512xf32, #tpu.memory_space<vmem>>, vector<16xf32>,
        %add3A_320 = arith.constant 11 : i32
        %add3A_321 = vector.broadcast %add3A_320 : i32 to vector<16xi32>
        %add3A_322 = arith.addi %mul3A_228, %add3A_321 : vector<16xi32>
        %gather3A_323 = tpu.vector_load_idx %arg18[%add3A_232, %add3A_322] : memref<64x128xf32, #tpu.memory_space<vmem>>[vector<16xi32>, vector<16xi32>], vector<16xf32>,
        %swap3A_324 = arith.constant 107 : i32
        %swap3A_325 = arith.index_cast %swap3A_324 : i32 to index
        %swap3A_326 = arith.index_cast %add3A_221 : i32 to index
        %swap3A_327 = tpu.vector_load %arg19[%swap3A_325, %swap3A_326] {strides = array<i32>} : memref<128x512xf32, #tpu.memory_space<vmem>>, vector<16xf32>,
        tpu.vector_store %arg19[%swap3A_325, %swap3A_326], %gather3A_323 {strides = array<i32>} : memref<128x512xf32, #tpu.memory_space<vmem>>, vector<16xf32>,
        %add3A_328 = arith.constant 12 : i32
        %add3A_329 = vector.broadcast %add3A_328 : i32 to vector<16xi32>
        %add3A_330 = arith.addi %mul3A_228, %add3A_329 : vector<16xi32>
        %gather3A_331 = tpu.vector_load_idx %arg18[%add3A_232, %add3A_330] : memref<64x128xf32, #tpu.memory_space<vmem>>[vector<16xi32>, vector<16xi32>], vector<16xf32>,
        %swap3A_332 = arith.constant 108 : i32
        %swap3A_333 = arith.index_cast %swap3A_332 : i32 to index
        %swap3A_334 = arith.index_cast %add3A_221 : i32 to index
        %swap3A_335 = tpu.vector_load %arg19[%swap3A_333, %swap3A_334] {strides = array<i32>} : memref<128x512xf32, #tpu.memory_space<vmem>>, vector<16xf32>,
        tpu.vector_store %arg19[%swap3A_333, %swap3A_334], %gather3A_331 {strides = array<i32>} : memref<128x512xf32, #tpu.memory_space<vmem>>, vector<16xf32>,
        %add3A_336 = arith.constant 13 : i32
        %add3A_337 = vector.broadcast %add3A_336 : i32 to vector<16xi32>
        %add3A_338 = arith.addi %mul3A_228, %add3A_337 : vector<16xi32>
        %gather3A_339 = tpu.vector_load_idx %arg18[%add3A_232, %add3A_338] : memref<64x128xf32, #tpu.memory_space<vmem>>[vector<16xi32>, vector<16xi32>], vector<16xf32>,
        %swap3A_340 = arith.constant 109 : i32
        %swap3A_341 = arith.index_cast %swap3A_340 : i32 to index
        %swap3A_342 = arith.index_cast %add3A_221 : i32 to index
        %swap3A_343 = tpu.vector_load %arg19[%swap3A_341, %swap3A_342] {strides = array<i32>} : memref<128x512xf32, #tpu.memory_space<vmem>>, vector<16xf32>,
        tpu.vector_store %arg19[%swap3A_341, %swap3A_342], %gather3A_339 {strides = array<i32>} : memref<128x512xf32, #tpu.memory_space<vmem>>, vector<16xf32>,
        %add3A_344 = arith.constant 14 : i32
        %add3A_345 = vector.broadcast %add3A_344 : i32 to vector<16xi32>
        %add3A_346 = arith.addi %mul3A_228, %add3A_345 : vector<16xi32>
        %gather3A_347 = tpu.vector_load_idx %arg18[%add3A_232, %add3A_346] : memref<64x128xf32, #tpu.memory_space<vmem>>[vector<16xi32>, vector<16xi32>], vector<16xf32>,
        %swap3A_348 = arith.constant 110 : i32
        %swap3A_349 = arith.index_cast %swap3A_348 : i32 to index
        %swap3A_350 = arith.index_cast %add3A_221 : i32 to index
        %swap3A_351 = tpu.vector_load %arg19[%swap3A_349, %swap3A_350] {strides = array<i32>} : memref<128x512xf32, #tpu.memory_space<vmem>>, vector<16xf32>,
        tpu.vector_store %arg19[%swap3A_349, %swap3A_350], %gather3A_347 {strides = array<i32>} : memref<128x512xf32, #tpu.memory_space<vmem>>, vector<16xf32>,
        %add3A_352 = arith.constant 15 : i32
        %add3A_353 = vector.broadcast %add3A_352 : i32 to vector<16xi32>
        %add3A_354 = arith.addi %mul3A_228, %add3A_353 : vector<16xi32>
        %gather3A_355 = tpu.vector_load_idx %arg18[%add3A_232, %add3A_354] : memref<64x128xf32, #tpu.memory_space<vmem>>[vector<16xi32>, vector<16xi32>], vector<16xf32>,
        %swap3A_356 = arith.constant 111 : i32
        %swap3A_357 = arith.index_cast %swap3A_356 : i32 to index
        %swap3A_358 = arith.index_cast %add3A_221 : i32 to index
        %swap3A_359 = tpu.vector_load %arg19[%swap3A_357, %swap3A_358] {strides = array<i32>} : memref<128x512xf32, #tpu.memory_space<vmem>>, vector<16xf32>,
        tpu.vector_store %arg19[%swap3A_357, %swap3A_358], %gather3A_355 {strides = array<i32>} : memref<128x512xf32, #tpu.memory_space<vmem>>, vector<16xf32>,
        %add3A_360 = arith.constant 16 : i32
        %add3A_361 = vector.broadcast %add3A_360 : i32 to vector<16xi32>
        %add3A_362 = arith.addi %mul3A_228, %add3A_361 : vector<16xi32>
        %gather3A_363 = tpu.vector_load_idx %arg18[%add3A_232, %add3A_362] : memref<64x128xf32, #tpu.memory_space<vmem>>[vector<16xi32>, vector<16xi32>], vector<16xf32>,
        %swap3A_364 = arith.constant 112 : i32
        %swap3A_365 = arith.index_cast %swap3A_364 : i32 to index
        %swap3A_366 = arith.index_cast %add3A_221 : i32 to index
        %swap3A_367 = tpu.vector_load %arg19[%swap3A_365, %swap3A_366] {strides = array<i32>} : memref<128x512xf32, #tpu.memory_space<vmem>>, vector<16xf32>,
        tpu.vector_store %arg19[%swap3A_365, %swap3A_366], %gather3A_363 {strides = array<i32>} : memref<128x512xf32, #tpu.memory_space<vmem>>, vector<16xf32>,
        %add3A_368 = arith.constant 17 : i32
        %add3A_369 = vector.broadcast %add3A_368 : i32 to vector<16xi32>
        %add3A_370 = arith.addi %mul3A_228, %add3A_369 : vector<16xi32>
        %gather3A_371 = tpu.vector_load_idx %arg18[%add3A_232, %add3A_370] : memref<64x128xf32, #tpu.memory_space<vmem>>[vector<16xi32>, vector<16xi32>], vector<16xf32>,
        %swap3A_372 = arith.constant 113 : i32
        %swap3A_373 = arith.index_cast %swap3A_372 : i32 to index
        %swap3A_374 = arith.index_cast %add3A_221 : i32 to index
        %swap3A_375 = tpu.vector_load %arg19[%swap3A_373, %swap3A_374] {strides = array<i32>} : memref<128x512xf32, #tpu.memory_space<vmem>>, vector<16xf32>,
        tpu.vector_store %arg19[%swap3A_373, %swap3A_374], %gather3A_371 {strides = array<i32>} : memref<128x512xf32, #tpu.memory_space<vmem>>, vector<16xf32>,
        %add3A_376 = arith.constant 18 : i32
        %add3A_377 = vector.broadcast %add3A_376 : i32 to vector<16xi32>
        %add3A_378 = arith.addi %mul3A_228, %add3A_377 : vector<16xi32>
        %gather3A_379 = tpu.vector_load_idx %arg18[%add3A_232, %add3A_378] : memref<64x128xf32, #tpu.memory_space<vmem>>[vector<16xi32>, vector<16xi32>], vector<16xf32>,
        %swap3A_380 = arith.constant 114 : i32
        %swap3A_381 = arith.index_cast %swap3A_380 : i32 to index
        %swap3A_382 = arith.index_cast %add3A_221 : i32 to index
        %swap3A_383 = tpu.vector_load %arg19[%swap3A_381, %swap3A_382] {strides = array<i32>} : memref<128x512xf32, #tpu.memory_space<vmem>>, vector<16xf32>,
        tpu.vector_store %arg19[%swap3A_381, %swap3A_382], %gather3A_379 {strides = array<i32>} : memref<128x512xf32, #tpu.memory_space<vmem>>, vector<16xf32>,
        %add3A_384 = arith.constant 19 : i32
        %add3A_385 = vector.broadcast %add3A_384 : i32 to vector<16xi32>
        %add3A_386 = arith.addi %mul3A_228, %add3A_385 : vector<16xi32>
        %gather3A_387 = tpu.vector_load_idx %arg18[%add3A_232, %add3A_386] : memref<64x128xf32, #tpu.memory_space<vmem>>[vector<16xi32>, vector<16xi32>], vector<16xf32>,
        %swap3A_388 = arith.constant 115 : i32
        %swap3A_389 = arith.index_cast %swap3A_388 : i32 to index
        %swap3A_390 = arith.index_cast %add3A_221 : i32 to index
        %swap3A_391 = tpu.vector_load %arg19[%swap3A_389, %swap3A_390] {strides = array<i32>} : memref<128x512xf32, #tpu.memory_space<vmem>>, vector<16xf32>,
        tpu.vector_store %arg19[%swap3A_389, %swap3A_390], %gather3A_387 {strides = array<i32>} : memref<128x512xf32, #tpu.memory_space<vmem>>, vector<16xf32>,
        %add3A_392 = arith.constant 20 : i32
        %add3A_393 = vector.broadcast %add3A_392 : i32 to vector<16xi32>
        %add3A_394 = arith.addi %mul3A_228, %add3A_393 : vector<16xi32>
        %gather3A_395 = tpu.vector_load_idx %arg18[%add3A_232, %add3A_394] : memref<64x128xf32, #tpu.memory_space<vmem>>[vector<16xi32>, vector<16xi32>], vector<16xf32>,
        %swap3A_396 = arith.constant 116 : i32
        %swap3A_397 = arith.index_cast %swap3A_396 : i32 to index
        %swap3A_398 = arith.index_cast %add3A_221 : i32 to index
        %swap3A_399 = tpu.vector_load %arg19[%swap3A_397, %swap3A_398] {strides = array<i32>} : memref<128x512xf32, #tpu.memory_space<vmem>>, vector<16xf32>,
        tpu.vector_store %arg19[%swap3A_397, %swap3A_398], %gather3A_395 {strides = array<i32>} : memref<128x512xf32, #tpu.memory_space<vmem>>, vector<16xf32>,
        %add3A_400 = arith.constant 21 : i32
        %add3A_401 = vector.broadcast %add3A_400 : i32 to vector<16xi32>
        %add3A_402 = arith.addi %mul3A_228, %add3A_401 : vector<16xi32>
        %gather3A_403 = tpu.vector_load_idx %arg18[%add3A_232, %add3A_402] : memref<64x128xf32, #tpu.memory_space<vmem>>[vector<16xi32>, vector<16xi32>], vector<16xf32>,
        %swap3A_404 = arith.constant 117 : i32
        %swap3A_405 = arith.index_cast %swap3A_404 : i32 to index
        %swap3A_406 = arith.index_cast %add3A_221 : i32 to index
        %swap3A_407 = tpu.vector_load %arg19[%swap3A_405, %swap3A_406] {strides = array<i32>} : memref<128x512xf32, #tpu.memory_space<vmem>>, vector<16xf32>,
        tpu.vector_store %arg19[%swap3A_405, %swap3A_406], %gather3A_403 {strides = array<i32>} : memref<128x512xf32, #tpu.memory_space<vmem>>, vector<16xf32>,
        %add3A_408 = arith.constant 22 : i32
        %add3A_409 = vector.broadcast %add3A_408 : i32 to vector<16xi32>
        %add3A_410 = arith.addi %mul3A_228, %add3A_409 : vector<16xi32>
        %gather3A_411 = tpu.vector_load_idx %arg18[%add3A_232, %add3A_410] : memref<64x128xf32, #tpu.memory_space<vmem>>[vector<16xi32>, vector<16xi32>], vector<16xf32>,
        %swap3A_412 = arith.constant 118 : i32
        %swap3A_413 = arith.index_cast %swap3A_412 : i32 to index
        %swap3A_414 = arith.index_cast %add3A_221 : i32 to index
        %swap3A_415 = tpu.vector_load %arg19[%swap3A_413, %swap3A_414] {strides = array<i32>} : memref<128x512xf32, #tpu.memory_space<vmem>>, vector<16xf32>,
        tpu.vector_store %arg19[%swap3A_413, %swap3A_414], %gather3A_411 {strides = array<i32>} : memref<128x512xf32, #tpu.memory_space<vmem>>, vector<16xf32>,
        %add3A_416 = arith.constant 23 : i32
        %add3A_417 = vector.broadcast %add3A_416 : i32 to vector<16xi32>
        %add3A_418 = arith.addi %mul3A_228, %add3A_417 : vector<16xi32>
        %gather3A_419 = tpu.vector_load_idx %arg18[%add3A_232, %add3A_418] : memref<64x128xf32, #tpu.memory_space<vmem>>[vector<16xi32>, vector<16xi32>], vector<16xf32>,
        %swap3A_420 = arith.constant 119 : i32
        %swap3A_421 = arith.index_cast %swap3A_420 : i32 to index
        %swap3A_422 = arith.index_cast %add3A_221 : i32 to index
        %swap3A_423 = tpu.vector_load %arg19[%swap3A_421, %swap3A_422] {strides = array<i32>} : memref<128x512xf32, #tpu.memory_space<vmem>>, vector<16xf32>,
        tpu.vector_store %arg19[%swap3A_421, %swap3A_422], %gather3A_419 {strides = array<i32>} : memref<128x512xf32, #tpu.memory_space<vmem>>, vector<16xf32>,
        %add3A_424 = arith.constant 24 : i32
        %add3A_425 = vector.broadcast %add3A_424 : i32 to vector<16xi32>
        %add3A_426 = arith.addi %mul3A_228, %add3A_425 : vector<16xi32>
        %gather3A_427 = tpu.vector_load_idx %arg18[%add3A_232, %add3A_426] : memref<64x128xf32, #tpu.memory_space<vmem>>[vector<16xi32>, vector<16xi32>], vector<16xf32>,
        %swap3A_428 = arith.constant 120 : i32
        %swap3A_429 = arith.index_cast %swap3A_428 : i32 to index
        %swap3A_430 = arith.index_cast %add3A_221 : i32 to index
        %swap3A_431 = tpu.vector_load %arg19[%swap3A_429, %swap3A_430] {strides = array<i32>} : memref<128x512xf32, #tpu.memory_space<vmem>>, vector<16xf32>,
        tpu.vector_store %arg19[%swap3A_429, %swap3A_430], %gather3A_427 {strides = array<i32>} : memref<128x512xf32, #tpu.memory_space<vmem>>, vector<16xf32>,
        %add3A_432 = arith.constant 25 : i32
        %add3A_433 = vector.broadcast %add3A_432 : i32 to vector<16xi32>
        %add3A_434 = arith.addi %mul3A_228, %add3A_433 : vector<16xi32>
        %gather3A_435 = tpu.vector_load_idx %arg18[%add3A_232, %add3A_434] : memref<64x128xf32, #tpu.memory_space<vmem>>[vector<16xi32>, vector<16xi32>], vector<16xf32>,
        %swap3A_436 = arith.constant 121 : i32
        %swap3A_437 = arith.index_cast %swap3A_436 : i32 to index
        %swap3A_438 = arith.index_cast %add3A_221 : i32 to index
        %swap3A_439 = tpu.vector_load %arg19[%swap3A_437, %swap3A_438] {strides = array<i32>} : memref<128x512xf32, #tpu.memory_space<vmem>>, vector<16xf32>,
        tpu.vector_store %arg19[%swap3A_437, %swap3A_438], %gather3A_435 {strides = array<i32>} : memref<128x512xf32, #tpu.memory_space<vmem>>, vector<16xf32>,
        %add3A_440 = arith.constant 26 : i32
        %add3A_441 = vector.broadcast %add3A_440 : i32 to vector<16xi32>
        %add3A_442 = arith.addi %mul3A_228, %add3A_441 : vector<16xi32>
        %gather3A_443 = tpu.vector_load_idx %arg18[%add3A_232, %add3A_442] : memref<64x128xf32, #tpu.memory_space<vmem>>[vector<16xi32>, vector<16xi32>], vector<16xf32>,
        %swap3A_444 = arith.constant 122 : i32
        %swap3A_445 = arith.index_cast %swap3A_444 : i32 to index
        %swap3A_446 = arith.index_cast %add3A_221 : i32 to index
        %swap3A_447 = tpu.vector_load %arg19[%swap3A_445, %swap3A_446] {strides = array<i32>} : memref<128x512xf32, #tpu.memory_space<vmem>>, vector<16xf32>,
        tpu.vector_store %arg19[%swap3A_445, %swap3A_446], %gather3A_443 {strides = array<i32>} : memref<128x512xf32, #tpu.memory_space<vmem>>, vector<16xf32>,
        %add3A_448 = arith.constant 27 : i32
        %add3A_449 = vector.broadcast %add3A_448 : i32 to vector<16xi32>
        %add3A_450 = arith.addi %mul3A_228, %add3A_449 : vector<16xi32>
        %gather3A_451 = tpu.vector_load_idx %arg18[%add3A_232, %add3A_450] : memref<64x128xf32, #tpu.memory_space<vmem>>[vector<16xi32>, vector<16xi32>], vector<16xf32>,
        %swap3A_452 = arith.constant 123 : i32
        %swap3A_453 = arith.index_cast %swap3A_452 : i32 to index
        %swap3A_454 = arith.index_cast %add3A_221 : i32 to index
        %swap3A_455 = tpu.vector_load %arg19[%swap3A_453, %swap3A_454] {strides = array<i32>} : memref<128x512xf32, #tpu.memory_space<vmem>>, vector<16xf32>,
        tpu.vector_store %arg19[%swap3A_453, %swap3A_454], %gather3A_451 {strides = array<i32>} : memref<128x512xf32, #tpu.memory_space<vmem>>, vector<16xf32>,
        %add3A_456 = arith.constant 28 : i32
        %add3A_457 = vector.broadcast %add3A_456 : i32 to vector<16xi32>
        %add3A_458 = arith.addi %mul3A_228, %add3A_457 : vector<16xi32>
        %gather3A_459 = tpu.vector_load_idx %arg18[%add3A_232, %add3A_458] : memref<64x128xf32, #tpu.memory_space<vmem>>[vector<16xi32>, vector<16xi32>], vector<16xf32>,
        %swap3A_460 = arith.constant 124 : i32
        %swap3A_461 = arith.index_cast %swap3A_460 : i32 to index
        %swap3A_462 = arith.index_cast %add3A_221 : i32 to index
        %swap3A_463 = tpu.vector_load %arg19[%swap3A_461, %swap3A_462] {strides = array<i32>} : memref<128x512xf32, #tpu.memory_space<vmem>>, vector<16xf32>,
        tpu.vector_store %arg19[%swap3A_461, %swap3A_462], %gather3A_459 {strides = array<i32>} : memref<128x512xf32, #tpu.memory_space<vmem>>, vector<16xf32>,
        %add3A_464 = arith.constant 29 : i32
        %add3A_465 = vector.broadcast %add3A_464 : i32 to vector<16xi32>
        %add3A_466 = arith.addi %mul3A_228, %add3A_465 : vector<16xi32>
        %gather3A_467 = tpu.vector_load_idx %arg18[%add3A_232, %add3A_466] : memref<64x128xf32, #tpu.memory_space<vmem>>[vector<16xi32>, vector<16xi32>], vector<16xf32>,
        %swap3A_468 = arith.constant 125 : i32
        %swap3A_469 = arith.index_cast %swap3A_468 : i32 to index
        %swap3A_470 = arith.index_cast %add3A_221 : i32 to index
        %swap3A_471 = tpu.vector_load %arg19[%swap3A_469, %swap3A_470] {strides = array<i32>} : memref<128x512xf32, #tpu.memory_space<vmem>>, vector<16xf32>,
        tpu.vector_store %arg19[%swap3A_469, %swap3A_470], %gather3A_467 {strides = array<i32>} : memref<128x512xf32, #tpu.memory_space<vmem>>, vector<16xf32>,
        %add3A_472 = arith.constant 30 : i32
        %add3A_473 = vector.broadcast %add3A_472 : i32 to vector<16xi32>
        %add3A_474 = arith.addi %mul3A_228, %add3A_473 : vector<16xi32>
        %gather3A_475 = tpu.vector_load_idx %arg18[%add3A_232, %add3A_474] : memref<64x128xf32, #tpu.memory_space<vmem>>[vector<16xi32>, vector<16xi32>], vector<16xf32>,
        %swap3A_476 = arith.constant 126 : i32
        %swap3A_477 = arith.index_cast %swap3A_476 : i32 to index
        %swap3A_478 = arith.index_cast %add3A_221 : i32 to index
        %swap3A_479 = tpu.vector_load %arg19[%swap3A_477, %swap3A_478] {strides = array<i32>} : memref<128x512xf32, #tpu.memory_space<vmem>>, vector<16xf32>,
        tpu.vector_store %arg19[%swap3A_477, %swap3A_478], %gather3A_475 {strides = array<i32>} : memref<128x512xf32, #tpu.memory_space<vmem>>, vector<16xf32>,
        %add3A_480 = arith.constant 31 : i32
        %add3A_481 = vector.broadcast %add3A_480 : i32 to vector<16xi32>
        %add3A_482 = arith.addi %mul3A_228, %add3A_481 : vector<16xi32>
        %gather3A_483 = tpu.vector_load_idx %arg18[%add3A_232, %add3A_482] : memref<64x128xf32, #tpu.memory_space<vmem>>[vector<16xi32>, vector<16xi32>], vector<16xf32>,
        %swap3A_484 = arith.constant 127 : i32
        %swap3A_485 = arith.index_cast %swap3A_484 : i32 to index
        %swap3A_486 = arith.index_cast %add3A_221 : i32 to index
        %swap3A_487 = tpu.vector_load %arg19[%swap3A_485, %swap3A_486] {strides = array<i32>} : memref<128x512xf32, #tpu.memory_space<vmem>>, vector<16xf32>,
        tpu.vector_store %arg19[%swap3A_485, %swap3A_486], %gather3A_483 {strides = array<i32>} : memref<128x512xf32, #tpu.memory_space<vmem>>, vector<16xf32>,
      }
      %scan3A_208 = arith.constant 4 : i32
      %add3A_209 = arith.constant 1 : i32
      %add3A_210 = arith.addi %scan3A_158, %add3A_209 : i32
      %lt3A_211 = arith.constant 8 : i32
      %lt3A_212 = arith.cmpi slt, %add3A_210, %lt3A_211 : i32
      %convert_element_type3A_213 = arith.extui %lt3A_212 : i1 to i32
      %cond3A_214 = arith.constant 0 : i32
      %cond3A_215 = arith.cmpi ne, %convert_element_type3A_213, %cond3A_214 : i32
      scf.if %cond3A_215 {
        %add3A_216 = arith.constant 1 : i32
        %add3A_217 = arith.addi %scan3A_158, %add3A_216 : i32
        %mul3A_218 = arith.constant 64 : i32
        %mul3A_219 = arith.muli %add3A_217, %mul3A_218 : i32
        %add3A_220 = arith.constant 0 : i32
        %add3A_221 = arith.addi %mul3A_219, %add3A_220 : i32
        %get3A_222 = arith.index_cast %add3A_221 : i32 to index
        %get3A_223 = tpu.vector_load %arg10[%get3A_222] {strides = array<i32>} : memref<512xi32, #tpu.memory_space<vmem>>, vector<16xi32>,
        %shift_right_logical3A_224 = arith.constant 2 : i32
        %shift_right_logical3A_225 = vector.broadcast %shift_right_logical3A_224 : i32 to vector<16xi32>
        %shift_right_logical3A_226 = arith.shrui %get3A_223, %shift_right_logical3A_225 : vector<16xi32>
        %swap3A_227 = arith.constant 0 : index
        %swap3A_228 = tpu.vector_load %arg14[%swap3A_227] {strides = array<i32>} : memref<64xi32, #tpu.memory_space<vmem>>, vector<16xi32>,
        tpu.vector_store %arg14[%swap3A_227], %shift_right_logical3A_226 {strides = array<i32>} : memref<64xi32, #tpu.memory_space<vmem>>, vector<16xi32>,
        %mul3A_229 = arith.constant 64 : i32
        %mul3A_230 = arith.muli %add3A_217, %mul3A_229 : i32
        %add3A_231 = arith.constant 16 : i32
        %add3A_232 = arith.addi %mul3A_230, %add3A_231 : i32
        %get3A_233 = arith.index_cast %add3A_232 : i32 to index
        %get3A_234 = tpu.vector_load %arg10[%get3A_233] {strides = array<i32>} : memref<512xi32, #tpu.memory_space<vmem>>, vector<16xi32>,
        %shift_right_logical3A_235 = arith.constant 2 : i32
        %shift_right_logical3A_236 = vector.broadcast %shift_right_logical3A_235 : i32 to vector<16xi32>
        %shift_right_logical3A_237 = arith.shrui %get3A_234, %shift_right_logical3A_236 : vector<16xi32>
        %swap3A_238 = arith.constant 16 : index
        %swap3A_239 = tpu.vector_load %arg14[%swap3A_238] {strides = array<i32>} : memref<64xi32, #tpu.memory_space<vmem>>, vector<16xi32>,
        tpu.vector_store %arg14[%swap3A_238], %shift_right_logical3A_237 {strides = array<i32>} : memref<64xi32, #tpu.memory_space<vmem>>, vector<16xi32>,
        %mul3A_240 = arith.constant 64 : i32
        %mul3A_241 = arith.muli %add3A_217, %mul3A_240 : i32
        %add3A_242 = arith.constant 32 : i32
        %add3A_243 = arith.addi %mul3A_241, %add3A_242 : i32
        %get3A_244 = arith.index_cast %add3A_243 : i32 to index
        %get3A_245 = tpu.vector_load %arg10[%get3A_244] {strides = array<i32>} : memref<512xi32, #tpu.memory_space<vmem>>, vector<16xi32>,
        %shift_right_logical3A_246 = arith.constant 2 : i32
        %shift_right_logical3A_247 = vector.broadcast %shift_right_logical3A_246 : i32 to vector<16xi32>
        %shift_right_logical3A_248 = arith.shrui %get3A_245, %shift_right_logical3A_247 : vector<16xi32>
        %swap3A_249 = arith.constant 32 : index
        %swap3A_250 = tpu.vector_load %arg14[%swap3A_249] {strides = array<i32>} : memref<64xi32, #tpu.memory_space<vmem>>, vector<16xi32>,
        tpu.vector_store %arg14[%swap3A_249], %shift_right_logical3A_248 {strides = array<i32>} : memref<64xi32, #tpu.memory_space<vmem>>, vector<16xi32>,
        %mul3A_251 = arith.constant 64 : i32
        %mul3A_252 = arith.muli %add3A_217, %mul3A_251 : i32
        %add3A_253 = arith.constant 48 : i32
        %add3A_254 = arith.addi %mul3A_252, %add3A_253 : i32
        %get3A_255 = arith.index_cast %add3A_254 : i32 to index
        %get3A_256 = tpu.vector_load %arg10[%get3A_255] {strides = array<i32>} : memref<512xi32, #tpu.memory_space<vmem>>, vector<16xi32>,
        %shift_right_logical3A_257 = arith.constant 2 : i32
        %shift_right_logical3A_258 = vector.broadcast %shift_right_logical3A_257 : i32 to vector<16xi32>
        %shift_right_logical3A_259 = arith.shrui %get3A_256, %shift_right_logical3A_258 : vector<16xi32>
        %swap3A_260 = arith.constant 48 : index
        %swap3A_261 = tpu.vector_load %arg14[%swap3A_260] {strides = array<i32>} : memref<64xi32, #tpu.memory_space<vmem>>, vector<16xi32>,
        tpu.vector_store %arg14[%swap3A_260], %shift_right_logical3A_259 {strides = array<i32>} : memref<64xi32, #tpu.memory_space<vmem>>, vector<16xi32>,
        %dma_start3A_262 = arith.constant 0 : i32
        %dma_start3A_263 = arith.constant 0 : i32
        %dma_start3A_264 = tpu.memref_slice %arg5[%dma_start3A_262, %dma_start3A_263] : memref<25000x128xf32, #tpu.memory_space<hbm>> -> memref<25000x128xf32, #tpu.memory_space<hbm>>
        tpu.enqueue_indirect_dma source(%dma_start3A_264 : memref<25000x128xf32, #tpu.memory_space<hbm>>) target(%arg18 : memref<64x128xf32, #tpu.memory_space<vmem>>) offsets(%arg14 : memref<64xi32, #tpu.memory_space<vmem>>) semaphore(%arg23 : memref<!tpu.dma_semaphore, #tpu.memory_space<semaphore_mem>>)
      } else {
      }
    }
    %scan3A_153 = arith.constant 8 : i32
    "tpu.region"() ({
      %run_scoped3A = tpu.sem_alloc : memref<!tpu.dma_semaphore, #tpu.memory_space<semaphore_mem>>
      %dma_start3A_158 = arith.constant 0 : i32
      %dma_start3A_159 = tpu.memref_slice %arg6[%dma_start3A_158, %mul3A_2] : memref<144x16384xf32, #tpu.memory_space<hbm>> -> memref<128x512xf32, #tpu.memory_space<hbm>>
      %dma_start3A_160 = arith.constant 0 : i32
      %dma_start3A_161 = tpu.memref_slice %arg6[%dma_start3A_160, %mul3A_2] : memref<144x16384xf32, #tpu.memory_space<hbm>> -> memref<128x512xf32, #tpu.memory_space<hbm>>
      tpu.enqueue_dma source(%arg19 : memref<128x512xf32, #tpu.memory_space<vmem>>) target(%dma_start3A_161 : memref<128x512xf32, #tpu.memory_space<hbm>>) target_semaphore(%run_scoped3A : memref<!tpu.dma_semaphore, #tpu.memory_space<semaphore_mem>>)
      %dma_wait3A_162 = arith.constant 0 : i32
      %dma_wait3A_163 = tpu.memref_slice %arg6[%dma_wait3A_162, %mul3A_2] : memref<144x16384xf32, #tpu.memory_space<hbm>> -> memref<128x512xf32, #tpu.memory_space<hbm>>
      %dma_wait3A_164 = arith.constant 0 : i32
      %dma_wait3A_165 = tpu.memref_slice %arg6[%dma_wait3A_164, %mul3A_2] : memref<144x16384xf32, #tpu.memory_space<hbm>> -> memref<128x512xf32, #tpu.memory_space<hbm>>
      tpu.wait_dma2 semaphore(%run_scoped3A : memref<!tpu.dma_semaphore, #tpu.memory_space<semaphore_mem>>) src(%arg19 : memref<128x512xf32, #tpu.memory_space<vmem>>) dst(%dma_wait3A_165 : memref<128x512xf32, #tpu.memory_space<hbm>>)
      tpu.yield
    }) : () -> ()
    %dma_wait3A_154 = arith.constant 128 : i32
    %dma_wait3A_155 = tpu.memref_slice %arg6[%dma_wait3A_154, %mul3A_2] : memref<144x16384xf32, #tpu.memory_space<hbm>> -> memref<16x512xf32, #tpu.memory_space<hbm>>
    %dma_wait3A_156 = arith.constant 0 : i32
    %dma_wait3A_157 = tpu.memref_slice %arg3[%dma_wait3A_156, %mul3A_2] : memref<16x16384xf32, #tpu.memory_space<hbm>> -> memref<16x512xf32, #tpu.memory_space<hbm>>
    tpu.wait_dma2 semaphore(%arg24 : memref<!tpu.dma_semaphore, #tpu.memory_space<semaphore_mem>>) src(%dma_wait3A_157 : memref<16x512xf32, #tpu.memory_space<hbm>>) dst(%dma_wait3A_155 : memref<16x512xf32, #tpu.memory_space<hbm>>)
    return
  }
}

</mosaic_0001>

<sc_bundles>
// kernel: kernel.3.cloned.1.call-start
scs
__scs_entry_jumppad:
0x0: {  	(pc) =	sbr.rel $0x88, $3  }
0x1: {  	(tag) =	ssettag $0x0;
	lr =	simm.s32 $0x1  }
0x2: {  	[smem:$0x3F9E] =	sst lr;
	_ =	strace $0xD0000000  }
0x3: {  	_ = 	snop  }
0x4: {  	_ = 	snop  }
0x5: {  	_ = 	snop  }
0x6: {  	_ = 	snop  }
0x7: {  	_ = 	snop  }
__scs_overlays_trampoline_lowered:
0x8: {  	[smem:$0x3FAD] =	sst s0  }
0x9: {  	[smem:$0x3FAE] =	sst s1  }
0xa: {  	[smem:$0x3FAF] =	sst s2  }
0xb: {  	[smem:$0x3FB0] =	sst s3  }
0xc: {  	[smem:$0x3FB1] =	sst s4  }
0xd: {  	[smem:$0x3FB2] =	sst s5  }
0xe: {  	[smem:$0x3FB3] =	sst s6  }
0xf: {  	[smem:$0x3FB4] =	sst s7  }
0x10: {  	[smem:$0x3FB5] =	sst s8  }
0x11: {  	[smem:$0x3FB6] =	sst s9;
	s0 =	simm.s32 @!p0 $0x0  }
0x12: {  	s1 =	sld [smem:$0x3F9C];
	s0 =	simm.s32 @p0 $0x1  }
0x13: {  	[smem:$0x3FB7] =	sst s0;
	s0 =	simm.s32 @!p1 $0x0  }
0x14: {  	s2 =	sld [smem:$0x3F9B];
	s0 =	simm.s32 @p1 $0x1  }
0x15: {  	[smem:$0x3FB8] =	sst s0;
	s0 =	simm.s32 @!p2 $0x0  }
0x16: {  	s3 =	sld [smem:$0x3FDB];
	s0 =	simm.s32 @p2 $0x1  }
0x17: {  	s4 =	simm.s32 $0x1BF5;
	[smem:$0x3FBA] =	sst s0  }
0x18: {  	s0 =	sld [smem:$0x3F9D];
	_ =	swait.ge [sflag:s4], $0x0  }
0x19: {  	s7 =	sld [smem:$0x3F9E]  }
0x1a: {  	s8 =	sadd.s32 $0xFFFFE003, lr  }
0x1b: {  	s9 =	sadd.s32 $0xFFFFFEF7, lr;
	s5 =	simm.s32 $0xFFFFFFFF;
	p2 =	slt.u32 s8, $0xFFFFF086  }
0x1c: {  	p1 =	slt.u32 s9, $0xF7A;
	s5 =	simm.s32 @!p2 $0x0  }
0x1d: {  	s5 =	simm.s32 @p1 $0x1;
	p0 =	seq.s32 s7, s2  }
0x1e: {  	s7 =	smul.u32 @!p0 $0xF7A, s2;
	p2 =	seq.s32 @!p0 s5, $0x0  }
0x1f: {  	s9 =	smul.u32 $0xF7A, s1;
	s8 =	simm.s32 @!p0 $0x1BF5;
	p2 =	por !p2, p0  }
0x20: {  	[sflag:s8] =	ssyncset.s32 @!p0 $0xFFFFF086;
	s6 =	sadd.s32 @!p0 s3, s7;
	s7 =	simm.s32 @!p0 $0x108  }
0x21: {  	s3 =	sadd.s32 s3, s9;
	s6 =	sadd.s32 @!p0 $0x88, s6;
	s7 =	simm.s32 @p2 $0x1082  }
0x22: {  	[simem:s7], [sflag:s8] =	dma.local @!p0 [hbm:s6], $0xF7A  }
0x23: {  	s9 =	sor.u32 $0xD0000000, s2;
	s6 =	simm.s32 $0x108;
	_ =	swait.ge @!p0 [sflag:s8], $0x0  }
0x24: {  	s3 =	sadd.s32 $0x88, s3;
	s6 =	simm.s32 @!p1 $0x1082;
	[sflag:s4] =	ssyncset.s32 $0xFFFFF086  }
0x25: {  	[simem:s6], [sflag:s4] =	dma.local [hbm:s3], $0xF7A  }
0x26: {  	[smem:$0x3F9E] =	sst s1;
	(tag) =	ssettag s2;
	_ =	strace s9  }
0x27: {  	s1 =	sld [smem:$0x3FAE]  }
0x28: {  	s2 =	sld [smem:$0x3FAF]  }
0x29: {  	s4 =	sld [smem:$0x3FB1]  }
0x2a: {  	p0 =	seq.s32 s5, $0x0;
	s5 =	sld [smem:$0x3FB2]  }
0x2b: {  	s6 =	sld [smem:$0x3FB3]  }
0x2c: {  	s7 =	sld [smem:$0x3FB4]  }
0x2d: {  	s3 =	simm.s32 $0x108;
	s8 =	sld [smem:$0x3FB5]  }
0x2e: {  	s3 =	simm.s32 @!p0 $0x1082;
	s9 =	sld [smem:$0x3FB6]  }
0x2f: {  	lr =	sadd.s32 s0, s3;
	s0 =	sld [smem:$0x3FAD]  }
0x30: {  	s3 =	sld [smem:$0x3FB0]  }
0x31: {  	[smem:$0x3FB9] =	sst s10  }
0x32: {  	s10 =	sld [smem:$0x3FB7];
	_ =	sdelay $0x3  }
0x33: {  	p0 =	seq.s32 s10, $0x1;
	s10 =	sld [smem:$0x3FB9];
	_ =	sdelay $0x3  }
0x34: {  	[smem:$0x3FB9] =	sst s10  }
0x35: {  	s10 =	sld [smem:$0x3FB8];
	_ =	sdelay $0x3  }
0x36: {  	p1 =	seq.s32 s10, $0x1;
	s10 =	sld [smem:$0x3FB9];
	_ =	sdelay $0x3  }
0x37: {  	[smem:$0x3FB9] =	sst s10  }
0x38: {  	s10 =	sld [smem:$0x3FBA]  }
0x39: {  	_ = 	snop;
	(pc) =	sbr.ind lr, $3  }
0x3a: {  	_ = 	snop  }
0x3b: {  	_ = 	snop  }
0x3c: {  	p2 =	seq.s32 s10, $0x1;
	s10 =	sld [smem:$0x3FB9]  }
0x3d: {  	_ =	shalt  }
0x3e: {  	_ =	shalt  }
0x3f: {  	_ =	shalt  }
0x40: {  	_ =	shalt  }
0x41: {  	_ =	shalt  }
0x42: {  	_ =	shalt  }
0x43: {  	_ =	shalt  }
0x44: {  	_ =	shalt  }
0x45: {  	_ =	shalt  }
0x46: {  	_ =	shalt  }
0x47: {  	_ =	shalt  }
0x48: {  	_ =	shalt  }
0x49: {  	_ =	shalt  }
0x4a: {  	_ =	shalt  }
0x4b: {  	_ =	shalt  }
0x4c: {  	_ =	shalt  }
0x4d: {  	_ =	shalt  }
0x4e: {  	_ =	shalt  }
0x4f: {  	_ =	shalt  }
0x50: {  	_ =	shalt  }
0x51: {  	_ =	shalt  }
0x52: {  	_ =	shalt  }
0x53: {  	_ =	shalt  }
0x54: {  	_ =	shalt  }
0x55: {  	_ =	shalt  }
0x56: {  	_ =	shalt  }
0x57: {  	_ =	shalt  }
0x58: {  	_ =	shalt  }
0x59: {  	_ =	shalt  }
0x5a: {  	_ =	shalt  }
0x5b: {  	_ =	shalt  }
0x5c: {  	_ =	shalt  }
0x5d: {  	_ =	shalt  }
0x5e: {  	_ =	shalt  }
0x5f: {  	_ =	shalt  }
0x60: {  	_ =	shalt  }
0x61: {  	_ =	shalt  }
0x62: {  	_ =	shalt  }
0x63: {  	_ =	shalt  }
0x64: {  	_ =	shalt  }
0x65: {  	_ =	shalt  }
0x66: {  	_ =	shalt  }
0x67: {  	_ =	shalt  }
0x68: {  	_ =	shalt  }
0x69: {  	_ =	shalt  }
0x6a: {  	_ =	shalt  }
0x6b: {  	_ =	shalt  }
0x6c: {  	_ =	shalt  }
0x6d: {  	_ =	shalt  }
0x6e: {  	_ =	shalt  }
0x6f: {  	_ =	shalt  }
0x70: {  	_ =	shalt  }
0x71: {  	_ =	shalt  }
0x72: {  	_ =	shalt  }
0x73: {  	_ =	shalt  }
0x74: {  	_ =	shalt  }
0x75: {  	_ =	shalt  }
0x76: {  	_ =	shalt  }
0x77: {  	_ =	shalt  }
0x78: {  	_ =	shalt  }
0x79: {  	_ =	shalt  }
0x7a: {  	_ =	shalt  }
0x7b: {  	_ =	shalt  }
0x7c: {  	_ =	shalt  }
0x7d: {  	_ =	shalt  }
0x7e: {  	_ =	shalt  }
0x7f: {  	_ =	shalt  }
0x80: {  	_ =	shalt  }
0x81: {  	_ =	shalt  }
0x82: {  	_ =	shalt  }
0x83: {  	_ =	shalt  }
0x84: {  	_ =	shalt  }
0x85: {  	_ =	shalt  }
0x86: {  	_ =	shalt  }
0x87: {  	_ =	shalt  }
.Lfunc_end0:
.L_simem_size_0:
called_computation_lowered:
.L_overlay_start_0:
0x88: {  	s2 =	sld [smem:$0x3FD9]  }
0x89: {  	s3 =	sld [smem:$0x3FFE];
	_ =	sdelay $0x1  }
0x8a: {  	s1 =	srdreg.scid  }
0x8b: {  	s0 =	sand.u32 $0x1, s1  }
0x8c: {  	s17 =	sshll.u32 s0, $0xA;
	s2 =	sadd.s32 s3, s2  }
0x8d: {  	s2 =	sadd.s32 s2, s17  }
0x8e: {  	[smem:$0x3FC5] =	sst s2  }
0x8f: {  	_ = 	snop  }
0x90: {  	s2 =	sld [smem:$0x3FD0];
	(tm) =	ssettm $0x1  }
0x91: {  	s18 =	sld [smem:$0x3FFB];
	_ =	sdelay $0x3  }
0x92: {  	_ =	strace s18  }
0x93: {  	s3 =	sld [smem:$0x3FFC];
	_ =	sdelay $0x3  }
0x94: {  	_ =	strace s3  }
0x95: {  	s3 =	sld [smem:$0x3FFD];
	_ =	sdelay $0x3  }
0x96: {  	_ =	strace s3  }
0x97: {  	_ =	strace $0x8FFFFFFF  }
0x98: {  	s19 =	sld [smem:$0x3FDB];
	_ =	sdelay $0x1  }
0x99: {  	s4 =	simm.s32 $_scs_section_size  }
0x9a: {  	s5 =	simm.s32 $_size__tile_overlayer_lowered;
	s6 =	simm.s32 $_tile_overlayer_lowered  }
0x9b: {  	s22 =	simm.s32 $0x1BFF;
	s21 =	sshll.u32 s6, $0x1;
	s3 =	sadd.s32 s4, s19  }
0x9c: {  	s7 =	simm.s32 $0x0;
	s20 =	sshll.u32 s5, $0x1;
	s5 =	sadd.s32 s21, s3  }
0x9d: {  	[timem:s7], [sflag:s22] =	dma.local [hbm:s5], s20  }
0x9e: {  	_ =	swait.ge [sflag:s22], s20  }
0x9f: {  	s4 =	ssub.s32 $0x0, s20;
	[sflag:s22] =	ssyncset.done $0x0  }
0xa0: {  	[sflag:s22] =	ssyncadd.s32 s4;
	_ =	sdelay $0x1  }
0xa1: {  	s23 =	simm.s32 $0x1B8B  }
0xa2: {  	_ =	swait.ge [sflag:s23], $0x1  }
0xa3: {  	[sflag:s23] =	ssyncset.done $0x0  }
0xa4: {  	s25 =	simm.s32 $0x1B8E;
	s24 =	sld [smem:$0x3FFE];
	[sflag:s23] =	ssyncadd.s32 $0xFFFFFFFF  }
0xa5: {  	s26 =	simm.s32 $execute0_lowered;
	[smem:$0x3FD2] =	sst s25  }
0xa6: {  	s5 =	sshll.u32 s26, $0x1;
	_ =	strace $0x80000046;
	[dreg:$0x1] =	wrdreg $0xFFFFFFFF  }
0xa7: {  	s28 =	simm.s32 $_size_execute0_lowered;
	s3 =	sadd.s32 s3, s5;
	[dreg:$0x0] =	wrdreg $0x0  }
0xa8: {  	s5 =	sshll.u32 s28, $0x1;
	[dreg:$0x2] =	wrdreg s3  }
0xa9: {  	[dreg:$0x3] =	wrdreg s5  }
0xaa: {  	[dreg:$0x4] =	wrdreg $0xC0  }
0xab: {  	_ =	task [dreg:s7], $0x5FFFF  }
0xac: {  	[dreg:$0x1] =	wrdreg $0xFFFFFFFF  }
0xad: {  	[dreg:$0x0] =	wrdreg $0x60  }
0xae: {  	[dreg:$0x2] =	wrdreg s24  }
0xaf: {  	[dreg:$0x3] =	wrdreg s2  }
0xb0: {  	[dreg:$0x4] =	wrdreg $0x9  }
0xb1: {  	_ =	task.clear_ibuf [dreg:s7], $0x5FFFF;
	_ =	strace $0x90000046  }
0xb2: {  	s29 =	simm.s32 $0x9;
	_ =	strace $0x80000048  }
0xb3: {  	_ =	swait.ge [sflag:s29], $0x1  }
0xb4: {  	[sflag:s29] =	ssyncadd.s32 $0xFFFFFFFF  }
0xb5: {  	_ =	strace $0x90000048  }
0xb6: {  	_ =	sfence  }
0xb7: {  	s30 =	sld [smem:$0x0];
	_ =	sdelay $0x2  }
0xb8: {  	s31 =	sshll.u32 s1, $0xD;
	s1 =	sshrl.u32 s1, $0x2  }
0xb9: {  	s3 =	sand.u32 $0x4000, s31;
	s1 =	sadd.s32 s1, s30  }
0xba: {  	s0 =	sor.u32 s3, s0;
	s1 =	sshll.u32 s1, $0x11  }
0xbb: {  	s0 =	sor.u32 s1, s0  }
0xbc: {  	s0 =	sadd.s32 $0x8F2B, s0  }
0xbd: {  	[sflag:s0] =	ssyncadd.remote.s32 $0x1  }
0xbe: {  	_ =	sfence.sel $0xFFFF  }
0xbf: {  	[dreg:$0x0] =	wrdreg $0xFFFFFFFF;
	(pc) =	sbr.abs _section_cstart, $3  }
0xc0: {  	[dreg:$0x1] =	wrdreg $0xFFFFFFFF  }
0xc1: {  	_ =	task.clear_ibuf [dreg:s7], $0x2FFFF;
	_ =	strace $0x9FFFFFFF  }
0xc2: {  	(tm) =	ssettm $0x7FFFFFFF  }
0xc3: {  	_ =	shalt  }
tec
execute0_lowered:
.L_overlay_start_1:
0x0: {  	(tag) =	ssettag $0x1  }
0x1: {  	s0 =	rddreg [dreg:$0x0]  }
0x2: {  	s1 =	rddreg [dreg:$0x1];
	s2 =	srdreg.scid  }
0x3: {  	s9 =	stileid.u32;
	s16 =	simm.s32 $0x6;
	s17 =	simm.s32 $0x40  }
0x4: {  	s19 =	simm.s32 $0xA00;
	s21 =	simm.s32 $0x2A00;
	s28 =	simm.s32 $0x2  }
0x5: {  	s29 =	simm.s32 $0x3;
	s30 =	simm.s32 $0x4;
	s14 =	simm.s32 $0x7  }
0x6: {  	s15 =	simm.s32 $0x5;
	s18 =	simm.s32 $0x0;
	s3 =	sand.u32 $0x1, s2  }
0x7: {  	s2 =	simm.s32 $0x0;
	s4 =	sshll.u32 s9, $0xA;
	s5 =	sshll.u32 s3, $0x9  }
0x8: {  	s23 =	sshll.u32 s9, $0x6;
	[smem:$0x7FF] =	sst s2;
	s5 =	sor.u32 s5, s4  }
0x9: {  	s4 =	sshrl.u32 s5, $0x3;
	s7 =	sadd.s32 s5, s0;
	s5 =	sadd.s32 s1, s5  }
0xa: {  	_ =	strace $0x80000047;
	s1 =	sor.u32 $0x1C05, s23;
	[dreg:$0x3] =	wrdreg s5  }
0xb: {  	s8 =	ssub.s32 $0x2, s3;
	s7 =	sadd.s32 $0x1800, s7;
	[dreg:$0x6] =	wrdreg s1  }
0xc: {  	s6 =	sadd.s32 s4, s0;
	s5 =	sadd.s32 $0x40000, s5;
	[dreg:$0x4] =	wrdreg s7  }
0xd: {  	s3 =	sadd.s32 $0x1F1E00, s0;
	[dreg:$0x5] =	wrdreg s5;
	s24 =	sadd.s32 $0x9800, s6  }
0xe: {  	s22 =	sshrl.u32 s8, $0x1;
	s25 =	sadd.s32 $0xA000, s6;
	[dreg:$0x7] =	wrdreg s24  }
0xf: {  	s4 =	sadd.s32 $0x190200, s0;
	s26 =	sadd.s32 $0xA800, s6;
	[dreg:$0x8] =	wrdreg s25  }
0x10: {  	s0 =	ssub.s32 s8, s22;
	s31 =	sadd.s32 $0xB000, s6;
	[dreg:$0x9] =	wrdreg s26  }
0x11: {  	v0 =	vlaneseq.u32;
	s23 =	simm.s32 $0x4A00;
	s0 =	smax.u32 s0, $0x1;
	[dreg:$0xa] =	wrdreg s31  }
0x12: {  	v0 =	vmul.u32 $0x80, v0;
	[dreg:$0xb] =	wrdreg s0;
	s25 =	simm.s32 $0x6A00;
	s26 =	simm.s32 $0x1  }
.LBB2_1:
0x13: {  	s0 =	rddreg [dreg:$0x4]  }
0x14: {  	s1 =	rddreg [dreg:$0x5]  }
0x15: {  	s5 =	rddreg [dreg:$0x6];
	s6 =	simm.s32 $0x20;
	s7 =	simm.s32 $0x4000  }
0x16: {  	[hbm:s1@s7], [sflag:s5] =	dma.strided [hbm:s0@s7], $0x400, s6, $0x10   }
0x17: {  	s0 =	rddreg [dreg:$0x7]  }
0x18: {  	[tilespmem:s2], [sflag:$0x6] =	stream.linear.gather [hbm4b:s0+s2], $0x200, $0x38;
	[tilespmem:$0x18A00] =	vst v63  }
0x19: {  	s20 =	simm.s32 $0x200;
	s7 =	rddreg [dreg:$0x8]  }
0x1a: {  	[tilespmem:s20], [sflag:$0x6] =	stream.linear.gather [hbm4b:s7+s2], $0x200, $0x38;
	[tilespmem:$0x18A00] =	vst v63  }
0x1b: {  	s22 =	simm.s32 $0x400;
	s8 =	rddreg [dreg:$0x9]  }
0x1c: {  	[tilespmem:s22], [sflag:$0x6] =	stream.linear.gather [hbm4b:s8+s2], $0x200, $0x38;
	[tilespmem:$0x18A00] =	vst v63  }
0x1d: {  	s24 =	simm.s32 $0x600;
	s9 =	rddreg [dreg:$0xa]  }
0x1e: {  	[tilespmem:s24], [sflag:$0x6] =	stream.linear.gather [hbm4b:s9+s2], $0x200, $0x38;
	[tilespmem:$0x18A00] =	vst v63  }
0x1f: {  	_ =	swait.ge [sflag:s16], $0x200  }
0x20: {  	[sflag:s16] =	ssyncset.done $0x0  }
0x21: {  	[sflag:s16] =	ssyncadd.s32 $0xFFFFFE00  }
0x22: {  	_ =	swait.ge [sflag:s16], $0x200  }
0x23: {  	[sflag:s16] =	ssyncset.done $0x0  }
0x24: {  	[sflag:s16] =	ssyncadd.s32 $0xFFFFFE00  }
0x25: {  	_ =	swait.ge [sflag:s16], $0x200  }
0x26: {  	[sflag:s16] =	ssyncset.done $0x0  }
0x27: {  	[sflag:s16] =	ssyncadd.s32 $0xFFFFFE00  }
0x28: {  	_ =	swait.ge [sflag:s16], $0x200  }
0x29: {  	[sflag:s16] =	ssyncset.done $0x0  }
0x2a: {  	[sflag:s16] =	ssyncadd.s32 $0xFFFFFE00  }
0x2b: {  	v1 =	vld [tilespmem:$0x0]  }
0x2c: {  	v2 =	vld [tilespmem:$0x10]  }
0x2d: {  	v3 =	vld [tilespmem:$0x20]  }
0x2e: {  	v4 =	vld [tilespmem:$0x30];
	_ =	sdelay $0x1  }
0x2f: {  	v1 =	vshrl.u32 v1, $0x2  }
0x30: {  	[tilespmem:$0x800] =	vst v1;
	v1 =	vshrl.u32 v2, $0x2  }
0x31: {  	[tilespmem:$0x810] =	vst v1;
	v1 =	vshrl.u32 v3, $0x2  }
0x32: {  	[tilespmem:$0x820] =	vst v1;
	v1 =	vshrl.u32 v4, $0x2  }
0x33: {  	s10 =	simm.s32 $0x800;
	[tilespmem:$0x830] =	vst v1  }
0x34: {  	[tilespmem:s19], [sflag:$0x1] =	stream.indirect.gather [hbm4b:s3+s17], $0x80, s10, s17, $0xb8;
	[tilespmem:$0x18A00] =	vst v63  }
0x35: {  	v1 =	vld [tilespmem:$0x200]  }
0x36: {  	v2 =	vld [tilespmem:$0x210]  }
0x37: {  	v3 =	vld [tilespmem:$0x220]  }
0x38: {  	v61 =	vld [tilespmem:$0x230];
	_ =	sdelay $0x1  }
0x39: {  	v1 =	vshrl.u32 v1, $0x2  }
0x3a: {  	[tilespmem:$0x880] =	vst v1;
	v1 =	vshrl.u32 v2, $0x2  }
0x3b: {  	[tilespmem:$0x890] =	vst v1;
	v1 =	vshrl.u32 v3, $0x2  }
0x3c: {  	[tilespmem:$0x8A0] =	vst v1;
	v1 =	vshrl.u32 v61, $0x2  }
0x3d: {  	s11 =	simm.s32 $0x880;
	[tilespmem:$0x8B0] =	vst v1  }
0x3e: {  	[tilespmem:s21], [sflag:$0x2] =	stream.indirect.gather [hbm4b:s4+s17], $0x80, s11, s17, $0xb8;
	[tilespmem:$0x18A00] =	vst v63  }
0x3f: {  	v1 =	vld [tilespmem:$0x400]  }
0x40: {  	v2 =	vld [tilespmem:$0x410]  }
0x41: {  	v3 =	vld [tilespmem:$0x420]  }
0x42: {  	v62 =	vld [tilespmem:$0x430];
	_ =	sdelay $0x1  }
0x43: {  	v1 =	vshrl.u32 v1, $0x2  }
0x44: {  	[tilespmem:$0x900] =	vst v1;
	v1 =	vshrl.u32 v2, $0x2  }
0x45: {  	[tilespmem:$0x910] =	vst v1;
	v1 =	vshrl.u32 v3, $0x2  }
0x46: {  	[tilespmem:$0x920] =	vst v1;
	v1 =	vshrl.u32 v62, $0x2  }
0x47: {  	s12 =	simm.s32 $0x900;
	[tilespmem:$0x930] =	vst v1  }
0x48: {  	[tilespmem:s23], [sflag:$0x3] =	stream.indirect.gather [hbm4b:s3+s17], $0x80, s12, s17, $0xb8;
	[tilespmem:$0x18A00] =	vst v63  }
0x49: {  	v1 =	vld [tilespmem:$0x600]  }
0x4a: {  	v2 =	vld [tilespmem:$0x610]  }
0x4b: {  	v3 =	vld [tilespmem:$0x620]  }
0x4c: {  	v63 =	vld [tilespmem:$0x630];
	_ =	sdelay $0x1  }
0x4d: {  	v1 =	vshrl.u32 v1, $0x2  }
0x4e: {  	[tilespmem:$0x980] =	vst v1;
	v1 =	vshrl.u32 v2, $0x2  }
0x4f: {  	[tilespmem:$0x990] =	vst v1;
	v1 =	vshrl.u32 v3, $0x2  }
0x50: {  	[tilespmem:$0x9A0] =	vst v1;
	v1 =	vshrl.u32 v63, $0x2  }
0x51: {  	s13 =	simm.s32 $0x980;
	s31 =	simm.s32 $0x0;
	s6 =	simm.s32 $0x0;
	[tilespmem:$0x9B0] =	vst v1  }
0x52: {  	[tilespmem:s25], [sflag:$0x4] =	stream.indirect.gather [hbm4b:s4+s17], $0x80, s13, s17, $0xb8;
	[tilespmem:$0x18A00] =	vst v63  }
0x53: {  	s8 =	simm.s32 $0x0;
	s12 =	simm.s32 $0x0;
	s13 =	simm.s32 $0x0  }
.LBB2_2:
0x54: {  	_ =	swait.ge [sflag:s26], $0x2000  }
0x55: {  	[sflag:s26] =	ssyncset.done $0x0  }
0x56: {  	[sflag:s26] =	ssyncadd.s32 $0xFFFFE000  }
0x57: {  	v1 =	vld [tilespmem:s13+$0x0];
	_ =	sdelay $0x2  }
0x58: {  	s0 =	simm.s32 $0x0  }
0x59: {  	v2 =	vmov s0  }
0x5a: {  	v2 =	vshll.u32 v2, $0x7;
	v1 =	vshll.u32 v1, $0x5  }
0x5b: {  	v2 =	vor.u32 v0, v2;
	v1 =	vand.u32 $0x60, v1  }
0x5c: {  	v1 =	vor.u32 v2, v1;
	_ =	sdelay $0x4  }
0x5d: {  	s7 =	sshll.u32 s31, $0x6;
	v2 =	vld.idx.msk [tilespmem:v1+s19+$0x0], $0xffff  }
0x5e: {  	s0 =	sand.u32 $0x1C0, s7;
	v3 =	vor.u32 $0x1, v1  }
0x5f: {  	s1 =	sshrl.u32 s0, $0x2  }
0x60: {  	s9 =	sand.u32 $0x3FFFFC00, s12;
	s7 =	sor.u32 $0xAA00, s1  }
0x61: {  	s9 =	sadd.s32 s9, s7  }
0x62: {  	[tilespmem:s9+$0xFFFFE000] =	vst v2  }
0x63: {  	v2 =	vld.idx.msk [tilespmem:v3+s19+$0x0], $0xffff  }
0x64: {  	v3 =	vor.u32 $0x2, v1;
	_ =	sdelay $0x3  }
0x65: {  	[tilespmem:s9+$0xFFFFE080] =	vst v2  }
0x66: {  	v2 =	vld.idx.msk [tilespmem:v3+s19+$0x0], $0xffff  }
0x67: {  	v3 =	vor.u32 $0x3, v1;
	_ =	sdelay $0x3  }
0x68: {  	[tilespmem:s9+$0xFFFFE100] =	vst v2  }
0x69: {  	v2 =	vld.idx.msk [tilespmem:v3+s19+$0x0], $0xffff  }
0x6a: {  	v3 =	vor.u32 $0x4, v1;
	_ =	sdelay $0x3  }
0x6b: {  	[tilespmem:s9+$0xFFFFE180] =	vst v2  }
0x6c: {  	v2 =	vld.idx.msk [tilespmem:v3+s19+$0x0], $0xffff  }
0x6d: {  	v3 =	vor.u32 $0x5, v1;
	_ =	sdelay $0x3  }
0x6e: {  	[tilespmem:s9+$0xFFFFE200] =	vst v2  }
0x6f: {  	v2 =	vld.idx.msk [tilespmem:v3+s19+$0x0], $0xffff  }
0x70: {  	v3 =	vor.u32 $0x6, v1;
	_ =	sdelay $0x3  }
0x71: {  	[tilespmem:s9+$0xFFFFE280] =	vst v2  }
0x72: {  	v2 =	vld.idx.msk [tilespmem:v3+s19+$0x0], $0xffff  }
0x73: {  	v3 =	vor.u32 $0x7, v1;
	_ =	sdelay $0x3  }
0x74: {  	[tilespmem:s9+$0xFFFFE300] =	vst v2  }
0x75: {  	v2 =	vld.idx.msk [tilespmem:v3+s19+$0x0], $0xffff  }
0x76: {  	v3 =	vor.u32 $0x8, v1  }
0x77: {  	s10 =	sadd.s32 $0x0, s6  }
0x78: {  	s1 =	sor.u32 s12, s10  }
0x79: {  	s1 =	sor.u32 $0x380, s1  }
0x7a: {  	[tilespmem:s1+$0x8A00] =	vst v2  }
0x7b: {  	v2 =	vld.idx.msk [tilespmem:v3+s19+$0x0], $0xffff  }
0x7c: {  	v3 =	vor.u32 $0x9, v1;
	_ =	sdelay $0x3  }
0x7d: {  	[tilespmem:s9+$0xFFFFF000] =	vst v2  }
0x7e: {  	v2 =	vld.idx.msk [tilespmem:v3+s19+$0x0], $0xffff  }
0x7f: {  	v3 =	vor.u32 $0xA, v1;
	_ =	sdelay $0x3  }
0x80: {  	[tilespmem:s9+$0xFFFFF080] =	vst v2  }
0x81: {  	v2 =	vld.idx.msk [tilespmem:v3+s19+$0x0], $0xffff  }
0x82: {  	v3 =	vor.u32 $0xB, v1;
	_ =	sdelay $0x3  }
0x83: {  	[tilespmem:s9+$0xFFFFF100] =	vst v2  }
0x84: {  	v2 =	vld.idx.msk [tilespmem:v3+s19+$0x0], $0xffff  }
0x85: {  	v3 =	vor.u32 $0xC, v1;
	_ =	sdelay $0x3  }
0x86: {  	[tilespmem:s9+$0xFFFFF180] =	vst v2  }
0x87: {  	v2 =	vld.idx.msk [tilespmem:v3+s19+$0x0], $0xffff  }
0x88: {  	v3 =	vor.u32 $0xD, v1;
	_ =	sdelay $0x3  }
0x89: {  	[tilespmem:s9+$0xFFFFF200] =	vst v2  }
0x8a: {  	v2 =	vld.idx.msk [tilespmem:v3+s19+$0x0], $0xffff  }
0x8b: {  	v3 =	vor.u32 $0xE, v1;
	_ =	sdelay $0x3  }
0x8c: {  	[tilespmem:s9+$0xFFFFF280] =	vst v2  }
0x8d: {  	v2 =	vld.idx.msk [tilespmem:v3+s19+$0x0], $0xffff  }
0x8e: {  	v3 =	vor.u32 $0xF, v1;
	_ =	sdelay $0x3  }
0x8f: {  	[tilespmem:s9+$0xFFFFF300] =	vst v2  }
0x90: {  	v2 =	vld.idx.msk [tilespmem:v3+s19+$0x0], $0xffff  }
0x91: {  	v3 =	vor.u32 $0x10, v1;
	_ =	sdelay $0x3  }
0x92: {  	[tilespmem:s9+$0xFFFFF380] =	vst v2  }
0x93: {  	v2 =	vld.idx.msk [tilespmem:v3+s19+$0x0], $0xffff  }
0x94: {  	v3 =	vor.u32 $0x11, v1;
	_ =	sdelay $0x3  }
0x95: {  	[tilespmem:s9+$0x0] =	vst v2  }
0x96: {  	v2 =	vld.idx.msk [tilespmem:v3+s19+$0x0], $0xffff  }
0x97: {  	v3 =	vor.u32 $0x12, v1;
	_ =	sdelay $0x3  }
0x98: {  	[tilespmem:s9+$0x80] =	vst v2  }
0x99: {  	v2 =	vld.idx.msk [tilespmem:v3+s19+$0x0], $0xffff  }
0x9a: {  	v3 =	vor.u32 $0x13, v1;
	_ =	sdelay $0x3  }
0x9b: {  	[tilespmem:s9+$0x100] =	vst v2  }
0x9c: {  	v2 =	vld.idx.msk [tilespmem:v3+s19+$0x0], $0xffff  }
0x9d: {  	v3 =	vor.u32 $0x14, v1;
	_ =	sdelay $0x3  }
0x9e: {  	[tilespmem:s9+$0x180] =	vst v2  }
0x9f: {  	v2 =	vld.idx.msk [tilespmem:v3+s19+$0x0], $0xffff  }
0xa0: {  	v3 =	vor.u32 $0x15, v1;
	_ =	sdelay $0x3  }
0xa1: {  	[tilespmem:s9+$0x200] =	vst v2  }
0xa2: {  	v2 =	vld.idx.msk [tilespmem:v3+s19+$0x0], $0xffff  }
0xa3: {  	v3 =	vor.u32 $0x16, v1;
	_ =	sdelay $0x3  }
0xa4: {  	[tilespmem:s9+$0x280] =	vst v2  }
0xa5: {  	v2 =	vld.idx.msk [tilespmem:v3+s19+$0x0], $0xffff  }
0xa6: {  	v3 =	vor.u32 $0x17, v1;
	_ =	sdelay $0x3  }
0xa7: {  	[tilespmem:s9+$0x300] =	vst v2  }
0xa8: {  	v2 =	vld.idx.msk [tilespmem:v3+s19+$0x0], $0xffff  }
0xa9: {  	v3 =	vor.u32 $0x18, v1;
	_ =	sdelay $0x3  }
0xaa: {  	[tilespmem:s9+$0x380] =	vst v2  }
0xab: {  	v2 =	vld.idx.msk [tilespmem:v3+s19+$0x0], $0xffff  }
0xac: {  	v3 =	vor.u32 $0x19, v1;
	_ =	sdelay $0x3  }
0xad: {  	[tilespmem:s9+$0x1000] =	vst v2  }
0xae: {  	v2 =	vld.idx.msk [tilespmem:v3+s19+$0x0], $0xffff  }
0xaf: {  	v3 =	vor.u32 $0x1A, v1;
	_ =	sdelay $0x3  }
0xb0: {  	[tilespmem:s9+$0x1080] =	vst v2  }
0xb1: {  	v2 =	vld.idx.msk [tilespmem:v3+s19+$0x0], $0xffff  }
0xb2: {  	v3 =	vor.u32 $0x1B, v1;
	_ =	sdelay $0x3  }
0xb3: {  	[tilespmem:s9+$0x1100] =	vst v2  }
0xb4: {  	v2 =	vld.idx.msk [tilespmem:v3+s19+$0x0], $0xffff  }
0xb5: {  	v3 =	vor.u32 $0x1C, v1;
	_ =	sdelay $0x3  }
0xb6: {  	[tilespmem:s9+$0x1180] =	vst v2  }
0xb7: {  	v2 =	vld.idx.msk [tilespmem:v3+s19+$0x0], $0xffff  }
0xb8: {  	v3 =	vor.u32 $0x1D, v1;
	_ =	sdelay $0x3  }
0xb9: {  	[tilespmem:s9+$0x1200] =	vst v2  }
0xba: {  	v2 =	vld.idx.msk [tilespmem:v3+s19+$0x0], $0xffff  }
0xbb: {  	v3 =	vor.u32 $0x1E, v1;
	_ =	sdelay $0x3  }
0xbc: {  	[tilespmem:s9+$0x1280] =	vst v2  }
0xbd: {  	v2 =	vld.idx.msk [tilespmem:v3+s19+$0x0], $0xffff  }
0xbe: {  	v1 =	vor.u32 $0x1F, v1  }
0xbf: {  	s11 =	sshll.u32 s12, $0x2  }
0xc0: {  	s1 =	sand.u32 $0xFFFFF000, s11  }
0xc1: {  	s0 =	sor.u32 s0, s1  }
0xc2: {  	s10 =	simm.s32 $0x10;
	s0 =	sshrl.u32 s0, $0x2;
	[tilespmem:s9+$0x1300] =	vst v2  }
0xc3: {  	s1 =	smov.u32 s12;
	s11 =	sadd.s32 $0x8A00, s0;
	s0 =	smov.u32 s13;
	v1 =	vld.idx.msk [tilespmem:v1+s19+$0x0], $0xffff  }
.LBB2_3:
0xc4: {  	_ =	sdelay $0x3  }
0xc5: {  	s1 =	sadd.s32 $0x80, s1;
	s0 =	sadd.s32 $0x10, s0;
	s7 =	sadd.s32 $0x10, s7;
	[tilespmem:s9+$0x1380] =	vst v1  }
0xc6: {  	p0 =	sne.s32 s10, $0x30;
	s5 =	smov.u32 s10;
	s10 =	sadd.s32 $0x10, s10;
	v1 =	vld [tilespmem:s0+$0x0]  }
0xc7: {  	_ =	sdelay $0x2  }
0xc8: {  	v2 =	vmov s5  }
0xc9: {  	v2 =	vshll.u32 v2, $0x7;
	v1 =	vshll.u32 v1, $0x5  }
0xca: {  	v2 =	vor.u32 v0, v2;
	v1 =	vand.u32 $0x60, v1  }
0xcb: {  	v1 =	vor.u32 v2, v1;
	_ =	sdelay $0x4  }
0xcc: {  	v2 =	vld.idx.msk [tilespmem:v1+s19+$0x0], $0xffff;
	_ =	sdelay $0x1  }
0xcd: {  	v3 =	vor.u32 $0x1, v1;
	_ =	sdelay $0x1  }
0xce: {  	s9 =	sand.u32 $0x3FFFFC00, s1  }
0xcf: {  	s9 =	sadd.s32 s9, s7  }
0xd0: {  	[tilespmem:s9+$0xFFFFE000] =	vst v2  }
0xd1: {  	v2 =	vld.idx.msk [tilespmem:v3+s19+$0x0], $0xffff;
	_ =	sdelay $0x1  }
0xd2: {  	v3 =	vor.u32 $0x2, v1;
	_ =	sdelay $0x3  }
0xd3: {  	[tilespmem:s9+$0xFFFFE080] =	vst v2  }
0xd4: {  	v2 =	vld.idx.msk [tilespmem:v3+s19+$0x0], $0xffff;
	_ =	sdelay $0x1  }
0xd5: {  	v3 =	vor.u32 $0x3, v1;
	_ =	sdelay $0x3  }
0xd6: {  	[tilespmem:s9+$0xFFFFE100] =	vst v2  }
0xd7: {  	v2 =	vld.idx.msk [tilespmem:v3+s19+$0x0], $0xffff;
	_ =	sdelay $0x1  }
0xd8: {  	v3 =	vor.u32 $0x4, v1;
	_ =	sdelay $0x3  }
0xd9: {  	[tilespmem:s9+$0xFFFFE180] =	vst v2  }
0xda: {  	v2 =	vld.idx.msk [tilespmem:v3+s19+$0x0], $0xffff;
	_ =	sdelay $0x1  }
0xdb: {  	v3 =	vor.u32 $0x5, v1;
	_ =	sdelay $0x3  }
0xdc: {  	[tilespmem:s9+$0xFFFFE200] =	vst v2  }
0xdd: {  	v2 =	vld.idx.msk [tilespmem:v3+s19+$0x0], $0xffff;
	_ =	sdelay $0x1  }
0xde: {  	v3 =	vor.u32 $0x6, v1;
	_ =	sdelay $0x3  }
0xdf: {  	[tilespmem:s9+$0xFFFFE280] =	vst v2  }
0xe0: {  	v2 =	vld.idx.msk [tilespmem:v3+s19+$0x0], $0xffff;
	_ =	sdelay $0x1  }
0xe1: {  	v3 =	vor.u32 $0x7, v1;
	_ =	sdelay $0x3  }
0xe2: {  	[tilespmem:s9+$0xFFFFE300] =	vst v2  }
0xe3: {  	v2 =	vld.idx.msk [tilespmem:v3+s19+$0x0], $0xffff;
	_ =	sdelay $0x1  }
0xe4: {  	v3 =	vor.u32 $0x8, v1  }
0xe5: {  	s5 =	sadd.s32 s5, s6  }
0xe6: {  	s5 =	sor.u32 s1, s5  }
0xe7: {  	s5 =	sor.u32 $0x380, s5  }
0xe8: {  	[tilespmem:s5+$0x8A00] =	vst v2  }
0xe9: {  	v2 =	vld.idx.msk [tilespmem:v3+s19+$0x0], $0xffff;
	_ =	sdelay $0x1  }
0xea: {  	v3 =	vor.u32 $0x9, v1;
	_ =	sdelay $0x3  }
0xeb: {  	[tilespmem:s9+$0xFFFFF000] =	vst v2  }
0xec: {  	v2 =	vld.idx.msk [tilespmem:v3+s19+$0x0], $0xffff;
	_ =	sdelay $0x1  }
0xed: {  	v3 =	vor.u32 $0xA, v1;
	_ =	sdelay $0x3  }
0xee: {  	[tilespmem:s9+$0xFFFFF080] =	vst v2  }
0xef: {  	v2 =	vld.idx.msk [tilespmem:v3+s19+$0x0], $0xffff;
	_ =	sdelay $0x1  }
0xf0: {  	v3 =	vor.u32 $0xB, v1;
	_ =	sdelay $0x3  }
0xf1: {  	[tilespmem:s9+$0xFFFFF100] =	vst v2  }
0xf2: {  	v2 =	vld.idx.msk [tilespmem:v3+s19+$0x0], $0xffff;
	_ =	sdelay $0x1  }
0xf3: {  	v3 =	vor.u32 $0xC, v1;
	_ =	sdelay $0x3  }
0xf4: {  	[tilespmem:s9+$0xFFFFF180] =	vst v2  }
0xf5: {  	v2 =	vld.idx.msk [tilespmem:v3+s19+$0x0], $0xffff;
	_ =	sdelay $0x1  }
0xf6: {  	v3 =	vor.u32 $0xD, v1;
	_ =	sdelay $0x3  }
0xf7: {  	[tilespmem:s9+$0xFFFFF200] =	vst v2  }
0xf8: {  	v2 =	vld.idx.msk [tilespmem:v3+s19+$0x0], $0xffff;
	_ =	sdelay $0x1  }
0xf9: {  	v3 =	vor.u32 $0xE, v1;
	_ =	sdelay $0x3  }
0xfa: {  	[tilespmem:s9+$0xFFFFF280] =	vst v2  }
0xfb: {  	v2 =	vld.idx.msk [tilespmem:v3+s19+$0x0], $0xffff;
	_ =	sdelay $0x1  }
0xfc: {  	v3 =	vor.u32 $0xF, v1;
	_ =	sdelay $0x3  }
0xfd: {  	[tilespmem:s9+$0xFFFFF300] =	vst v2  }
0xfe: {  	v2 =	vld.idx.msk [tilespmem:v3+s19+$0x0], $0xffff;
	_ =	sdelay $0x1  }
0xff: {  	v3 =	vor.u32 $0x10, v1;
	_ =	sdelay $0x3  }
0x100: {  	[tilespmem:s9+$0xFFFFF380] =	vst v2  }
0x101: {  	v2 =	vld.idx.msk [tilespmem:v3+s19+$0x0], $0xffff;
	_ =	sdelay $0x1  }
0x102: {  	v3 =	vor.u32 $0x11, v1;
	_ =	sdelay $0x3  }
0x103: {  	[tilespmem:s9+$0x0] =	vst v2  }
0x104: {  	v2 =	vld.idx.msk [tilespmem:v3+s19+$0x0], $0xffff;
	_ =	sdelay $0x1  }
0x105: {  	v3 =	vor.u32 $0x12, v1;
	_ =	sdelay $0x3  }
0x106: {  	[tilespmem:s9+$0x80] =	vst v2  }
0x107: {  	v2 =	vld.idx.msk [tilespmem:v3+s19+$0x0], $0xffff;
	_ =	sdelay $0x1  }
0x108: {  	v3 =	vor.u32 $0x13, v1;
	_ =	sdelay $0x3  }
0x109: {  	[tilespmem:s9+$0x100] =	vst v2  }
0x10a: {  	v2 =	vld.idx.msk [tilespmem:v3+s19+$0x0], $0xffff;
	_ =	sdelay $0x1  }
0x10b: {  	v3 =	vor.u32 $0x14, v1;
	_ =	sdelay $0x3  }
0x10c: {  	[tilespmem:s9+$0x180] =	vst v2  }
0x10d: {  	v2 =	vld.idx.msk [tilespmem:v3+s19+$0x0], $0xffff;
	_ =	sdelay $0x1  }
0x10e: {  	v3 =	vor.u32 $0x15, v1;
	_ =	sdelay $0x3  }
0x10f: {  	[tilespmem:s9+$0x200] =	vst v2  }
0x110: {  	v2 =	vld.idx.msk [tilespmem:v3+s19+$0x0], $0xffff;
	_ =	sdelay $0x1  }
0x111: {  	v3 =	vor.u32 $0x16, v1;
	_ =	sdelay $0x3  }
0x112: {  	[tilespmem:s9+$0x280] =	vst v2  }
0x113: {  	v2 =	vld.idx.msk [tilespmem:v3+s19+$0x0], $0xffff;
	_ =	sdelay $0x1  }
0x114: {  	v3 =	vor.u32 $0x17, v1;
	_ =	sdelay $0x3  }
0x115: {  	[tilespmem:s9+$0x300] =	vst v2  }
0x116: {  	v2 =	vld.idx.msk [tilespmem:v3+s19+$0x0], $0xffff;
	_ =	sdelay $0x1  }
0x117: {  	v3 =	vor.u32 $0x18, v1;
	_ =	sdelay $0x3  }
0x118: {  	[tilespmem:s9+$0x380] =	vst v2  }
0x119: {  	v2 =	vld.idx.msk [tilespmem:v3+s19+$0x0], $0xffff;
	_ =	sdelay $0x1  }
0x11a: {  	v3 =	vor.u32 $0x19, v1;
	_ =	sdelay $0x3  }
0x11b: {  	[tilespmem:s9+$0x1000] =	vst v2  }
0x11c: {  	v2 =	vld.idx.msk [tilespmem:v3+s19+$0x0], $0xffff;
	_ =	sdelay $0x1  }
0x11d: {  	v3 =	vor.u32 $0x1A, v1;
	_ =	sdelay $0x3  }
0x11e: {  	[tilespmem:s9+$0x1080] =	vst v2  }
0x11f: {  	v2 =	vld.idx.msk [tilespmem:v3+s19+$0x0], $0xffff;
	_ =	sdelay $0x1  }
0x120: {  	v3 =	vor.u32 $0x1B, v1;
	_ =	sdelay $0x3  }
0x121: {  	[tilespmem:s9+$0x1100] =	vst v2  }
0x122: {  	v2 =	vld.idx.msk [tilespmem:v3+s19+$0x0], $0xffff;
	_ =	sdelay $0x1  }
0x123: {  	v3 =	vor.u32 $0x1C, v1;
	_ =	sdelay $0x3  }
0x124: {  	[tilespmem:s9+$0x1180] =	vst v2  }
0x125: {  	v2 =	vld.idx.msk [tilespmem:v3+s19+$0x0], $0xffff;
	_ =	sdelay $0x1  }
0x126: {  	v3 =	vor.u32 $0x1D, v1;
	_ =	sdelay $0x3  }
0x127: {  	[tilespmem:s9+$0x1200] =	vst v2  }
0x128: {  	v2 =	vld.idx.msk [tilespmem:v3+s19+$0x0], $0xffff;
	_ =	sdelay $0x1  }
0x129: {  	v3 =	vor.u32 $0x1E, v1;
	_ =	sdelay $0x3  }
0x12a: {  	[tilespmem:s9+$0x1280] =	vst v2  }
0x12b: {  	v2 =	vld.idx.msk [tilespmem:v3+s19+$0x0], $0xffff;
	_ =	sdelay $0x1  }
0x12c: {  	v1 =	vor.u32 $0x1F, v1  }
.Ltmp0:
0x12d: {  	(pc) =	sbr.rel @p0 .LBB2_3-.Ltmp0, $3  }
0x12e: {  	_ =	sdelay $0x1  }
0x12f: {  	[tilespmem:s9+$0x1300] =	vst v2  }
0x130: {  	v1 =	vld.idx.msk [tilespmem:v1+s19+$0x0], $0xffff  }
0x131: {  	_ =	sdelay $0x1  }
0x132: {  	s7 =	sadd.s32 $0x1, s8;
	p0 =	seq.s32 s8, $0x7  }
0x133: {  	s0 =	sshll.u32 @!p0 s7, $0x6  }
0x134: {  	s8 =	sand.u32 @!p0 $0x3FFFFFC0, s0;
	[tilespmem:s9+$0x1380] =	vst v1  }
0x135: {  	v1 =	vld @!p0 [tilespmem:s8+$0x0];
	_ =	sdelay $0x4  }
0x136: {  	v1 =	vshrl.u32 @!p0 v1, $0x2  }
0x137: {  	[tilespmem:$0x800] =	vst @!p0 v1  }
0x138: {  	v1 =	vld @!p0 [tilespmem:s8+$0x10];
	_ =	sdelay $0x4  }
0x139: {  	v1 =	vshrl.u32 @!p0 v1, $0x2  }
0x13a: {  	[tilespmem:$0x810] =	vst @!p0 v1  }
0x13b: {  	v1 =	vld @!p0 [tilespmem:s8+$0x20];
	_ =	sdelay $0x4  }
0x13c: {  	v1 =	vshrl.u32 @!p0 v1, $0x2  }
0x13d: {  	[tilespmem:$0x820] =	vst @!p0 v1  }
0x13e: {  	v1 =	vld @!p0 [tilespmem:s8+$0x30];
	_ =	sdelay $0x4  }
0x13f: {  	v1 =	vshrl.u32 @!p0 v1, $0x2  }
0x140: {  	v2 =	vmov s20;
	s1 =	simm.s32 @!p0 $0x800;
	s5 =	simm.s32 @!p0 $0xA00;
	s0 =	simm.s32 @!p0 $0x40;
	[tilespmem:$0x830] =	vst @!p0 v1  }
0x141: {  	[tilespmem:s5], [sflag:$0x1] =	stream.indirect.gather @!p0 [hbm4b:s3+s0], $0x80, s1, s0, $0xb8;
	[tilespmem:$0x18A00] =	vst v63  }
0x142: {  	_ =	swait.ge [sflag:s28], $0x2000  }
0x143: {  	[sflag:s28] =	ssyncset.done $0x0  }
0x144: {  	s10 =	simm.s32 $0x0;
	[sflag:s28] =	ssyncadd.s32 $0xFFFFE000  }
0x145: {  	v1 =	vld.idx.msk [tilespmem:v2+s10+$0x0 ss:$0x1], $0xffff;
	_ =	sdelay $0x2  }
0x146: {  	s9 =	simm.s32 $0x0  }
0x147: {  	v3 =	vmov s9  }
0x148: {  	v3 =	vshll.u32 v3, $0x7;
	v1 =	vshll.u32 v1, $0x5  }
0x149: {  	v3 =	vor.u32 v0, v3;
	v1 =	vand.u32 $0x60, v1  }
0x14a: {  	v3 =	vor.u32 v3, v1;
	_ =	sdelay $0x4  }
0x14b: {  	v1 =	vmov s11;
	v4 =	vld.idx.msk [tilespmem:v3+s21+$0x0], $0xffff  }
0x14c: {  	v5 =	vor.u32 $0x1, v3;
	_ =	sdelay $0x3  }
0x14d: {  	[tilespmem:v1+s10+$0x4000 ss:$0x1] =	vst.idx.msk $0xffff, v4  }
0x14e: {  	v4 =	vld.idx.msk [tilespmem:v5+s21+$0x0], $0xffff  }
0x14f: {  	v5 =	vor.u32 $0x2, v3;
	_ =	sdelay $0x3  }
0x150: {  	[tilespmem:v1+s10+$0x4080 ss:$0x1] =	vst.idx.msk $0xffff, v4  }
0x151: {  	v4 =	vld.idx.msk [tilespmem:v5+s21+$0x0], $0xffff  }
0x152: {  	v5 =	vor.u32 $0x3, v3;
	_ =	sdelay $0x3  }
0x153: {  	[tilespmem:v1+s10+$0x4100 ss:$0x1] =	vst.idx.msk $0xffff, v4  }
0x154: {  	v4 =	vld.idx.msk [tilespmem:v5+s21+$0x0], $0xffff  }
0x155: {  	v5 =	vor.u32 $0x4, v3;
	_ =	sdelay $0x3  }
0x156: {  	[tilespmem:v1+s10+$0x4180 ss:$0x1] =	vst.idx.msk $0xffff, v4  }
0x157: {  	v4 =	vld.idx.msk [tilespmem:v5+s21+$0x0], $0xffff  }
0x158: {  	v5 =	vor.u32 $0x5, v3;
	_ =	sdelay $0x3  }
0x159: {  	[tilespmem:v1+s10+$0x4200 ss:$0x1] =	vst.idx.msk $0xffff, v4  }
0x15a: {  	v4 =	vld.idx.msk [tilespmem:v5+s21+$0x0], $0xffff  }
0x15b: {  	v5 =	vor.u32 $0x6, v3;
	_ =	sdelay $0x3  }
0x15c: {  	[tilespmem:v1+s10+$0x4280 ss:$0x1] =	vst.idx.msk $0xffff, v4  }
0x15d: {  	v4 =	vld.idx.msk [tilespmem:v5+s21+$0x0], $0xffff  }
0x15e: {  	v5 =	vor.u32 $0x7, v3;
	_ =	sdelay $0x3  }
0x15f: {  	[tilespmem:v1+s10+$0x4300 ss:$0x1] =	vst.idx.msk $0xffff, v4  }
0x160: {  	v4 =	vld.idx.msk [tilespmem:v5+s21+$0x0], $0xffff  }
0x161: {  	v5 =	vor.u32 $0x8, v3;
	_ =	sdelay $0x3  }
0x162: {  	[tilespmem:v1+s10+$0x4380 ss:$0x1] =	vst.idx.msk $0xffff, v4  }
0x163: {  	v4 =	vld.idx.msk [tilespmem:v5+s21+$0x0], $0xffff  }
0x164: {  	v5 =	vor.u32 $0x9, v3;
	_ =	sdelay $0x3  }
0x165: {  	[tilespmem:v1+s10+$0x5000 ss:$0x1] =	vst.idx.msk $0xffff, v4  }
0x166: {  	v4 =	vld.idx.msk [tilespmem:v5+s21+$0x0], $0xffff  }
0x167: {  	v5 =	vor.u32 $0xA, v3;
	_ =	sdelay $0x3  }
0x168: {  	[tilespmem:v1+s10+$0x5080 ss:$0x1] =	vst.idx.msk $0xffff, v4  }
0x169: {  	v4 =	vld.idx.msk [tilespmem:v5+s21+$0x0], $0xffff  }
0x16a: {  	v5 =	vor.u32 $0xB, v3;
	_ =	sdelay $0x3  }
0x16b: {  	[tilespmem:v1+s10+$0x5100 ss:$0x1] =	vst.idx.msk $0xffff, v4  }
0x16c: {  	v4 =	vld.idx.msk [tilespmem:v5+s21+$0x0], $0xffff  }
0x16d: {  	v5 =	vor.u32 $0xC, v3;
	_ =	sdelay $0x3  }
0x16e: {  	[tilespmem:v1+s10+$0x5180 ss:$0x1] =	vst.idx.msk $0xffff, v4  }
0x16f: {  	v4 =	vld.idx.msk [tilespmem:v5+s21+$0x0], $0xffff  }
0x170: {  	v5 =	vor.u32 $0xD, v3;
	_ =	sdelay $0x3  }
0x171: {  	[tilespmem:v1+s10+$0x5200 ss:$0x1] =	vst.idx.msk $0xffff, v4  }
0x172: {  	v4 =	vld.idx.msk [tilespmem:v5+s21+$0x0], $0xffff  }
0x173: {  	v5 =	vor.u32 $0xE, v3;
	_ =	sdelay $0x3  }
0x174: {  	[tilespmem:v1+s10+$0x5280 ss:$0x1] =	vst.idx.msk $0xffff, v4  }
0x175: {  	v4 =	vld.idx.msk [tilespmem:v5+s21+$0x0], $0xffff  }
0x176: {  	v5 =	vor.u32 $0xF, v3;
	_ =	sdelay $0x3  }
0x177: {  	[tilespmem:v1+s10+$0x5300 ss:$0x1] =	vst.idx.msk $0xffff, v4  }
0x178: {  	v4 =	vld.idx.msk [tilespmem:v5+s21+$0x0], $0xffff  }
0x179: {  	v5 =	vor.u32 $0x10, v3;
	_ =	sdelay $0x3  }
0x17a: {  	[tilespmem:v1+s10+$0x5380 ss:$0x1] =	vst.idx.msk $0xffff, v4  }
0x17b: {  	v4 =	vld.idx.msk [tilespmem:v5+s21+$0x0], $0xffff  }
0x17c: {  	v5 =	vor.u32 $0x11, v3;
	_ =	sdelay $0x3  }
0x17d: {  	[tilespmem:v1+s10+$0x6000 ss:$0x1] =	vst.idx.msk $0xffff, v4  }
0x17e: {  	v4 =	vld.idx.msk [tilespmem:v5+s21+$0x0], $0xffff  }
0x17f: {  	v5 =	vor.u32 $0x12, v3;
	_ =	sdelay $0x3  }
0x180: {  	[tilespmem:v1+s10+$0x6080 ss:$0x1] =	vst.idx.msk $0xffff, v4  }
0x181: {  	v4 =	vld.idx.msk [tilespmem:v5+s21+$0x0], $0xffff  }
0x182: {  	v5 =	vor.u32 $0x13, v3;
	_ =	sdelay $0x3  }
0x183: {  	[tilespmem:v1+s10+$0x6100 ss:$0x1] =	vst.idx.msk $0xffff, v4  }
0x184: {  	v4 =	vld.idx.msk [tilespmem:v5+s21+$0x0], $0xffff  }
0x185: {  	v5 =	vor.u32 $0x14, v3;
	_ =	sdelay $0x3  }
0x186: {  	[tilespmem:v1+s10+$0x6180 ss:$0x1] =	vst.idx.msk $0xffff, v4  }
0x187: {  	v4 =	vld.idx.msk [tilespmem:v5+s21+$0x0], $0xffff  }
0x188: {  	v5 =	vor.u32 $0x15, v3;
	_ =	sdelay $0x3  }
0x189: {  	[tilespmem:v1+s10+$0x6200 ss:$0x1] =	vst.idx.msk $0xffff, v4  }
0x18a: {  	v4 =	vld.idx.msk [tilespmem:v5+s21+$0x0], $0xffff  }
0x18b: {  	v5 =	vor.u32 $0x16, v3;
	_ =	sdelay $0x3  }
0x18c: {  	[tilespmem:v1+s10+$0x6280 ss:$0x1] =	vst.idx.msk $0xffff, v4  }
0x18d: {  	v4 =	vld.idx.msk [tilespmem:v5+s21+$0x0], $0xffff  }
0x18e: {  	v5 =	vor.u32 $0x17, v3;
	_ =	sdelay $0x3  }
0x18f: {  	[tilespmem:v1+s10+$0x6300 ss:$0x1] =	vst.idx.msk $0xffff, v4  }
0x190: {  	v4 =	vld.idx.msk [tilespmem:v5+s21+$0x0], $0xffff  }
0x191: {  	v5 =	vor.u32 $0x18, v3;
	_ =	sdelay $0x3  }
0x192: {  	[tilespmem:v1+s10+$0x6380 ss:$0x1] =	vst.idx.msk $0xffff, v4  }
0x193: {  	v4 =	vld.idx.msk [tilespmem:v5+s21+$0x0], $0xffff  }
0x194: {  	v5 =	vor.u32 $0x19, v3;
	_ =	sdelay $0x3  }
0x195: {  	[tilespmem:v1+s10+$0x7000 ss:$0x1] =	vst.idx.msk $0xffff, v4  }
0x196: {  	v4 =	vld.idx.msk [tilespmem:v5+s21+$0x0], $0xffff  }
0x197: {  	v5 =	vor.u32 $0x1A, v3;
	_ =	sdelay $0x3  }
0x198: {  	[tilespmem:v1+s10+$0x7080 ss:$0x1] =	vst.idx.msk $0xffff, v4  }
0x199: {  	v4 =	vld.idx.msk [tilespmem:v5+s21+$0x0], $0xffff  }
0x19a: {  	v5 =	vor.u32 $0x1B, v3;
	_ =	sdelay $0x3  }
0x19b: {  	[tilespmem:v1+s10+$0x7100 ss:$0x1] =	vst.idx.msk $0xffff, v4  }
0x19c: {  	v4 =	vld.idx.msk [tilespmem:v5+s21+$0x0], $0xffff  }
0x19d: {  	v5 =	vor.u32 $0x1C, v3;
	_ =	sdelay $0x3  }
0x19e: {  	[tilespmem:v1+s10+$0x7180 ss:$0x1] =	vst.idx.msk $0xffff, v4  }
0x19f: {  	v4 =	vld.idx.msk [tilespmem:v5+s21+$0x0], $0xffff  }
0x1a0: {  	v5 =	vor.u32 $0x1D, v3;
	_ =	sdelay $0x3  }
0x1a1: {  	[tilespmem:v1+s10+$0x7200 ss:$0x1] =	vst.idx.msk $0xffff, v4  }
0x1a2: {  	v4 =	vld.idx.msk [tilespmem:v5+s21+$0x0], $0xffff  }
0x1a3: {  	v5 =	vor.u32 $0x1E, v3;
	_ =	sdelay $0x3  }
0x1a4: {  	[tilespmem:v1+s10+$0x7280 ss:$0x1] =	vst.idx.msk $0xffff, v4  }
0x1a5: {  	v4 =	vld.idx.msk [tilespmem:v5+s21+$0x0], $0xffff  }
0x1a6: {  	v3 =	vor.u32 $0x1F, v3;
	_ =	sdelay $0x3  }
0x1a7: {  	[tilespmem:v1+s10+$0x7300 ss:$0x1] =	vst.idx.msk $0xffff, v4  }
0x1a8: {  	s0 =	simm.s32 $0x40;
	s5 =	simm.s32 $0x80;
	v3 =	vld.idx.msk [tilespmem:v3+s21+$0x0], $0xffff  }
.LBB2_5:
0x1a9: {  	_ =	sdelay $0x2  }
0x1aa: {  	s9 =	sadd.s32 $0x10, s9  }
0x1ab: {  	s1 =	sadd.s32 $0x40, s5;
	[tilespmem:v1+s10+$0x7380 ss:$0x1] =	vst.idx.msk $0xffff, v3;
	s10 =	sshra.s32 s0, $0x2;
	s0 =	smov.u32 s5  }
0x1ac: {  	p1 =	sne.s32 s5, $0xC0;
	v3 =	vld.idx.msk [tilespmem:v2+s10+$0x0 ss:$0x1], $0xffff;
	_ =	sdelay $0x4  }
0x1ad: {  	v4 =	vmov s9  }
0x1ae: {  	v4 =	vshll.u32 v4, $0x7;
	v3 =	vshll.u32 v3, $0x5  }
0x1af: {  	v4 =	vor.u32 v0, v4;
	v3 =	vand.u32 $0x60, v3  }
0x1b0: {  	v3 =	vor.u32 v4, v3;
	_ =	sdelay $0x4  }
0x1b1: {  	v4 =	vld.idx.msk [tilespmem:v3+s21+$0x0], $0xffff;
	_ =	sdelay $0x1  }
0x1b2: {  	v5 =	vor.u32 $0x1, v3;
	_ =	sdelay $0x3  }
0x1b3: {  	[tilespmem:v1+s10+$0x4000 ss:$0x1] =	vst.idx.msk $0xffff, v4  }
0x1b4: {  	v4 =	vld.idx.msk [tilespmem:v5+s21+$0x0], $0xffff;
	_ =	sdelay $0x1  }
0x1b5: {  	v5 =	vor.u32 $0x2, v3;
	_ =	sdelay $0x3  }
0x1b6: {  	[tilespmem:v1+s10+$0x4080 ss:$0x1] =	vst.idx.msk $0xffff, v4  }
0x1b7: {  	v4 =	vld.idx.msk [tilespmem:v5+s21+$0x0], $0xffff;
	_ =	sdelay $0x1  }
0x1b8: {  	v5 =	vor.u32 $0x3, v3;
	_ =	sdelay $0x3  }
0x1b9: {  	[tilespmem:v1+s10+$0x4100 ss:$0x1] =	vst.idx.msk $0xffff, v4  }
0x1ba: {  	v4 =	vld.idx.msk [tilespmem:v5+s21+$0x0], $0xffff;
	_ =	sdelay $0x1  }
0x1bb: {  	v5 =	vor.u32 $0x4, v3;
	_ =	sdelay $0x3  }
0x1bc: {  	[tilespmem:v1+s10+$0x4180 ss:$0x1] =	vst.idx.msk $0xffff, v4  }
0x1bd: {  	v4 =	vld.idx.msk [tilespmem:v5+s21+$0x0], $0xffff;
	_ =	sdelay $0x1  }
0x1be: {  	v5 =	vor.u32 $0x5, v3;
	_ =	sdelay $0x3  }
0x1bf: {  	[tilespmem:v1+s10+$0x4200 ss:$0x1] =	vst.idx.msk $0xffff, v4  }
0x1c0: {  	v4 =	vld.idx.msk [tilespmem:v5+s21+$0x0], $0xffff;
	_ =	sdelay $0x1  }
0x1c1: {  	v5 =	vor.u32 $0x6, v3;
	_ =	sdelay $0x3  }
0x1c2: {  	[tilespmem:v1+s10+$0x4280 ss:$0x1] =	vst.idx.msk $0xffff, v4  }
0x1c3: {  	v4 =	vld.idx.msk [tilespmem:v5+s21+$0x0], $0xffff;
	_ =	sdelay $0x1  }
0x1c4: {  	v5 =	vor.u32 $0x7, v3;
	_ =	sdelay $0x3  }
0x1c5: {  	[tilespmem:v1+s10+$0x4300 ss:$0x1] =	vst.idx.msk $0xffff, v4  }
0x1c6: {  	v4 =	vld.idx.msk [tilespmem:v5+s21+$0x0], $0xffff;
	_ =	sdelay $0x1  }
0x1c7: {  	v5 =	vor.u32 $0x8, v3;
	_ =	sdelay $0x3  }
0x1c8: {  	[tilespmem:v1+s10+$0x4380 ss:$0x1] =	vst.idx.msk $0xffff, v4  }
0x1c9: {  	v4 =	vld.idx.msk [tilespmem:v5+s21+$0x0], $0xffff;
	_ =	sdelay $0x1  }
0x1ca: {  	v5 =	vor.u32 $0x9, v3;
	_ =	sdelay $0x3  }
0x1cb: {  	[tilespmem:v1+s10+$0x5000 ss:$0x1] =	vst.idx.msk $0xffff, v4  }
0x1cc: {  	v4 =	vld.idx.msk [tilespmem:v5+s21+$0x0], $0xffff;
	_ =	sdelay $0x1  }
0x1cd: {  	v5 =	vor.u32 $0xA, v3;
	_ =	sdelay $0x3  }
0x1ce: {  	[tilespmem:v1+s10+$0x5080 ss:$0x1] =	vst.idx.msk $0xffff, v4  }
0x1cf: {  	v4 =	vld.idx.msk [tilespmem:v5+s21+$0x0], $0xffff;
	_ =	sdelay $0x1  }
0x1d0: {  	v5 =	vor.u32 $0xB, v3;
	_ =	sdelay $0x3  }
0x1d1: {  	[tilespmem:v1+s10+$0x5100 ss:$0x1] =	vst.idx.msk $0xffff, v4  }
0x1d2: {  	v4 =	vld.idx.msk [tilespmem:v5+s21+$0x0], $0xffff;
	_ =	sdelay $0x1  }
0x1d3: {  	v5 =	vor.u32 $0xC, v3;
	_ =	sdelay $0x3  }
0x1d4: {  	[tilespmem:v1+s10+$0x5180 ss:$0x1] =	vst.idx.msk $0xffff, v4  }
0x1d5: {  	v4 =	vld.idx.msk [tilespmem:v5+s21+$0x0], $0xffff;
	_ =	sdelay $0x1  }
0x1d6: {  	v5 =	vor.u32 $0xD, v3;
	_ =	sdelay $0x3  }
0x1d7: {  	[tilespmem:v1+s10+$0x5200 ss:$0x1] =	vst.idx.msk $0xffff, v4  }
0x1d8: {  	v4 =	vld.idx.msk [tilespmem:v5+s21+$0x0], $0xffff;
	_ =	sdelay $0x1  }
0x1d9: {  	v5 =	vor.u32 $0xE, v3;
	_ =	sdelay $0x3  }
0x1da: {  	[tilespmem:v1+s10+$0x5280 ss:$0x1] =	vst.idx.msk $0xffff, v4  }
0x1db: {  	v4 =	vld.idx.msk [tilespmem:v5+s21+$0x0], $0xffff;
	_ =	sdelay $0x1  }
0x1dc: {  	v5 =	vor.u32 $0xF, v3;
	_ =	sdelay $0x3  }
0x1dd: {  	[tilespmem:v1+s10+$0x5300 ss:$0x1] =	vst.idx.msk $0xffff, v4  }
0x1de: {  	v4 =	vld.idx.msk [tilespmem:v5+s21+$0x0], $0xffff;
	_ =	sdelay $0x1  }
0x1df: {  	v5 =	vor.u32 $0x10, v3;
	_ =	sdelay $0x3  }
0x1e0: {  	[tilespmem:v1+s10+$0x5380 ss:$0x1] =	vst.idx.msk $0xffff, v4  }
0x1e1: {  	v4 =	vld.idx.msk [tilespmem:v5+s21+$0x0], $0xffff;
	_ =	sdelay $0x1  }
0x1e2: {  	v5 =	vor.u32 $0x11, v3;
	_ =	sdelay $0x3  }
0x1e3: {  	[tilespmem:v1+s10+$0x6000 ss:$0x1] =	vst.idx.msk $0xffff, v4  }
0x1e4: {  	v4 =	vld.idx.msk [tilespmem:v5+s21+$0x0], $0xffff;
	_ =	sdelay $0x1  }
0x1e5: {  	v5 =	vor.u32 $0x12, v3;
	_ =	sdelay $0x3  }
0x1e6: {  	[tilespmem:v1+s10+$0x6080 ss:$0x1] =	vst.idx.msk $0xffff, v4  }
0x1e7: {  	v4 =	vld.idx.msk [tilespmem:v5+s21+$0x0], $0xffff;
	_ =	sdelay $0x1  }
0x1e8: {  	v5 =	vor.u32 $0x13, v3;
	_ =	sdelay $0x3  }
0x1e9: {  	[tilespmem:v1+s10+$0x6100 ss:$0x1] =	vst.idx.msk $0xffff, v4  }
0x1ea: {  	v4 =	vld.idx.msk [tilespmem:v5+s21+$0x0], $0xffff;
	_ =	sdelay $0x1  }
0x1eb: {  	v5 =	vor.u32 $0x14, v3;
	_ =	sdelay $0x3  }
0x1ec: {  	[tilespmem:v1+s10+$0x6180 ss:$0x1] =	vst.idx.msk $0xffff, v4  }
0x1ed: {  	v4 =	vld.idx.msk [tilespmem:v5+s21+$0x0], $0xffff;
	_ =	sdelay $0x1  }
0x1ee: {  	v5 =	vor.u32 $0x15, v3;
	_ =	sdelay $0x3  }
0x1ef: {  	[tilespmem:v1+s10+$0x6200 ss:$0x1] =	vst.idx.msk $0xffff, v4  }
0x1f0: {  	v4 =	vld.idx.msk [tilespmem:v5+s21+$0x0], $0xffff;
	_ =	sdelay $0x1  }
0x1f1: {  	v5 =	vor.u32 $0x16, v3;
	_ =	sdelay $0x3  }
0x1f2: {  	[tilespmem:v1+s10+$0x6280 ss:$0x1] =	vst.idx.msk $0xffff, v4  }
0x1f3: {  	v4 =	vld.idx.msk [tilespmem:v5+s21+$0x0], $0xffff;
	_ =	sdelay $0x1  }
0x1f4: {  	v5 =	vor.u32 $0x17, v3;
	_ =	sdelay $0x3  }
0x1f5: {  	[tilespmem:v1+s10+$0x6300 ss:$0x1] =	vst.idx.msk $0xffff, v4  }
0x1f6: {  	v4 =	vld.idx.msk [tilespmem:v5+s21+$0x0], $0xffff;
	_ =	sdelay $0x1  }
0x1f7: {  	v5 =	vor.u32 $0x18, v3;
	_ =	sdelay $0x3  }
0x1f8: {  	[tilespmem:v1+s10+$0x6380 ss:$0x1] =	vst.idx.msk $0xffff, v4  }
0x1f9: {  	v4 =	vld.idx.msk [tilespmem:v5+s21+$0x0], $0xffff;
	_ =	sdelay $0x1  }
0x1fa: {  	v5 =	vor.u32 $0x19, v3;
	_ =	sdelay $0x3  }
0x1fb: {  	[tilespmem:v1+s10+$0x7000 ss:$0x1] =	vst.idx.msk $0xffff, v4  }
0x1fc: {  	v4 =	vld.idx.msk [tilespmem:v5+s21+$0x0], $0xffff;
	_ =	sdelay $0x1  }
0x1fd: {  	v5 =	vor.u32 $0x1A, v3;
	_ =	sdelay $0x3  }
0x1fe: {  	[tilespmem:v1+s10+$0x7080 ss:$0x1] =	vst.idx.msk $0xffff, v4  }
0x1ff: {  	v4 =	vld.idx.msk [tilespmem:v5+s21+$0x0], $0xffff;
	_ =	sdelay $0x1  }
0x200: {  	v5 =	vor.u32 $0x1B, v3;
	_ =	sdelay $0x3  }
0x201: {  	[tilespmem:v1+s10+$0x7100 ss:$0x1] =	vst.idx.msk $0xffff, v4  }
0x202: {  	v4 =	vld.idx.msk [tilespmem:v5+s21+$0x0], $0xffff;
	_ =	sdelay $0x1  }
0x203: {  	v5 =	vor.u32 $0x1C, v3;
	_ =	sdelay $0x3  }
0x204: {  	[tilespmem:v1+s10+$0x7180 ss:$0x1] =	vst.idx.msk $0xffff, v4  }
0x205: {  	v4 =	vld.idx.msk [tilespmem:v5+s21+$0x0], $0xffff;
	_ =	sdelay $0x1  }
0x206: {  	v5 =	vor.u32 $0x1D, v3;
	_ =	sdelay $0x3  }
0x207: {  	[tilespmem:v1+s10+$0x7200 ss:$0x1] =	vst.idx.msk $0xffff, v4  }
0x208: {  	v4 =	vld.idx.msk [tilespmem:v5+s21+$0x0], $0xffff;
	_ =	sdelay $0x1  }
0x209: {  	v5 =	vor.u32 $0x1E, v3;
	_ =	sdelay $0x3  }
0x20a: {  	[tilespmem:v1+s10+$0x7280 ss:$0x1] =	vst.idx.msk $0xffff, v4  }
0x20b: {  	v4 =	vld.idx.msk [tilespmem:v5+s21+$0x0], $0xffff;
	_ =	sdelay $0x1  }
0x20c: {  	v3 =	vor.u32 $0x1F, v3  }
.Ltmp1:
0x20d: {  	(pc) =	sbr.rel @p1 .LBB2_5-.Ltmp1, $3  }
0x20e: {  	_ =	sdelay $0x1  }
0x20f: {  	[tilespmem:v1+s10+$0x7300 ss:$0x1] =	vst.idx.msk $0xffff, v4  }
0x210: {  	s5 =	smov.u32 s1;
	v3 =	vld.idx.msk [tilespmem:v3+s21+$0x0], $0xffff  }
0x211: {  	_ =	sdelay $0x3  }
0x212: {  	s0 =	sshra.s32 s0, $0x2;
	[tilespmem:v1+s10+$0x7380 ss:$0x1] =	vst.idx.msk $0xffff, v3  }
0x213: {  	v2 =	vld.idx.msk [tilespmem:v2+s0+$0x0 ss:$0x1], $0xffff;
	_ =	sdelay $0x2  }
0x214: {  	s1 =	sadd.s32 $0x10, s9  }
0x215: {  	v3 =	vmov s1  }
0x216: {  	v3 =	vshll.u32 v3, $0x7;
	v2 =	vshll.u32 v2, $0x5  }
0x217: {  	v3 =	vor.u32 v0, v3;
	v2 =	vand.u32 $0x60, v2  }
0x218: {  	v2 =	vor.u32 v3, v2;
	_ =	sdelay $0x4  }
0x219: {  	v3 =	vld.idx.msk [tilespmem:v2+s21+$0x0], $0xffff  }
0x21a: {  	v4 =	vor.u32 $0x1, v2;
	_ =	sdelay $0x3  }
0x21b: {  	[tilespmem:v1+s0+$0x4000 ss:$0x1] =	vst.idx.msk $0xffff, v3  }
0x21c: {  	v3 =	vld.idx.msk [tilespmem:v4+s21+$0x0], $0xffff  }
0x21d: {  	v4 =	vor.u32 $0x2, v2;
	_ =	sdelay $0x3  }
0x21e: {  	[tilespmem:v1+s0+$0x4080 ss:$0x1] =	vst.idx.msk $0xffff, v3  }
0x21f: {  	v3 =	vld.idx.msk [tilespmem:v4+s21+$0x0], $0xffff  }
0x220: {  	v4 =	vor.u32 $0x3, v2;
	_ =	sdelay $0x3  }
0x221: {  	[tilespmem:v1+s0+$0x4100 ss:$0x1] =	vst.idx.msk $0xffff, v3  }
0x222: {  	v3 =	vld.idx.msk [tilespmem:v4+s21+$0x0], $0xffff  }
0x223: {  	v4 =	vor.u32 $0x4, v2;
	_ =	sdelay $0x3  }
0x224: {  	[tilespmem:v1+s0+$0x4180 ss:$0x1] =	vst.idx.msk $0xffff, v3  }
0x225: {  	v3 =	vld.idx.msk [tilespmem:v4+s21+$0x0], $0xffff  }
0x226: {  	v4 =	vor.u32 $0x5, v2;
	_ =	sdelay $0x3  }
0x227: {  	[tilespmem:v1+s0+$0x4200 ss:$0x1] =	vst.idx.msk $0xffff, v3  }
0x228: {  	v3 =	vld.idx.msk [tilespmem:v4+s21+$0x0], $0xffff  }
0x229: {  	v4 =	vor.u32 $0x6, v2;
	_ =	sdelay $0x3  }
0x22a: {  	[tilespmem:v1+s0+$0x4280 ss:$0x1] =	vst.idx.msk $0xffff, v3  }
0x22b: {  	v3 =	vld.idx.msk [tilespmem:v4+s21+$0x0], $0xffff  }
0x22c: {  	v4 =	vor.u32 $0x7, v2;
	_ =	sdelay $0x3  }
0x22d: {  	[tilespmem:v1+s0+$0x4300 ss:$0x1] =	vst.idx.msk $0xffff, v3  }
0x22e: {  	v3 =	vld.idx.msk [tilespmem:v4+s21+$0x0], $0xffff  }
0x22f: {  	v4 =	vor.u32 $0x8, v2;
	_ =	sdelay $0x3  }
0x230: {  	[tilespmem:v1+s0+$0x4380 ss:$0x1] =	vst.idx.msk $0xffff, v3  }
0x231: {  	v3 =	vld.idx.msk [tilespmem:v4+s21+$0x0], $0xffff  }
0x232: {  	v4 =	vor.u32 $0x9, v2;
	_ =	sdelay $0x3  }
0x233: {  	[tilespmem:v1+s0+$0x5000 ss:$0x1] =	vst.idx.msk $0xffff, v3  }
0x234: {  	v3 =	vld.idx.msk [tilespmem:v4+s21+$0x0], $0xffff  }
0x235: {  	v4 =	vor.u32 $0xA, v2;
	_ =	sdelay $0x3  }
0x236: {  	[tilespmem:v1+s0+$0x5080 ss:$0x1] =	vst.idx.msk $0xffff, v3  }
0x237: {  	v3 =	vld.idx.msk [tilespmem:v4+s21+$0x0], $0xffff  }
0x238: {  	v4 =	vor.u32 $0xB, v2;
	_ =	sdelay $0x3  }
0x239: {  	[tilespmem:v1+s0+$0x5100 ss:$0x1] =	vst.idx.msk $0xffff, v3  }
0x23a: {  	v3 =	vld.idx.msk [tilespmem:v4+s21+$0x0], $0xffff  }
0x23b: {  	v4 =	vor.u32 $0xC, v2;
	_ =	sdelay $0x3  }
0x23c: {  	[tilespmem:v1+s0+$0x5180 ss:$0x1] =	vst.idx.msk $0xffff, v3  }
0x23d: {  	v3 =	vld.idx.msk [tilespmem:v4+s21+$0x0], $0xffff  }
0x23e: {  	v4 =	vor.u32 $0xD, v2;
	_ =	sdelay $0x3  }
0x23f: {  	[tilespmem:v1+s0+$0x5200 ss:$0x1] =	vst.idx.msk $0xffff, v3  }
0x240: {  	v3 =	vld.idx.msk [tilespmem:v4+s21+$0x0], $0xffff  }
0x241: {  	v4 =	vor.u32 $0xE, v2;
	_ =	sdelay $0x3  }
0x242: {  	[tilespmem:v1+s0+$0x5280 ss:$0x1] =	vst.idx.msk $0xffff, v3  }
0x243: {  	v3 =	vld.idx.msk [tilespmem:v4+s21+$0x0], $0xffff  }
0x244: {  	v4 =	vor.u32 $0xF, v2;
	_ =	sdelay $0x3  }
0x245: {  	[tilespmem:v1+s0+$0x5300 ss:$0x1] =	vst.idx.msk $0xffff, v3  }
0x246: {  	v3 =	vld.idx.msk [tilespmem:v4+s21+$0x0], $0xffff  }
0x247: {  	v4 =	vor.u32 $0x10, v2;
	_ =	sdelay $0x3  }
0x248: {  	[tilespmem:v1+s0+$0x5380 ss:$0x1] =	vst.idx.msk $0xffff, v3  }
0x249: {  	v3 =	vld.idx.msk [tilespmem:v4+s21+$0x0], $0xffff  }
0x24a: {  	v4 =	vor.u32 $0x11, v2;
	_ =	sdelay $0x3  }
0x24b: {  	[tilespmem:v1+s0+$0x6000 ss:$0x1] =	vst.idx.msk $0xffff, v3  }
0x24c: {  	v3 =	vld.idx.msk [tilespmem:v4+s21+$0x0], $0xffff  }
0x24d: {  	v4 =	vor.u32 $0x12, v2;
	_ =	sdelay $0x3  }
0x24e: {  	[tilespmem:v1+s0+$0x6080 ss:$0x1] =	vst.idx.msk $0xffff, v3  }
0x24f: {  	v3 =	vld.idx.msk [tilespmem:v4+s21+$0x0], $0xffff  }
0x250: {  	v4 =	vor.u32 $0x13, v2;
	_ =	sdelay $0x3  }
0x251: {  	[tilespmem:v1+s0+$0x6100 ss:$0x1] =	vst.idx.msk $0xffff, v3  }
0x252: {  	v3 =	vld.idx.msk [tilespmem:v4+s21+$0x0], $0xffff  }
0x253: {  	v4 =	vor.u32 $0x14, v2;
	_ =	sdelay $0x3  }
0x254: {  	[tilespmem:v1+s0+$0x6180 ss:$0x1] =	vst.idx.msk $0xffff, v3  }
0x255: {  	v3 =	vld.idx.msk [tilespmem:v4+s21+$0x0], $0xffff  }
0x256: {  	v4 =	vor.u32 $0x15, v2;
	_ =	sdelay $0x3  }
0x257: {  	[tilespmem:v1+s0+$0x6200 ss:$0x1] =	vst.idx.msk $0xffff, v3  }
0x258: {  	v3 =	vld.idx.msk [tilespmem:v4+s21+$0x0], $0xffff  }
0x259: {  	v4 =	vor.u32 $0x16, v2;
	_ =	sdelay $0x3  }
0x25a: {  	[tilespmem:v1+s0+$0x6280 ss:$0x1] =	vst.idx.msk $0xffff, v3  }
0x25b: {  	v3 =	vld.idx.msk [tilespmem:v4+s21+$0x0], $0xffff  }
0x25c: {  	v4 =	vor.u32 $0x17, v2;
	_ =	sdelay $0x3  }
0x25d: {  	[tilespmem:v1+s0+$0x6300 ss:$0x1] =	vst.idx.msk $0xffff, v3  }
0x25e: {  	v3 =	vld.idx.msk [tilespmem:v4+s21+$0x0], $0xffff  }
0x25f: {  	v4 =	vor.u32 $0x18, v2;
	_ =	sdelay $0x3  }
0x260: {  	[tilespmem:v1+s0+$0x6380 ss:$0x1] =	vst.idx.msk $0xffff, v3  }
0x261: {  	v3 =	vld.idx.msk [tilespmem:v4+s21+$0x0], $0xffff  }
0x262: {  	v4 =	vor.u32 $0x19, v2;
	_ =	sdelay $0x3  }
0x263: {  	[tilespmem:v1+s0+$0x7000 ss:$0x1] =	vst.idx.msk $0xffff, v3  }
0x264: {  	v3 =	vld.idx.msk [tilespmem:v4+s21+$0x0], $0xffff  }
0x265: {  	v4 =	vor.u32 $0x1A, v2;
	_ =	sdelay $0x3  }
0x266: {  	[tilespmem:v1+s0+$0x7080 ss:$0x1] =	vst.idx.msk $0xffff, v3  }
0x267: {  	v3 =	vld.idx.msk [tilespmem:v4+s21+$0x0], $0xffff  }
0x268: {  	v4 =	vor.u32 $0x1B, v2;
	_ =	sdelay $0x3  }
0x269: {  	[tilespmem:v1+s0+$0x7100 ss:$0x1] =	vst.idx.msk $0xffff, v3  }
0x26a: {  	v3 =	vld.idx.msk [tilespmem:v4+s21+$0x0], $0xffff  }
0x26b: {  	v4 =	vor.u32 $0x1C, v2;
	_ =	sdelay $0x3  }
0x26c: {  	[tilespmem:v1+s0+$0x7180 ss:$0x1] =	vst.idx.msk $0xffff, v3  }
0x26d: {  	v3 =	vld.idx.msk [tilespmem:v4+s21+$0x0], $0xffff  }
0x26e: {  	v4 =	vor.u32 $0x1D, v2;
	_ =	sdelay $0x3  }
0x26f: {  	[tilespmem:v1+s0+$0x7200 ss:$0x1] =	vst.idx.msk $0xffff, v3  }
0x270: {  	v3 =	vld.idx.msk [tilespmem:v4+s21+$0x0], $0xffff  }
0x271: {  	v4 =	vor.u32 $0x1E, v2;
	_ =	sdelay $0x3  }
0x272: {  	[tilespmem:v1+s0+$0x7280 ss:$0x1] =	vst.idx.msk $0xffff, v3  }
0x273: {  	v3 =	vld.idx.msk [tilespmem:v4+s21+$0x0], $0xffff  }
0x274: {  	v2 =	vor.u32 $0x1F, v2;
	_ =	sdelay $0x3  }
0x275: {  	[tilespmem:v1+s0+$0x7300 ss:$0x1] =	vst.idx.msk $0xffff, v3  }
0x276: {  	v2 =	vld.idx.msk [tilespmem:v2+s21+$0x0], $0xffff;
	_ =	sdelay $0x4  }
0x277: {  	[tilespmem:v1+s0+$0x7380 ss:$0x1] =	vst.idx.msk $0xffff, v2  }
0x278: {  	v2 =	vld @!p0 [tilespmem:s8+$0x200];
	_ =	sdelay $0x4  }
0x279: {  	v2 =	vshrl.u32 @!p0 v2, $0x2  }
0x27a: {  	[tilespmem:$0x880] =	vst @!p0 v2  }
0x27b: {  	v2 =	vld @!p0 [tilespmem:s8+$0x210];
	_ =	sdelay $0x4  }
0x27c: {  	v2 =	vshrl.u32 @!p0 v2, $0x2  }
0x27d: {  	[tilespmem:$0x890] =	vst @!p0 v2  }
0x27e: {  	v2 =	vld @!p0 [tilespmem:s8+$0x220];
	_ =	sdelay $0x4  }
0x27f: {  	v2 =	vshrl.u32 @!p0 v2, $0x2  }
0x280: {  	[tilespmem:$0x8A0] =	vst @!p0 v2  }
0x281: {  	v2 =	vld @!p0 [tilespmem:s8+$0x230];
	_ =	sdelay $0x4  }
0x282: {  	v2 =	vshrl.u32 @!p0 v2, $0x2  }
0x283: {  	s5 =	simm.s32 @!p0 $0x2A00;
	s1 =	simm.s32 @!p0 $0x880;
	s0 =	simm.s32 @!p0 $0x40;
	[tilespmem:$0x8B0] =	vst @!p0 v2;
	v2 =	vmov s22  }
0x284: {  	[tilespmem:s5], [sflag:$0x2] =	stream.indirect.gather @!p0 [hbm4b:s4+s0], $0x80, s1, s0, $0xb8;
	[tilespmem:$0x18A00] =	vst v63  }
0x285: {  	_ =	swait.ge [sflag:s29], $0x2000  }
0x286: {  	[sflag:s29] =	ssyncset.done $0x0  }
0x287: {  	s10 =	simm.s32 $0x0;
	[sflag:s29] =	ssyncadd.s32 $0xFFFFE000  }
0x288: {  	v3 =	vld.idx.msk [tilespmem:v2+s10+$0x0 ss:$0x1], $0xffff;
	_ =	sdelay $0x2  }
0x289: {  	s9 =	simm.s32 $0x0  }
0x28a: {  	v4 =	vmov s9  }
0x28b: {  	v4 =	vshll.u32 v4, $0x7;
	v3 =	vshll.u32 v3, $0x5  }
0x28c: {  	v4 =	vor.u32 v0, v4;
	v3 =	vand.u32 $0x60, v3  }
0x28d: {  	v3 =	vor.u32 v4, v3;
	_ =	sdelay $0x4  }
0x28e: {  	v4 =	vld.idx.msk [tilespmem:v3+s23+$0x0], $0xffff  }
0x28f: {  	v5 =	vor.u32 $0x1, v3;
	_ =	sdelay $0x3  }
0x290: {  	[tilespmem:v1+s10+$0x8000 ss:$0x1] =	vst.idx.msk $0xffff, v4  }
0x291: {  	v4 =	vld.idx.msk [tilespmem:v5+s23+$0x0], $0xffff  }
0x292: {  	v5 =	vor.u32 $0x2, v3;
	_ =	sdelay $0x3  }
0x293: {  	[tilespmem:v1+s10+$0x8080 ss:$0x1] =	vst.idx.msk $0xffff, v4  }
0x294: {  	v4 =	vld.idx.msk [tilespmem:v5+s23+$0x0], $0xffff  }
0x295: {  	v5 =	vor.u32 $0x3, v3;
	_ =	sdelay $0x3  }
0x296: {  	[tilespmem:v1+s10+$0x8100 ss:$0x1] =	vst.idx.msk $0xffff, v4  }
0x297: {  	v4 =	vld.idx.msk [tilespmem:v5+s23+$0x0], $0xffff  }
0x298: {  	v5 =	vor.u32 $0x4, v3;
	_ =	sdelay $0x3  }
0x299: {  	[tilespmem:v1+s10+$0x8180 ss:$0x1] =	vst.idx.msk $0xffff, v4  }
0x29a: {  	v4 =	vld.idx.msk [tilespmem:v5+s23+$0x0], $0xffff  }
0x29b: {  	v5 =	vor.u32 $0x5, v3;
	_ =	sdelay $0x3  }
0x29c: {  	[tilespmem:v1+s10+$0x8200 ss:$0x1] =	vst.idx.msk $0xffff, v4  }
0x29d: {  	v4 =	vld.idx.msk [tilespmem:v5+s23+$0x0], $0xffff  }
0x29e: {  	v5 =	vor.u32 $0x6, v3;
	_ =	sdelay $0x3  }
0x29f: {  	[tilespmem:v1+s10+$0x8280 ss:$0x1] =	vst.idx.msk $0xffff, v4  }
0x2a0: {  	v4 =	vld.idx.msk [tilespmem:v5+s23+$0x0], $0xffff  }
0x2a1: {  	v5 =	vor.u32 $0x7, v3;
	_ =	sdelay $0x3  }
0x2a2: {  	[tilespmem:v1+s10+$0x8300 ss:$0x1] =	vst.idx.msk $0xffff, v4  }
0x2a3: {  	v4 =	vld.idx.msk [tilespmem:v5+s23+$0x0], $0xffff  }
0x2a4: {  	v5 =	vor.u32 $0x8, v3;
	_ =	sdelay $0x3  }
0x2a5: {  	[tilespmem:v1+s10+$0x8380 ss:$0x1] =	vst.idx.msk $0xffff, v4  }
0x2a6: {  	v4 =	vld.idx.msk [tilespmem:v5+s23+$0x0], $0xffff  }
0x2a7: {  	v5 =	vor.u32 $0x9, v3;
	_ =	sdelay $0x3  }
0x2a8: {  	[tilespmem:v1+s10+$0x9000 ss:$0x1] =	vst.idx.msk $0xffff, v4  }
0x2a9: {  	v4 =	vld.idx.msk [tilespmem:v5+s23+$0x0], $0xffff  }
0x2aa: {  	v5 =	vor.u32 $0xA, v3;
	_ =	sdelay $0x3  }
0x2ab: {  	[tilespmem:v1+s10+$0x9080 ss:$0x1] =	vst.idx.msk $0xffff, v4  }
0x2ac: {  	v4 =	vld.idx.msk [tilespmem:v5+s23+$0x0], $0xffff  }
0x2ad: {  	v5 =	vor.u32 $0xB, v3;
	_ =	sdelay $0x3  }
0x2ae: {  	[tilespmem:v1+s10+$0x9100 ss:$0x1] =	vst.idx.msk $0xffff, v4  }
0x2af: {  	v4 =	vld.idx.msk [tilespmem:v5+s23+$0x0], $0xffff  }
0x2b0: {  	v5 =	vor.u32 $0xC, v3;
	_ =	sdelay $0x3  }
0x2b1: {  	[tilespmem:v1+s10+$0x9180 ss:$0x1] =	vst.idx.msk $0xffff, v4  }
0x2b2: {  	v4 =	vld.idx.msk [tilespmem:v5+s23+$0x0], $0xffff  }
0x2b3: {  	v5 =	vor.u32 $0xD, v3;
	_ =	sdelay $0x3  }
0x2b4: {  	[tilespmem:v1+s10+$0x9200 ss:$0x1] =	vst.idx.msk $0xffff, v4  }
0x2b5: {  	v4 =	vld.idx.msk [tilespmem:v5+s23+$0x0], $0xffff  }
0x2b6: {  	v5 =	vor.u32 $0xE, v3;
	_ =	sdelay $0x3  }
0x2b7: {  	[tilespmem:v1+s10+$0x9280 ss:$0x1] =	vst.idx.msk $0xffff, v4  }
0x2b8: {  	v4 =	vld.idx.msk [tilespmem:v5+s23+$0x0], $0xffff  }
0x2b9: {  	v5 =	vor.u32 $0xF, v3;
	_ =	sdelay $0x3  }
0x2ba: {  	[tilespmem:v1+s10+$0x9300 ss:$0x1] =	vst.idx.msk $0xffff, v4  }
0x2bb: {  	v4 =	vld.idx.msk [tilespmem:v5+s23+$0x0], $0xffff  }
0x2bc: {  	v5 =	vor.u32 $0x10, v3;
	_ =	sdelay $0x3  }
0x2bd: {  	[tilespmem:v1+s10+$0x9380 ss:$0x1] =	vst.idx.msk $0xffff, v4  }
0x2be: {  	v4 =	vld.idx.msk [tilespmem:v5+s23+$0x0], $0xffff  }
0x2bf: {  	v5 =	vor.u32 $0x11, v3;
	_ =	sdelay $0x3  }
0x2c0: {  	[tilespmem:v1+s10+$0xA000 ss:$0x1] =	vst.idx.msk $0xffff, v4  }
0x2c1: {  	v4 =	vld.idx.msk [tilespmem:v5+s23+$0x0], $0xffff  }
0x2c2: {  	v5 =	vor.u32 $0x12, v3;
	_ =	sdelay $0x3  }
0x2c3: {  	[tilespmem:v1+s10+$0xA080 ss:$0x1] =	vst.idx.msk $0xffff, v4  }
0x2c4: {  	v4 =	vld.idx.msk [tilespmem:v5+s23+$0x0], $0xffff  }
0x2c5: {  	v5 =	vor.u32 $0x13, v3;
	_ =	sdelay $0x3  }
0x2c6: {  	[tilespmem:v1+s10+$0xA100 ss:$0x1] =	vst.idx.msk $0xffff, v4  }
0x2c7: {  	v4 =	vld.idx.msk [tilespmem:v5+s23+$0x0], $0xffff  }
0x2c8: {  	v5 =	vor.u32 $0x14, v3;
	_ =	sdelay $0x3  }
0x2c9: {  	[tilespmem:v1+s10+$0xA180 ss:$0x1] =	vst.idx.msk $0xffff, v4  }
0x2ca: {  	v4 =	vld.idx.msk [tilespmem:v5+s23+$0x0], $0xffff  }
0x2cb: {  	v5 =	vor.u32 $0x15, v3;
	_ =	sdelay $0x3  }
0x2cc: {  	[tilespmem:v1+s10+$0xA200 ss:$0x1] =	vst.idx.msk $0xffff, v4  }
0x2cd: {  	v4 =	vld.idx.msk [tilespmem:v5+s23+$0x0], $0xffff  }
0x2ce: {  	v5 =	vor.u32 $0x16, v3;
	_ =	sdelay $0x3  }
0x2cf: {  	[tilespmem:v1+s10+$0xA280 ss:$0x1] =	vst.idx.msk $0xffff, v4  }
0x2d0: {  	v4 =	vld.idx.msk [tilespmem:v5+s23+$0x0], $0xffff  }
0x2d1: {  	v5 =	vor.u32 $0x17, v3;
	_ =	sdelay $0x3  }
0x2d2: {  	[tilespmem:v1+s10+$0xA300 ss:$0x1] =	vst.idx.msk $0xffff, v4  }
0x2d3: {  	v4 =	vld.idx.msk [tilespmem:v5+s23+$0x0], $0xffff  }
0x2d4: {  	v5 =	vor.u32 $0x18, v3;
	_ =	sdelay $0x3  }
0x2d5: {  	[tilespmem:v1+s10+$0xA380 ss:$0x1] =	vst.idx.msk $0xffff, v4  }
0x2d6: {  	v4 =	vld.idx.msk [tilespmem:v5+s23+$0x0], $0xffff  }
0x2d7: {  	v5 =	vor.u32 $0x19, v3;
	_ =	sdelay $0x3  }
0x2d8: {  	[tilespmem:v1+s10+$0xB000 ss:$0x1] =	vst.idx.msk $0xffff, v4  }
0x2d9: {  	v4 =	vld.idx.msk [tilespmem:v5+s23+$0x0], $0xffff  }
0x2da: {  	v5 =	vor.u32 $0x1A, v3;
	_ =	sdelay $0x3  }
0x2db: {  	[tilespmem:v1+s10+$0xB080 ss:$0x1] =	vst.idx.msk $0xffff, v4  }
0x2dc: {  	v4 =	vld.idx.msk [tilespmem:v5+s23+$0x0], $0xffff  }
0x2dd: {  	v5 =	vor.u32 $0x1B, v3;
	_ =	sdelay $0x3  }
0x2de: {  	[tilespmem:v1+s10+$0xB100 ss:$0x1] =	vst.idx.msk $0xffff, v4  }
0x2df: {  	v4 =	vld.idx.msk [tilespmem:v5+s23+$0x0], $0xffff  }
0x2e0: {  	v5 =	vor.u32 $0x1C, v3;
	_ =	sdelay $0x3  }
0x2e1: {  	[tilespmem:v1+s10+$0xB180 ss:$0x1] =	vst.idx.msk $0xffff, v4  }
0x2e2: {  	v4 =	vld.idx.msk [tilespmem:v5+s23+$0x0], $0xffff  }
0x2e3: {  	v5 =	vor.u32 $0x1D, v3;
	_ =	sdelay $0x3  }
0x2e4: {  	[tilespmem:v1+s10+$0xB200 ss:$0x1] =	vst.idx.msk $0xffff, v4  }
0x2e5: {  	v4 =	vld.idx.msk [tilespmem:v5+s23+$0x0], $0xffff  }
0x2e6: {  	v5 =	vor.u32 $0x1E, v3;
	_ =	sdelay $0x3  }
0x2e7: {  	[tilespmem:v1+s10+$0xB280 ss:$0x1] =	vst.idx.msk $0xffff, v4  }
0x2e8: {  	v4 =	vld.idx.msk [tilespmem:v5+s23+$0x0], $0xffff  }
0x2e9: {  	v3 =	vor.u32 $0x1F, v3;
	_ =	sdelay $0x3  }
0x2ea: {  	[tilespmem:v1+s10+$0xB300 ss:$0x1] =	vst.idx.msk $0xffff, v4  }
0x2eb: {  	s0 =	simm.s32 $0x40;
	s5 =	simm.s32 $0x80;
	v3 =	vld.idx.msk [tilespmem:v3+s23+$0x0], $0xffff  }
.LBB2_7:
0x2ec: {  	_ =	sdelay $0x2  }
0x2ed: {  	s9 =	sadd.s32 $0x10, s9  }
0x2ee: {  	s1 =	sadd.s32 $0x40, s5;
	[tilespmem:v1+s10+$0xB380 ss:$0x1] =	vst.idx.msk $0xffff, v3;
	s10 =	sshra.s32 s0, $0x2;
	s0 =	smov.u32 s5  }
0x2ef: {  	p1 =	sne.s32 s5, $0xC0;
	v3 =	vld.idx.msk [tilespmem:v2+s10+$0x0 ss:$0x1], $0xffff;
	_ =	sdelay $0x4  }
0x2f0: {  	v4 =	vmov s9  }
0x2f1: {  	v4 =	vshll.u32 v4, $0x7;
	v3 =	vshll.u32 v3, $0x5  }
0x2f2: {  	v4 =	vor.u32 v0, v4;
	v3 =	vand.u32 $0x60, v3  }
0x2f3: {  	v3 =	vor.u32 v4, v3;
	_ =	sdelay $0x4  }
0x2f4: {  	v4 =	vld.idx.msk [tilespmem:v3+s23+$0x0], $0xffff;
	_ =	sdelay $0x1  }
0x2f5: {  	v5 =	vor.u32 $0x1, v3;
	_ =	sdelay $0x3  }
0x2f6: {  	[tilespmem:v1+s10+$0x8000 ss:$0x1] =	vst.idx.msk $0xffff, v4  }
0x2f7: {  	v4 =	vld.idx.msk [tilespmem:v5+s23+$0x0], $0xffff;
	_ =	sdelay $0x1  }
0x2f8: {  	v5 =	vor.u32 $0x2, v3;
	_ =	sdelay $0x3  }
0x2f9: {  	[tilespmem:v1+s10+$0x8080 ss:$0x1] =	vst.idx.msk $0xffff, v4  }
0x2fa: {  	v4 =	vld.idx.msk [tilespmem:v5+s23+$0x0], $0xffff;
	_ =	sdelay $0x1  }
0x2fb: {  	v5 =	vor.u32 $0x3, v3;
	_ =	sdelay $0x3  }
0x2fc: {  	[tilespmem:v1+s10+$0x8100 ss:$0x1] =	vst.idx.msk $0xffff, v4  }
0x2fd: {  	v4 =	vld.idx.msk [tilespmem:v5+s23+$0x0], $0xffff;
	_ =	sdelay $0x1  }
0x2fe: {  	v5 =	vor.u32 $0x4, v3;
	_ =	sdelay $0x3  }
0x2ff: {  	[tilespmem:v1+s10+$0x8180 ss:$0x1] =	vst.idx.msk $0xffff, v4  }
0x300: {  	v4 =	vld.idx.msk [tilespmem:v5+s23+$0x0], $0xffff;
	_ =	sdelay $0x1  }
0x301: {  	v5 =	vor.u32 $0x5, v3;
	_ =	sdelay $0x3  }
0x302: {  	[tilespmem:v1+s10+$0x8200 ss:$0x1] =	vst.idx.msk $0xffff, v4  }
0x303: {  	v4 =	vld.idx.msk [tilespmem:v5+s23+$0x0], $0xffff;
	_ =	sdelay $0x1  }
0x304: {  	v5 =	vor.u32 $0x6, v3;
	_ =	sdelay $0x3  }
0x305: {  	[tilespmem:v1+s10+$0x8280 ss:$0x1] =	vst.idx.msk $0xffff, v4  }
0x306: {  	v4 =	vld.idx.msk [tilespmem:v5+s23+$0x0], $0xffff;
	_ =	sdelay $0x1  }
0x307: {  	v5 =	vor.u32 $0x7, v3;
	_ =	sdelay $0x3  }
0x308: {  	[tilespmem:v1+s10+$0x8300 ss:$0x1] =	vst.idx.msk $0xffff, v4  }
0x309: {  	v4 =	vld.idx.msk [tilespmem:v5+s23+$0x0], $0xffff;
	_ =	sdelay $0x1  }
0x30a: {  	v5 =	vor.u32 $0x8, v3;
	_ =	sdelay $0x3  }
0x30b: {  	[tilespmem:v1+s10+$0x8380 ss:$0x1] =	vst.idx.msk $0xffff, v4  }
0x30c: {  	v4 =	vld.idx.msk [tilespmem:v5+s23+$0x0], $0xffff;
	_ =	sdelay $0x1  }
0x30d: {  	v5 =	vor.u32 $0x9, v3;
	_ =	sdelay $0x3  }
0x30e: {  	[tilespmem:v1+s10+$0x9000 ss:$0x1] =	vst.idx.msk $0xffff, v4  }
0x30f: {  	v4 =	vld.idx.msk [tilespmem:v5+s23+$0x0], $0xffff;
	_ =	sdelay $0x1  }
0x310: {  	v5 =	vor.u32 $0xA, v3;
	_ =	sdelay $0x3  }
0x311: {  	[tilespmem:v1+s10+$0x9080 ss:$0x1] =	vst.idx.msk $0xffff, v4  }
0x312: {  	v4 =	vld.idx.msk [tilespmem:v5+s23+$0x0], $0xffff;
	_ =	sdelay $0x1  }
0x313: {  	v5 =	vor.u32 $0xB, v3;
	_ =	sdelay $0x3  }
0x314: {  	[tilespmem:v1+s10+$0x9100 ss:$0x1] =	vst.idx.msk $0xffff, v4  }
0x315: {  	v4 =	vld.idx.msk [tilespmem:v5+s23+$0x0], $0xffff;
	_ =	sdelay $0x1  }
0x316: {  	v5 =	vor.u32 $0xC, v3;
	_ =	sdelay $0x3  }
0x317: {  	[tilespmem:v1+s10+$0x9180 ss:$0x1] =	vst.idx.msk $0xffff, v4  }
0x318: {  	v4 =	vld.idx.msk [tilespmem:v5+s23+$0x0], $0xffff;
	_ =	sdelay $0x1  }
0x319: {  	v5 =	vor.u32 $0xD, v3;
	_ =	sdelay $0x3  }
0x31a: {  	[tilespmem:v1+s10+$0x9200 ss:$0x1] =	vst.idx.msk $0xffff, v4  }
0x31b: {  	v4 =	vld.idx.msk [tilespmem:v5+s23+$0x0], $0xffff;
	_ =	sdelay $0x1  }
0x31c: {  	v5 =	vor.u32 $0xE, v3;
	_ =	sdelay $0x3  }
0x31d: {  	[tilespmem:v1+s10+$0x9280 ss:$0x1] =	vst.idx.msk $0xffff, v4  }
0x31e: {  	v4 =	vld.idx.msk [tilespmem:v5+s23+$0x0], $0xffff;
	_ =	sdelay $0x1  }
0x31f: {  	v5 =	vor.u32 $0xF, v3;
	_ =	sdelay $0x3  }
0x320: {  	[tilespmem:v1+s10+$0x9300 ss:$0x1] =	vst.idx.msk $0xffff, v4  }
0x321: {  	v4 =	vld.idx.msk [tilespmem:v5+s23+$0x0], $0xffff;
	_ =	sdelay $0x1  }
0x322: {  	v5 =	vor.u32 $0x10, v3;
	_ =	sdelay $0x3  }
0x323: {  	[tilespmem:v1+s10+$0x9380 ss:$0x1] =	vst.idx.msk $0xffff, v4  }
0x324: {  	v4 =	vld.idx.msk [tilespmem:v5+s23+$0x0], $0xffff;
	_ =	sdelay $0x1  }
0x325: {  	v5 =	vor.u32 $0x11, v3;
	_ =	sdelay $0x3  }
0x326: {  	[tilespmem:v1+s10+$0xA000 ss:$0x1] =	vst.idx.msk $0xffff, v4  }
0x327: {  	v4 =	vld.idx.msk [tilespmem:v5+s23+$0x0], $0xffff;
	_ =	sdelay $0x1  }
0x328: {  	v5 =	vor.u32 $0x12, v3;
	_ =	sdelay $0x3  }
0x329: {  	[tilespmem:v1+s10+$0xA080 ss:$0x1] =	vst.idx.msk $0xffff, v4  }
0x32a: {  	v4 =	vld.idx.msk [tilespmem:v5+s23+$0x0], $0xffff;
	_ =	sdelay $0x1  }
0x32b: {  	v5 =	vor.u32 $0x13, v3;
	_ =	sdelay $0x3  }
0x32c: {  	[tilespmem:v1+s10+$0xA100 ss:$0x1] =	vst.idx.msk $0xffff, v4  }
0x32d: {  	v4 =	vld.idx.msk [tilespmem:v5+s23+$0x0], $0xffff;
	_ =	sdelay $0x1  }
0x32e: {  	v5 =	vor.u32 $0x14, v3;
	_ =	sdelay $0x3  }
0x32f: {  	[tilespmem:v1+s10+$0xA180 ss:$0x1] =	vst.idx.msk $0xffff, v4  }
0x330: {  	v4 =	vld.idx.msk [tilespmem:v5+s23+$0x0], $0xffff;
	_ =	sdelay $0x1  }
0x331: {  	v5 =	vor.u32 $0x15, v3;
	_ =	sdelay $0x3  }
0x332: {  	[tilespmem:v1+s10+$0xA200 ss:$0x1] =	vst.idx.msk $0xffff, v4  }
0x333: {  	v4 =	vld.idx.msk [tilespmem:v5+s23+$0x0], $0xffff;
	_ =	sdelay $0x1  }
0x334: {  	v5 =	vor.u32 $0x16, v3;
	_ =	sdelay $0x3  }
0x335: {  	[tilespmem:v1+s10+$0xA280 ss:$0x1] =	vst.idx.msk $0xffff, v4  }
0x336: {  	v4 =	vld.idx.msk [tilespmem:v5+s23+$0x0], $0xffff;
	_ =	sdelay $0x1  }
0x337: {  	v5 =	vor.u32 $0x17, v3;
	_ =	sdelay $0x3  }
0x338: {  	[tilespmem:v1+s10+$0xA300 ss:$0x1] =	vst.idx.msk $0xffff, v4  }
0x339: {  	v4 =	vld.idx.msk [tilespmem:v5+s23+$0x0], $0xffff;
	_ =	sdelay $0x1  }
0x33a: {  	v5 =	vor.u32 $0x18, v3;
	_ =	sdelay $0x3  }
0x33b: {  	[tilespmem:v1+s10+$0xA380 ss:$0x1] =	vst.idx.msk $0xffff, v4  }
0x33c: {  	v4 =	vld.idx.msk [tilespmem:v5+s23+$0x0], $0xffff;
	_ =	sdelay $0x1  }
0x33d: {  	v5 =	vor.u32 $0x19, v3;
	_ =	sdelay $0x3  }
0x33e: {  	[tilespmem:v1+s10+$0xB000 ss:$0x1] =	vst.idx.msk $0xffff, v4  }
0x33f: {  	v4 =	vld.idx.msk [tilespmem:v5+s23+$0x0], $0xffff;
	_ =	sdelay $0x1  }
0x340: {  	v5 =	vor.u32 $0x1A, v3;
	_ =	sdelay $0x3  }
0x341: {  	[tilespmem:v1+s10+$0xB080 ss:$0x1] =	vst.idx.msk $0xffff, v4  }
0x342: {  	v4 =	vld.idx.msk [tilespmem:v5+s23+$0x0], $0xffff;
	_ =	sdelay $0x1  }
0x343: {  	v5 =	vor.u32 $0x1B, v3;
	_ =	sdelay $0x3  }
0x344: {  	[tilespmem:v1+s10+$0xB100 ss:$0x1] =	vst.idx.msk $0xffff, v4  }
0x345: {  	v4 =	vld.idx.msk [tilespmem:v5+s23+$0x0], $0xffff;
	_ =	sdelay $0x1  }
0x346: {  	v5 =	vor.u32 $0x1C, v3;
	_ =	sdelay $0x3  }
0x347: {  	[tilespmem:v1+s10+$0xB180 ss:$0x1] =	vst.idx.msk $0xffff, v4  }
0x348: {  	v4 =	vld.idx.msk [tilespmem:v5+s23+$0x0], $0xffff;
	_ =	sdelay $0x1  }
0x349: {  	v5 =	vor.u32 $0x1D, v3;
	_ =	sdelay $0x3  }
0x34a: {  	[tilespmem:v1+s10+$0xB200 ss:$0x1] =	vst.idx.msk $0xffff, v4  }
0x34b: {  	v4 =	vld.idx.msk [tilespmem:v5+s23+$0x0], $0xffff;
	_ =	sdelay $0x1  }
0x34c: {  	v5 =	vor.u32 $0x1E, v3;
	_ =	sdelay $0x3  }
0x34d: {  	[tilespmem:v1+s10+$0xB280 ss:$0x1] =	vst.idx.msk $0xffff, v4  }
0x34e: {  	v4 =	vld.idx.msk [tilespmem:v5+s23+$0x0], $0xffff;
	_ =	sdelay $0x1  }
0x34f: {  	v3 =	vor.u32 $0x1F, v3  }
.Ltmp2:
0x350: {  	(pc) =	sbr.rel @p1 .LBB2_7-.Ltmp2, $3  }
0x351: {  	_ =	sdelay $0x1  }
0x352: {  	[tilespmem:v1+s10+$0xB300 ss:$0x1] =	vst.idx.msk $0xffff, v4  }
0x353: {  	s5 =	smov.u32 s1;
	v3 =	vld.idx.msk [tilespmem:v3+s23+$0x0], $0xffff  }
0x354: {  	_ =	sdelay $0x3  }
0x355: {  	s0 =	sshra.s32 s0, $0x2;
	[tilespmem:v1+s10+$0xB380 ss:$0x1] =	vst.idx.msk $0xffff, v3  }
0x356: {  	v2 =	vld.idx.msk [tilespmem:v2+s0+$0x0 ss:$0x1], $0xffff;
	_ =	sdelay $0x2  }
0x357: {  	s1 =	sadd.s32 $0x10, s9  }
0x358: {  	v3 =	vmov s1  }
0x359: {  	v3 =	vshll.u32 v3, $0x7;
	v2 =	vshll.u32 v2, $0x5  }
0x35a: {  	v3 =	vor.u32 v0, v3;
	v2 =	vand.u32 $0x60, v2  }
0x35b: {  	v2 =	vor.u32 v3, v2;
	_ =	sdelay $0x4  }
0x35c: {  	v3 =	vld.idx.msk [tilespmem:v2+s23+$0x0], $0xffff  }
0x35d: {  	v4 =	vor.u32 $0x1, v2;
	_ =	sdelay $0x3  }
0x35e: {  	[tilespmem:v1+s0+$0x8000 ss:$0x1] =	vst.idx.msk $0xffff, v3  }
0x35f: {  	v3 =	vld.idx.msk [tilespmem:v4+s23+$0x0], $0xffff  }
0x360: {  	v4 =	vor.u32 $0x2, v2;
	_ =	sdelay $0x3  }
0x361: {  	[tilespmem:v1+s0+$0x8080 ss:$0x1] =	vst.idx.msk $0xffff, v3  }
0x362: {  	v3 =	vld.idx.msk [tilespmem:v4+s23+$0x0], $0xffff  }
0x363: {  	v4 =	vor.u32 $0x3, v2;
	_ =	sdelay $0x3  }
0x364: {  	[tilespmem:v1+s0+$0x8100 ss:$0x1] =	vst.idx.msk $0xffff, v3  }
0x365: {  	v3 =	vld.idx.msk [tilespmem:v4+s23+$0x0], $0xffff  }
0x366: {  	v4 =	vor.u32 $0x4, v2;
	_ =	sdelay $0x3  }
0x367: {  	[tilespmem:v1+s0+$0x8180 ss:$0x1] =	vst.idx.msk $0xffff, v3  }
0x368: {  	v3 =	vld.idx.msk [tilespmem:v4+s23+$0x0], $0xffff  }
0x369: {  	v4 =	vor.u32 $0x5, v2;
	_ =	sdelay $0x3  }
0x36a: {  	[tilespmem:v1+s0+$0x8200 ss:$0x1] =	vst.idx.msk $0xffff, v3  }
0x36b: {  	v3 =	vld.idx.msk [tilespmem:v4+s23+$0x0], $0xffff  }
0x36c: {  	v4 =	vor.u32 $0x6, v2;
	_ =	sdelay $0x3  }
0x36d: {  	[tilespmem:v1+s0+$0x8280 ss:$0x1] =	vst.idx.msk $0xffff, v3  }
0x36e: {  	v3 =	vld.idx.msk [tilespmem:v4+s23+$0x0], $0xffff  }
0x36f: {  	v4 =	vor.u32 $0x7, v2;
	_ =	sdelay $0x3  }
0x370: {  	[tilespmem:v1+s0+$0x8300 ss:$0x1] =	vst.idx.msk $0xffff, v3  }
0x371: {  	v3 =	vld.idx.msk [tilespmem:v4+s23+$0x0], $0xffff  }
0x372: {  	v4 =	vor.u32 $0x8, v2;
	_ =	sdelay $0x3  }
0x373: {  	[tilespmem:v1+s0+$0x8380 ss:$0x1] =	vst.idx.msk $0xffff, v3  }
0x374: {  	v3 =	vld.idx.msk [tilespmem:v4+s23+$0x0], $0xffff  }
0x375: {  	v4 =	vor.u32 $0x9, v2;
	_ =	sdelay $0x3  }
0x376: {  	[tilespmem:v1+s0+$0x9000 ss:$0x1] =	vst.idx.msk $0xffff, v3  }
0x377: {  	v3 =	vld.idx.msk [tilespmem:v4+s23+$0x0], $0xffff  }
0x378: {  	v4 =	vor.u32 $0xA, v2;
	_ =	sdelay $0x3  }
0x379: {  	[tilespmem:v1+s0+$0x9080 ss:$0x1] =	vst.idx.msk $0xffff, v3  }
0x37a: {  	v3 =	vld.idx.msk [tilespmem:v4+s23+$0x0], $0xffff  }
0x37b: {  	v4 =	vor.u32 $0xB, v2;
	_ =	sdelay $0x3  }
0x37c: {  	[tilespmem:v1+s0+$0x9100 ss:$0x1] =	vst.idx.msk $0xffff, v3  }
0x37d: {  	v3 =	vld.idx.msk [tilespmem:v4+s23+$0x0], $0xffff  }
0x37e: {  	v4 =	vor.u32 $0xC, v2;
	_ =	sdelay $0x3  }
0x37f: {  	[tilespmem:v1+s0+$0x9180 ss:$0x1] =	vst.idx.msk $0xffff, v3  }
0x380: {  	v3 =	vld.idx.msk [tilespmem:v4+s23+$0x0], $0xffff  }
0x381: {  	v4 =	vor.u32 $0xD, v2;
	_ =	sdelay $0x3  }
0x382: {  	[tilespmem:v1+s0+$0x9200 ss:$0x1] =	vst.idx.msk $0xffff, v3  }
0x383: {  	v3 =	vld.idx.msk [tilespmem:v4+s23+$0x0], $0xffff  }
0x384: {  	v4 =	vor.u32 $0xE, v2;
	_ =	sdelay $0x3  }
0x385: {  	[tilespmem:v1+s0+$0x9280 ss:$0x1] =	vst.idx.msk $0xffff, v3  }
0x386: {  	v3 =	vld.idx.msk [tilespmem:v4+s23+$0x0], $0xffff  }
0x387: {  	v4 =	vor.u32 $0xF, v2;
	_ =	sdelay $0x3  }
0x388: {  	[tilespmem:v1+s0+$0x9300 ss:$0x1] =	vst.idx.msk $0xffff, v3  }
0x389: {  	v3 =	vld.idx.msk [tilespmem:v4+s23+$0x0], $0xffff  }
0x38a: {  	v4 =	vor.u32 $0x10, v2;
	_ =	sdelay $0x3  }
0x38b: {  	[tilespmem:v1+s0+$0x9380 ss:$0x1] =	vst.idx.msk $0xffff, v3  }
0x38c: {  	v3 =	vld.idx.msk [tilespmem:v4+s23+$0x0], $0xffff  }
0x38d: {  	v4 =	vor.u32 $0x11, v2;
	_ =	sdelay $0x3  }
0x38e: {  	[tilespmem:v1+s0+$0xA000 ss:$0x1] =	vst.idx.msk $0xffff, v3  }
0x38f: {  	v3 =	vld.idx.msk [tilespmem:v4+s23+$0x0], $0xffff  }
0x390: {  	v4 =	vor.u32 $0x12, v2;
	_ =	sdelay $0x3  }
0x391: {  	[tilespmem:v1+s0+$0xA080 ss:$0x1] =	vst.idx.msk $0xffff, v3  }
0x392: {  	v3 =	vld.idx.msk [tilespmem:v4+s23+$0x0], $0xffff  }
0x393: {  	v4 =	vor.u32 $0x13, v2;
	_ =	sdelay $0x3  }
0x394: {  	[tilespmem:v1+s0+$0xA100 ss:$0x1] =	vst.idx.msk $0xffff, v3  }
0x395: {  	v3 =	vld.idx.msk [tilespmem:v4+s23+$0x0], $0xffff  }
0x396: {  	v4 =	vor.u32 $0x14, v2;
	_ =	sdelay $0x3  }
0x397: {  	[tilespmem:v1+s0+$0xA180 ss:$0x1] =	vst.idx.msk $0xffff, v3  }
0x398: {  	v3 =	vld.idx.msk [tilespmem:v4+s23+$0x0], $0xffff  }
0x399: {  	v4 =	vor.u32 $0x15, v2;
	_ =	sdelay $0x3  }
0x39a: {  	[tilespmem:v1+s0+$0xA200 ss:$0x1] =	vst.idx.msk $0xffff, v3  }
0x39b: {  	v3 =	vld.idx.msk [tilespmem:v4+s23+$0x0], $0xffff  }
0x39c: {  	v4 =	vor.u32 $0x16, v2;
	_ =	sdelay $0x3  }
0x39d: {  	[tilespmem:v1+s0+$0xA280 ss:$0x1] =	vst.idx.msk $0xffff, v3  }
0x39e: {  	v3 =	vld.idx.msk [tilespmem:v4+s23+$0x0], $0xffff  }
0x39f: {  	v4 =	vor.u32 $0x17, v2;
	_ =	sdelay $0x3  }
0x3a0: {  	[tilespmem:v1+s0+$0xA300 ss:$0x1] =	vst.idx.msk $0xffff, v3  }
0x3a1: {  	v3 =	vld.idx.msk [tilespmem:v4+s23+$0x0], $0xffff  }
0x3a2: {  	v4 =	vor.u32 $0x18, v2;
	_ =	sdelay $0x3  }
0x3a3: {  	[tilespmem:v1+s0+$0xA380 ss:$0x1] =	vst.idx.msk $0xffff, v3  }
0x3a4: {  	v3 =	vld.idx.msk [tilespmem:v4+s23+$0x0], $0xffff  }
0x3a5: {  	v4 =	vor.u32 $0x19, v2;
	_ =	sdelay $0x3  }
0x3a6: {  	[tilespmem:v1+s0+$0xB000 ss:$0x1] =	vst.idx.msk $0xffff, v3  }
0x3a7: {  	v3 =	vld.idx.msk [tilespmem:v4+s23+$0x0], $0xffff  }
0x3a8: {  	v4 =	vor.u32 $0x1A, v2;
	_ =	sdelay $0x3  }
0x3a9: {  	[tilespmem:v1+s0+$0xB080 ss:$0x1] =	vst.idx.msk $0xffff, v3  }
0x3aa: {  	v3 =	vld.idx.msk [tilespmem:v4+s23+$0x0], $0xffff  }
0x3ab: {  	v4 =	vor.u32 $0x1B, v2;
	_ =	sdelay $0x3  }
0x3ac: {  	[tilespmem:v1+s0+$0xB100 ss:$0x1] =	vst.idx.msk $0xffff, v3  }
0x3ad: {  	v3 =	vld.idx.msk [tilespmem:v4+s23+$0x0], $0xffff  }
0x3ae: {  	v4 =	vor.u32 $0x1C, v2;
	_ =	sdelay $0x3  }
0x3af: {  	[tilespmem:v1+s0+$0xB180 ss:$0x1] =	vst.idx.msk $0xffff, v3  }
0x3b0: {  	v3 =	vld.idx.msk [tilespmem:v4+s23+$0x0], $0xffff  }
0x3b1: {  	v4 =	vor.u32 $0x1D, v2;
	_ =	sdelay $0x3  }
0x3b2: {  	[tilespmem:v1+s0+$0xB200 ss:$0x1] =	vst.idx.msk $0xffff, v3  }
0x3b3: {  	v3 =	vld.idx.msk [tilespmem:v4+s23+$0x0], $0xffff  }
0x3b4: {  	v4 =	vor.u32 $0x1E, v2;
	_ =	sdelay $0x3  }
0x3b5: {  	[tilespmem:v1+s0+$0xB280 ss:$0x1] =	vst.idx.msk $0xffff, v3  }
0x3b6: {  	v3 =	vld.idx.msk [tilespmem:v4+s23+$0x0], $0xffff  }
0x3b7: {  	v2 =	vor.u32 $0x1F, v2;
	_ =	sdelay $0x3  }
0x3b8: {  	[tilespmem:v1+s0+$0xB300 ss:$0x1] =	vst.idx.msk $0xffff, v3  }
0x3b9: {  	v2 =	vld.idx.msk [tilespmem:v2+s23+$0x0], $0xffff;
	_ =	sdelay $0x4  }
0x3ba: {  	[tilespmem:v1+s0+$0xB380 ss:$0x1] =	vst.idx.msk $0xffff, v2  }
0x3bb: {  	v2 =	vld @!p0 [tilespmem:s8+$0x400];
	_ =	sdelay $0x4  }
0x3bc: {  	v2 =	vshrl.u32 @!p0 v2, $0x2  }
0x3bd: {  	[tilespmem:$0x900] =	vst @!p0 v2  }
0x3be: {  	v2 =	vld @!p0 [tilespmem:s8+$0x410];
	_ =	sdelay $0x4  }
0x3bf: {  	v2 =	vshrl.u32 @!p0 v2, $0x2  }
0x3c0: {  	[tilespmem:$0x910] =	vst @!p0 v2  }
0x3c1: {  	v2 =	vld @!p0 [tilespmem:s8+$0x420];
	_ =	sdelay $0x4  }
0x3c2: {  	v2 =	vshrl.u32 @!p0 v2, $0x2  }
0x3c3: {  	[tilespmem:$0x920] =	vst @!p0 v2  }
0x3c4: {  	v2 =	vld @!p0 [tilespmem:s8+$0x430];
	_ =	sdelay $0x4  }
0x3c5: {  	v2 =	vshrl.u32 @!p0 v2, $0x2  }
0x3c6: {  	s5 =	simm.s32 @!p0 $0x4A00;
	s1 =	simm.s32 @!p0 $0x900;
	s0 =	simm.s32 @!p0 $0x40;
	[tilespmem:$0x930] =	vst @!p0 v2;
	v2 =	vmov s24  }
0x3c7: {  	[tilespmem:s5], [sflag:$0x3] =	stream.indirect.gather @!p0 [hbm4b:s3+s0], $0x80, s1, s0, $0xb8;
	[tilespmem:$0x18A00] =	vst v63  }
0x3c8: {  	_ =	swait.ge [sflag:s30], $0x2000  }
0x3c9: {  	[sflag:s30] =	ssyncset.done $0x0  }
0x3ca: {  	s10 =	simm.s32 $0x0;
	[sflag:s30] =	ssyncadd.s32 $0xFFFFE000  }
0x3cb: {  	v3 =	vld.idx.msk [tilespmem:v2+s10+$0x0 ss:$0x1], $0xffff;
	_ =	sdelay $0x2  }
0x3cc: {  	s9 =	simm.s32 $0x0  }
0x3cd: {  	v4 =	vmov s9  }
0x3ce: {  	v4 =	vshll.u32 v4, $0x7;
	v3 =	vshll.u32 v3, $0x5  }
0x3cf: {  	v4 =	vor.u32 v0, v4;
	v3 =	vand.u32 $0x60, v3  }
0x3d0: {  	v3 =	vor.u32 v4, v3;
	_ =	sdelay $0x4  }
0x3d1: {  	v4 =	vld.idx.msk [tilespmem:v3+s25+$0x0], $0xffff  }
0x3d2: {  	v5 =	vor.u32 $0x1, v3;
	_ =	sdelay $0x3  }
0x3d3: {  	[tilespmem:v1+s10+$0xC000 ss:$0x1] =	vst.idx.msk $0xffff, v4  }
0x3d4: {  	v4 =	vld.idx.msk [tilespmem:v5+s25+$0x0], $0xffff  }
0x3d5: {  	v5 =	vor.u32 $0x2, v3;
	_ =	sdelay $0x3  }
0x3d6: {  	[tilespmem:v1+s10+$0xC080 ss:$0x1] =	vst.idx.msk $0xffff, v4  }
0x3d7: {  	v4 =	vld.idx.msk [tilespmem:v5+s25+$0x0], $0xffff  }
0x3d8: {  	v5 =	vor.u32 $0x3, v3;
	_ =	sdelay $0x3  }
0x3d9: {  	[tilespmem:v1+s10+$0xC100 ss:$0x1] =	vst.idx.msk $0xffff, v4  }
0x3da: {  	v4 =	vld.idx.msk [tilespmem:v5+s25+$0x0], $0xffff  }
0x3db: {  	v5 =	vor.u32 $0x4, v3;
	_ =	sdelay $0x3  }
0x3dc: {  	[tilespmem:v1+s10+$0xC180 ss:$0x1] =	vst.idx.msk $0xffff, v4  }
0x3dd: {  	v4 =	vld.idx.msk [tilespmem:v5+s25+$0x0], $0xffff  }
0x3de: {  	v5 =	vor.u32 $0x5, v3;
	_ =	sdelay $0x3  }
0x3df: {  	[tilespmem:v1+s10+$0xC200 ss:$0x1] =	vst.idx.msk $0xffff, v4  }
0x3e0: {  	v4 =	vld.idx.msk [tilespmem:v5+s25+$0x0], $0xffff  }
0x3e1: {  	v5 =	vor.u32 $0x6, v3;
	_ =	sdelay $0x3  }
0x3e2: {  	[tilespmem:v1+s10+$0xC280 ss:$0x1] =	vst.idx.msk $0xffff, v4  }
0x3e3: {  	v4 =	vld.idx.msk [tilespmem:v5+s25+$0x0], $0xffff  }
0x3e4: {  	v5 =	vor.u32 $0x7, v3;
	_ =	sdelay $0x3  }
0x3e5: {  	[tilespmem:v1+s10+$0xC300 ss:$0x1] =	vst.idx.msk $0xffff, v4  }
0x3e6: {  	v4 =	vld.idx.msk [tilespmem:v5+s25+$0x0], $0xffff  }
0x3e7: {  	v5 =	vor.u32 $0x8, v3;
	_ =	sdelay $0x3  }
0x3e8: {  	[tilespmem:v1+s10+$0xC380 ss:$0x1] =	vst.idx.msk $0xffff, v4  }
0x3e9: {  	v4 =	vld.idx.msk [tilespmem:v5+s25+$0x0], $0xffff  }
0x3ea: {  	v5 =	vor.u32 $0x9, v3;
	_ =	sdelay $0x3  }
0x3eb: {  	[tilespmem:v1+s10+$0xD000 ss:$0x1] =	vst.idx.msk $0xffff, v4  }
0x3ec: {  	v4 =	vld.idx.msk [tilespmem:v5+s25+$0x0], $0xffff  }
0x3ed: {  	v5 =	vor.u32 $0xA, v3;
	_ =	sdelay $0x3  }
0x3ee: {  	[tilespmem:v1+s10+$0xD080 ss:$0x1] =	vst.idx.msk $0xffff, v4  }
0x3ef: {  	v4 =	vld.idx.msk [tilespmem:v5+s25+$0x0], $0xffff  }
0x3f0: {  	v5 =	vor.u32 $0xB, v3;
	_ =	sdelay $0x3  }
0x3f1: {  	[tilespmem:v1+s10+$0xD100 ss:$0x1] =	vst.idx.msk $0xffff, v4  }
0x3f2: {  	v4 =	vld.idx.msk [tilespmem:v5+s25+$0x0], $0xffff  }
0x3f3: {  	v5 =	vor.u32 $0xC, v3;
	_ =	sdelay $0x3  }
0x3f4: {  	[tilespmem:v1+s10+$0xD180 ss:$0x1] =	vst.idx.msk $0xffff, v4  }
0x3f5: {  	v4 =	vld.idx.msk [tilespmem:v5+s25+$0x0], $0xffff  }
0x3f6: {  	v5 =	vor.u32 $0xD, v3;
	_ =	sdelay $0x3  }
0x3f7: {  	[tilespmem:v1+s10+$0xD200 ss:$0x1] =	vst.idx.msk $0xffff, v4  }
0x3f8: {  	v4 =	vld.idx.msk [tilespmem:v5+s25+$0x0], $0xffff  }
0x3f9: {  	v5 =	vor.u32 $0xE, v3;
	_ =	sdelay $0x3  }
0x3fa: {  	[tilespmem:v1+s10+$0xD280 ss:$0x1] =	vst.idx.msk $0xffff, v4  }
0x3fb: {  	v4 =	vld.idx.msk [tilespmem:v5+s25+$0x0], $0xffff  }
0x3fc: {  	v5 =	vor.u32 $0xF, v3;
	_ =	sdelay $0x3  }
0x3fd: {  	[tilespmem:v1+s10+$0xD300 ss:$0x1] =	vst.idx.msk $0xffff, v4  }
0x3fe: {  	v4 =	vld.idx.msk [tilespmem:v5+s25+$0x0], $0xffff  }
0x3ff: {  	v5 =	vor.u32 $0x10, v3;
	_ =	sdelay $0x3  }
0x400: {  	[tilespmem:v1+s10+$0xD380 ss:$0x1] =	vst.idx.msk $0xffff, v4  }
0x401: {  	v4 =	vld.idx.msk [tilespmem:v5+s25+$0x0], $0xffff  }
0x402: {  	v5 =	vor.u32 $0x11, v3;
	_ =	sdelay $0x3  }
0x403: {  	[tilespmem:v1+s10+$0xE000 ss:$0x1] =	vst.idx.msk $0xffff, v4  }
0x404: {  	v4 =	vld.idx.msk [tilespmem:v5+s25+$0x0], $0xffff  }
0x405: {  	v5 =	vor.u32 $0x12, v3;
	_ =	sdelay $0x3  }
0x406: {  	[tilespmem:v1+s10+$0xE080 ss:$0x1] =	vst.idx.msk $0xffff, v4  }
0x407: {  	v4 =	vld.idx.msk [tilespmem:v5+s25+$0x0], $0xffff  }
0x408: {  	v5 =	vor.u32 $0x13, v3;
	_ =	sdelay $0x3  }
0x409: {  	[tilespmem:v1+s10+$0xE100 ss:$0x1] =	vst.idx.msk $0xffff, v4  }
0x40a: {  	v4 =	vld.idx.msk [tilespmem:v5+s25+$0x0], $0xffff  }
0x40b: {  	v5 =	vor.u32 $0x14, v3;
	_ =	sdelay $0x3  }
0x40c: {  	[tilespmem:v1+s10+$0xE180 ss:$0x1] =	vst.idx.msk $0xffff, v4  }
0x40d: {  	v4 =	vld.idx.msk [tilespmem:v5+s25+$0x0], $0xffff  }
0x40e: {  	v5 =	vor.u32 $0x15, v3;
	_ =	sdelay $0x3  }
0x40f: {  	[tilespmem:v1+s10+$0xE200 ss:$0x1] =	vst.idx.msk $0xffff, v4  }
0x410: {  	v4 =	vld.idx.msk [tilespmem:v5+s25+$0x0], $0xffff  }
0x411: {  	v5 =	vor.u32 $0x16, v3;
	_ =	sdelay $0x3  }
0x412: {  	[tilespmem:v1+s10+$0xE280 ss:$0x1] =	vst.idx.msk $0xffff, v4  }
0x413: {  	v4 =	vld.idx.msk [tilespmem:v5+s25+$0x0], $0xffff  }
0x414: {  	v5 =	vor.u32 $0x17, v3;
	_ =	sdelay $0x3  }
0x415: {  	[tilespmem:v1+s10+$0xE300 ss:$0x1] =	vst.idx.msk $0xffff, v4  }
0x416: {  	v4 =	vld.idx.msk [tilespmem:v5+s25+$0x0], $0xffff  }
0x417: {  	v5 =	vor.u32 $0x18, v3;
	_ =	sdelay $0x3  }
0x418: {  	[tilespmem:v1+s10+$0xE380 ss:$0x1] =	vst.idx.msk $0xffff, v4  }
0x419: {  	v4 =	vld.idx.msk [tilespmem:v5+s25+$0x0], $0xffff  }
0x41a: {  	v5 =	vor.u32 $0x19, v3;
	_ =	sdelay $0x3  }
0x41b: {  	[tilespmem:v1+s10+$0xF000 ss:$0x1] =	vst.idx.msk $0xffff, v4  }
0x41c: {  	v4 =	vld.idx.msk [tilespmem:v5+s25+$0x0], $0xffff  }
0x41d: {  	v5 =	vor.u32 $0x1A, v3;
	_ =	sdelay $0x3  }
0x41e: {  	[tilespmem:v1+s10+$0xF080 ss:$0x1] =	vst.idx.msk $0xffff, v4  }
0x41f: {  	v4 =	vld.idx.msk [tilespmem:v5+s25+$0x0], $0xffff  }
0x420: {  	v5 =	vor.u32 $0x1B, v3;
	_ =	sdelay $0x3  }
0x421: {  	[tilespmem:v1+s10+$0xF100 ss:$0x1] =	vst.idx.msk $0xffff, v4  }
0x422: {  	v4 =	vld.idx.msk [tilespmem:v5+s25+$0x0], $0xffff  }
0x423: {  	v5 =	vor.u32 $0x1C, v3;
	_ =	sdelay $0x3  }
0x424: {  	[tilespmem:v1+s10+$0xF180 ss:$0x1] =	vst.idx.msk $0xffff, v4  }
0x425: {  	v4 =	vld.idx.msk [tilespmem:v5+s25+$0x0], $0xffff  }
0x426: {  	v5 =	vor.u32 $0x1D, v3;
	_ =	sdelay $0x3  }
0x427: {  	[tilespmem:v1+s10+$0xF200 ss:$0x1] =	vst.idx.msk $0xffff, v4  }
0x428: {  	v4 =	vld.idx.msk [tilespmem:v5+s25+$0x0], $0xffff  }
0x429: {  	v5 =	vor.u32 $0x1E, v3;
	_ =	sdelay $0x3  }
0x42a: {  	[tilespmem:v1+s10+$0xF280 ss:$0x1] =	vst.idx.msk $0xffff, v4  }
0x42b: {  	v4 =	vld.idx.msk [tilespmem:v5+s25+$0x0], $0xffff  }
0x42c: {  	v3 =	vor.u32 $0x1F, v3;
	_ =	sdelay $0x3  }
0x42d: {  	[tilespmem:v1+s10+$0xF300 ss:$0x1] =	vst.idx.msk $0xffff, v4  }
0x42e: {  	s0 =	simm.s32 $0x40;
	s5 =	simm.s32 $0x80;
	v3 =	vld.idx.msk [tilespmem:v3+s25+$0x0], $0xffff  }
.LBB2_9:
0x42f: {  	_ =	sdelay $0x2  }
0x430: {  	s9 =	sadd.s32 $0x10, s9  }
0x431: {  	s1 =	sadd.s32 $0x40, s5;
	[tilespmem:v1+s10+$0xF380 ss:$0x1] =	vst.idx.msk $0xffff, v3;
	s10 =	sshra.s32 s0, $0x2;
	s0 =	smov.u32 s5  }
0x432: {  	p1 =	sne.s32 s5, $0xC0;
	v3 =	vld.idx.msk [tilespmem:v2+s10+$0x0 ss:$0x1], $0xffff;
	_ =	sdelay $0x4  }
0x433: {  	v4 =	vmov s9  }
0x434: {  	v4 =	vshll.u32 v4, $0x7;
	v3 =	vshll.u32 v3, $0x5  }
0x435: {  	v4 =	vor.u32 v0, v4;
	v3 =	vand.u32 $0x60, v3  }
0x436: {  	v3 =	vor.u32 v4, v3;
	_ =	sdelay $0x4  }
0x437: {  	v4 =	vld.idx.msk [tilespmem:v3+s25+$0x0], $0xffff;
	_ =	sdelay $0x1  }
0x438: {  	v5 =	vor.u32 $0x1, v3;
	_ =	sdelay $0x3  }
0x439: {  	[tilespmem:v1+s10+$0xC000 ss:$0x1] =	vst.idx.msk $0xffff, v4  }
0x43a: {  	v4 =	vld.idx.msk [tilespmem:v5+s25+$0x0], $0xffff;
	_ =	sdelay $0x1  }
0x43b: {  	v5 =	vor.u32 $0x2, v3;
	_ =	sdelay $0x3  }
0x43c: {  	[tilespmem:v1+s10+$0xC080 ss:$0x1] =	vst.idx.msk $0xffff, v4  }
0x43d: {  	v4 =	vld.idx.msk [tilespmem:v5+s25+$0x0], $0xffff;
	_ =	sdelay $0x1  }
0x43e: {  	v5 =	vor.u32 $0x3, v3;
	_ =	sdelay $0x3  }
0x43f: {  	[tilespmem:v1+s10+$0xC100 ss:$0x1] =	vst.idx.msk $0xffff, v4  }
0x440: {  	v4 =	vld.idx.msk [tilespmem:v5+s25+$0x0], $0xffff;
	_ =	sdelay $0x1  }
0x441: {  	v5 =	vor.u32 $0x4, v3;
	_ =	sdelay $0x3  }
0x442: {  	[tilespmem:v1+s10+$0xC180 ss:$0x1] =	vst.idx.msk $0xffff, v4  }
0x443: {  	v4 =	vld.idx.msk [tilespmem:v5+s25+$0x0], $0xffff;
	_ =	sdelay $0x1  }
0x444: {  	v5 =	vor.u32 $0x5, v3;
	_ =	sdelay $0x3  }
0x445: {  	[tilespmem:v1+s10+$0xC200 ss:$0x1] =	vst.idx.msk $0xffff, v4  }
0x446: {  	v4 =	vld.idx.msk [tilespmem:v5+s25+$0x0], $0xffff;
	_ =	sdelay $0x1  }
0x447: {  	v5 =	vor.u32 $0x6, v3;
	_ =	sdelay $0x3  }
0x448: {  	[tilespmem:v1+s10+$0xC280 ss:$0x1] =	vst.idx.msk $0xffff, v4  }
0x449: {  	v4 =	vld.idx.msk [tilespmem:v5+s25+$0x0], $0xffff;
	_ =	sdelay $0x1  }
0x44a: {  	v5 =	vor.u32 $0x7, v3;
	_ =	sdelay $0x3  }
0x44b: {  	[tilespmem:v1+s10+$0xC300 ss:$0x1] =	vst.idx.msk $0xffff, v4  }
0x44c: {  	v4 =	vld.idx.msk [tilespmem:v5+s25+$0x0], $0xffff;
	_ =	sdelay $0x1  }
0x44d: {  	v5 =	vor.u32 $0x8, v3;
	_ =	sdelay $0x3  }
0x44e: {  	[tilespmem:v1+s10+$0xC380 ss:$0x1] =	vst.idx.msk $0xffff, v4  }
0x44f: {  	v4 =	vld.idx.msk [tilespmem:v5+s25+$0x0], $0xffff;
	_ =	sdelay $0x1  }
0x450: {  	v5 =	vor.u32 $0x9, v3;
	_ =	sdelay $0x3  }
0x451: {  	[tilespmem:v1+s10+$0xD000 ss:$0x1] =	vst.idx.msk $0xffff, v4  }
0x452: {  	v4 =	vld.idx.msk [tilespmem:v5+s25+$0x0], $0xffff;
	_ =	sdelay $0x1  }
0x453: {  	v5 =	vor.u32 $0xA, v3;
	_ =	sdelay $0x3  }
0x454: {  	[tilespmem:v1+s10+$0xD080 ss:$0x1] =	vst.idx.msk $0xffff, v4  }
0x455: {  	v4 =	vld.idx.msk [tilespmem:v5+s25+$0x0], $0xffff;
	_ =	sdelay $0x1  }
0x456: {  	v5 =	vor.u32 $0xB, v3;
	_ =	sdelay $0x3  }
0x457: {  	[tilespmem:v1+s10+$0xD100 ss:$0x1] =	vst.idx.msk $0xffff, v4  }
0x458: {  	v4 =	vld.idx.msk [tilespmem:v5+s25+$0x0], $0xffff;
	_ =	sdelay $0x1  }
0x459: {  	v5 =	vor.u32 $0xC, v3;
	_ =	sdelay $0x3  }
0x45a: {  	[tilespmem:v1+s10+$0xD180 ss:$0x1] =	vst.idx.msk $0xffff, v4  }
0x45b: {  	v4 =	vld.idx.msk [tilespmem:v5+s25+$0x0], $0xffff;
	_ =	sdelay $0x1  }
0x45c: {  	v5 =	vor.u32 $0xD, v3;
	_ =	sdelay $0x3  }
0x45d: {  	[tilespmem:v1+s10+$0xD200 ss:$0x1] =	vst.idx.msk $0xffff, v4  }
0x45e: {  	v4 =	vld.idx.msk [tilespmem:v5+s25+$0x0], $0xffff;
	_ =	sdelay $0x1  }
0x45f: {  	v5 =	vor.u32 $0xE, v3;
	_ =	sdelay $0x3  }
0x460: {  	[tilespmem:v1+s10+$0xD280 ss:$0x1] =	vst.idx.msk $0xffff, v4  }
0x461: {  	v4 =	vld.idx.msk [tilespmem:v5+s25+$0x0], $0xffff;
	_ =	sdelay $0x1  }
0x462: {  	v5 =	vor.u32 $0xF, v3;
	_ =	sdelay $0x3  }
0x463: {  	[tilespmem:v1+s10+$0xD300 ss:$0x1] =	vst.idx.msk $0xffff, v4  }
0x464: {  	v4 =	vld.idx.msk [tilespmem:v5+s25+$0x0], $0xffff;
	_ =	sdelay $0x1  }
0x465: {  	v5 =	vor.u32 $0x10, v3;
	_ =	sdelay $0x3  }
0x466: {  	[tilespmem:v1+s10+$0xD380 ss:$0x1] =	vst.idx.msk $0xffff, v4  }
0x467: {  	v4 =	vld.idx.msk [tilespmem:v5+s25+$0x0], $0xffff;
	_ =	sdelay $0x1  }
0x468: {  	v5 =	vor.u32 $0x11, v3;
	_ =	sdelay $0x3  }
0x469: {  	[tilespmem:v1+s10+$0xE000 ss:$0x1] =	vst.idx.msk $0xffff, v4  }
0x46a: {  	v4 =	vld.idx.msk [tilespmem:v5+s25+$0x0], $0xffff;
	_ =	sdelay $0x1  }
0x46b: {  	v5 =	vor.u32 $0x12, v3;
	_ =	sdelay $0x3  }
0x46c: {  	[tilespmem:v1+s10+$0xE080 ss:$0x1] =	vst.idx.msk $0xffff, v4  }
0x46d: {  	v4 =	vld.idx.msk [tilespmem:v5+s25+$0x0], $0xffff;
	_ =	sdelay $0x1  }
0x46e: {  	v5 =	vor.u32 $0x13, v3;
	_ =	sdelay $0x3  }
0x46f: {  	[tilespmem:v1+s10+$0xE100 ss:$0x1] =	vst.idx.msk $0xffff, v4  }
0x470: {  	v4 =	vld.idx.msk [tilespmem:v5+s25+$0x0], $0xffff;
	_ =	sdelay $0x1  }
0x471: {  	v5 =	vor.u32 $0x14, v3;
	_ =	sdelay $0x3  }
0x472: {  	[tilespmem:v1+s10+$0xE180 ss:$0x1] =	vst.idx.msk $0xffff, v4  }
0x473: {  	v4 =	vld.idx.msk [tilespmem:v5+s25+$0x0], $0xffff;
	_ =	sdelay $0x1  }
0x474: {  	v5 =	vor.u32 $0x15, v3;
	_ =	sdelay $0x3  }
0x475: {  	[tilespmem:v1+s10+$0xE200 ss:$0x1] =	vst.idx.msk $0xffff, v4  }
0x476: {  	v4 =	vld.idx.msk [tilespmem:v5+s25+$0x0], $0xffff;
	_ =	sdelay $0x1  }
0x477: {  	v5 =	vor.u32 $0x16, v3;
	_ =	sdelay $0x3  }
0x478: {  	[tilespmem:v1+s10+$0xE280 ss:$0x1] =	vst.idx.msk $0xffff, v4  }
0x479: {  	v4 =	vld.idx.msk [tilespmem:v5+s25+$0x0], $0xffff;
	_ =	sdelay $0x1  }
0x47a: {  	v5 =	vor.u32 $0x17, v3;
	_ =	sdelay $0x3  }
0x47b: {  	[tilespmem:v1+s10+$0xE300 ss:$0x1] =	vst.idx.msk $0xffff, v4  }
0x47c: {  	v4 =	vld.idx.msk [tilespmem:v5+s25+$0x0], $0xffff;
	_ =	sdelay $0x1  }
0x47d: {  	v5 =	vor.u32 $0x18, v3;
	_ =	sdelay $0x3  }
0x47e: {  	[tilespmem:v1+s10+$0xE380 ss:$0x1] =	vst.idx.msk $0xffff, v4  }
0x47f: {  	v4 =	vld.idx.msk [tilespmem:v5+s25+$0x0], $0xffff;
	_ =	sdelay $0x1  }
0x480: {  	v5 =	vor.u32 $0x19, v3;
	_ =	sdelay $0x3  }
0x481: {  	[tilespmem:v1+s10+$0xF000 ss:$0x1] =	vst.idx.msk $0xffff, v4  }
0x482: {  	v4 =	vld.idx.msk [tilespmem:v5+s25+$0x0], $0xffff;
	_ =	sdelay $0x1  }
0x483: {  	v5 =	vor.u32 $0x1A, v3;
	_ =	sdelay $0x3  }
0x484: {  	[tilespmem:v1+s10+$0xF080 ss:$0x1] =	vst.idx.msk $0xffff, v4  }
0x485: {  	v4 =	vld.idx.msk [tilespmem:v5+s25+$0x0], $0xffff;
	_ =	sdelay $0x1  }
0x486: {  	v5 =	vor.u32 $0x1B, v3;
	_ =	sdelay $0x3  }
0x487: {  	[tilespmem:v1+s10+$0xF100 ss:$0x1] =	vst.idx.msk $0xffff, v4  }
0x488: {  	v4 =	vld.idx.msk [tilespmem:v5+s25+$0x0], $0xffff;
	_ =	sdelay $0x1  }
0x489: {  	v5 =	vor.u32 $0x1C, v3;
	_ =	sdelay $0x3  }
0x48a: {  	[tilespmem:v1+s10+$0xF180 ss:$0x1] =	vst.idx.msk $0xffff, v4  }
0x48b: {  	v4 =	vld.idx.msk [tilespmem:v5+s25+$0x0], $0xffff;
	_ =	sdelay $0x1  }
0x48c: {  	v5 =	vor.u32 $0x1D, v3;
	_ =	sdelay $0x3  }
0x48d: {  	[tilespmem:v1+s10+$0xF200 ss:$0x1] =	vst.idx.msk $0xffff, v4  }
0x48e: {  	v4 =	vld.idx.msk [tilespmem:v5+s25+$0x0], $0xffff;
	_ =	sdelay $0x1  }
0x48f: {  	v5 =	vor.u32 $0x1E, v3;
	_ =	sdelay $0x3  }
0x490: {  	[tilespmem:v1+s10+$0xF280 ss:$0x1] =	vst.idx.msk $0xffff, v4  }
0x491: {  	v4 =	vld.idx.msk [tilespmem:v5+s25+$0x0], $0xffff;
	_ =	sdelay $0x1  }
0x492: {  	v3 =	vor.u32 $0x1F, v3  }
.Ltmp3:
0x493: {  	(pc) =	sbr.rel @p1 .LBB2_9-.Ltmp3, $3  }
0x494: {  	_ =	sdelay $0x1  }
0x495: {  	[tilespmem:v1+s10+$0xF300 ss:$0x1] =	vst.idx.msk $0xffff, v4  }
0x496: {  	s5 =	smov.u32 s1;
	v3 =	vld.idx.msk [tilespmem:v3+s25+$0x0], $0xffff  }
0x497: {  	_ =	sdelay $0x3  }
0x498: {  	s0 =	sshra.s32 s0, $0x2;
	[tilespmem:v1+s10+$0xF380 ss:$0x1] =	vst.idx.msk $0xffff, v3  }
0x499: {  	v2 =	vld.idx.msk [tilespmem:v2+s0+$0x0 ss:$0x1], $0xffff;
	_ =	sdelay $0x2  }
0x49a: {  	s1 =	sadd.s32 $0x10, s9  }
0x49b: {  	v3 =	vmov s1  }
0x49c: {  	v3 =	vshll.u32 v3, $0x7;
	v2 =	vshll.u32 v2, $0x5  }
0x49d: {  	v3 =	vor.u32 v0, v3;
	v2 =	vand.u32 $0x60, v2  }
0x49e: {  	v2 =	vor.u32 v3, v2;
	_ =	sdelay $0x4  }
0x49f: {  	v3 =	vld.idx.msk [tilespmem:v2+s25+$0x0], $0xffff  }
0x4a0: {  	v4 =	vor.u32 $0x1, v2;
	_ =	sdelay $0x3  }
0x4a1: {  	[tilespmem:v1+s0+$0xC000 ss:$0x1] =	vst.idx.msk $0xffff, v3  }
0x4a2: {  	v3 =	vld.idx.msk [tilespmem:v4+s25+$0x0], $0xffff  }
0x4a3: {  	v35 =	vor.u32 $0x2, v2;
	_ =	sdelay $0x3  }
0x4a4: {  	[tilespmem:v1+s0+$0xC080 ss:$0x1] =	vst.idx.msk $0xffff, v3  }
0x4a5: {  	v3 =	vld.idx.msk [tilespmem:v35+s25+$0x0], $0xffff  }
0x4a6: {  	v36 =	vor.u32 $0x3, v2;
	_ =	sdelay $0x3  }
0x4a7: {  	[tilespmem:v1+s0+$0xC100 ss:$0x1] =	vst.idx.msk $0xffff, v3  }
0x4a8: {  	v3 =	vld.idx.msk [tilespmem:v36+s25+$0x0], $0xffff  }
0x4a9: {  	v37 =	vor.u32 $0x4, v2;
	_ =	sdelay $0x3  }
0x4aa: {  	[tilespmem:v1+s0+$0xC180 ss:$0x1] =	vst.idx.msk $0xffff, v3  }
0x4ab: {  	v3 =	vld.idx.msk [tilespmem:v37+s25+$0x0], $0xffff  }
0x4ac: {  	v38 =	vor.u32 $0x5, v2;
	_ =	sdelay $0x3  }
0x4ad: {  	[tilespmem:v1+s0+$0xC200 ss:$0x1] =	vst.idx.msk $0xffff, v3  }
0x4ae: {  	v3 =	vld.idx.msk [tilespmem:v38+s25+$0x0], $0xffff  }
0x4af: {  	v39 =	vor.u32 $0x6, v2;
	_ =	sdelay $0x3  }
0x4b0: {  	[tilespmem:v1+s0+$0xC280 ss:$0x1] =	vst.idx.msk $0xffff, v3  }
0x4b1: {  	v3 =	vld.idx.msk [tilespmem:v39+s25+$0x0], $0xffff  }
0x4b2: {  	v40 =	vor.u32 $0x7, v2;
	_ =	sdelay $0x3  }
0x4b3: {  	[tilespmem:v1+s0+$0xC300 ss:$0x1] =	vst.idx.msk $0xffff, v3  }
0x4b4: {  	v3 =	vld.idx.msk [tilespmem:v40+s25+$0x0], $0xffff  }
0x4b5: {  	v41 =	vor.u32 $0x8, v2;
	_ =	sdelay $0x3  }
0x4b6: {  	[tilespmem:v1+s0+$0xC380 ss:$0x1] =	vst.idx.msk $0xffff, v3  }
0x4b7: {  	v3 =	vld.idx.msk [tilespmem:v41+s25+$0x0], $0xffff  }
0x4b8: {  	v42 =	vor.u32 $0x9, v2;
	_ =	sdelay $0x3  }
0x4b9: {  	[tilespmem:v1+s0+$0xD000 ss:$0x1] =	vst.idx.msk $0xffff, v3  }
0x4ba: {  	v3 =	vld.idx.msk [tilespmem:v42+s25+$0x0], $0xffff  }
0x4bb: {  	v43 =	vor.u32 $0xA, v2;
	_ =	sdelay $0x3  }
0x4bc: {  	[tilespmem:v1+s0+$0xD080 ss:$0x1] =	vst.idx.msk $0xffff, v3  }
0x4bd: {  	v3 =	vld.idx.msk [tilespmem:v43+s25+$0x0], $0xffff  }
0x4be: {  	v44 =	vor.u32 $0xB, v2;
	_ =	sdelay $0x3  }
0x4bf: {  	[tilespmem:v1+s0+$0xD100 ss:$0x1] =	vst.idx.msk $0xffff, v3  }
0x4c0: {  	v3 =	vld.idx.msk [tilespmem:v44+s25+$0x0], $0xffff  }
0x4c1: {  	v45 =	vor.u32 $0xC, v2;
	_ =	sdelay $0x3  }
0x4c2: {  	[tilespmem:v1+s0+$0xD180 ss:$0x1] =	vst.idx.msk $0xffff, v3  }
0x4c3: {  	v3 =	vld.idx.msk [tilespmem:v45+s25+$0x0], $0xffff  }
0x4c4: {  	v46 =	vor.u32 $0xD, v2;
	_ =	sdelay $0x3  }
0x4c5: {  	[tilespmem:v1+s0+$0xD200 ss:$0x1] =	vst.idx.msk $0xffff, v3  }
0x4c6: {  	v3 =	vld.idx.msk [tilespmem:v46+s25+$0x0], $0xffff  }
0x4c7: {  	v47 =	vor.u32 $0xE, v2;
	_ =	sdelay $0x3  }
0x4c8: {  	[tilespmem:v1+s0+$0xD280 ss:$0x1] =	vst.idx.msk $0xffff, v3  }
0x4c9: {  	v3 =	vld.idx.msk [tilespmem:v47+s25+$0x0], $0xffff  }
0x4ca: {  	v48 =	vor.u32 $0xF, v2;
	_ =	sdelay $0x3  }
0x4cb: {  	[tilespmem:v1+s0+$0xD300 ss:$0x1] =	vst.idx.msk $0xffff, v3  }
0x4cc: {  	v3 =	vld.idx.msk [tilespmem:v48+s25+$0x0], $0xffff  }
0x4cd: {  	v49 =	vor.u32 $0x10, v2;
	_ =	sdelay $0x3  }
0x4ce: {  	[tilespmem:v1+s0+$0xD380 ss:$0x1] =	vst.idx.msk $0xffff, v3  }
0x4cf: {  	v3 =	vld.idx.msk [tilespmem:v49+s25+$0x0], $0xffff  }
0x4d0: {  	v50 =	vor.u32 $0x11, v2;
	_ =	sdelay $0x3  }
0x4d1: {  	[tilespmem:v1+s0+$0xE000 ss:$0x1] =	vst.idx.msk $0xffff, v3  }
0x4d2: {  	v3 =	vld.idx.msk [tilespmem:v50+s25+$0x0], $0xffff  }
0x4d3: {  	v51 =	vor.u32 $0x12, v2;
	_ =	sdelay $0x3  }
0x4d4: {  	[tilespmem:v1+s0+$0xE080 ss:$0x1] =	vst.idx.msk $0xffff, v3  }
0x4d5: {  	v3 =	vld.idx.msk [tilespmem:v51+s25+$0x0], $0xffff  }
0x4d6: {  	v52 =	vor.u32 $0x13, v2;
	_ =	sdelay $0x3  }
0x4d7: {  	[tilespmem:v1+s0+$0xE100 ss:$0x1] =	vst.idx.msk $0xffff, v3  }
0x4d8: {  	v3 =	vld.idx.msk [tilespmem:v52+s25+$0x0], $0xffff  }
0x4d9: {  	v53 =	vor.u32 $0x14, v2;
	_ =	sdelay $0x3  }
0x4da: {  	[tilespmem:v1+s0+$0xE180 ss:$0x1] =	vst.idx.msk $0xffff, v3  }
0x4db: {  	v3 =	vld.idx.msk [tilespmem:v53+s25+$0x0], $0xffff  }
0x4dc: {  	v54 =	vor.u32 $0x15, v2;
	_ =	sdelay $0x3  }
0x4dd: {  	[tilespmem:v1+s0+$0xE200 ss:$0x1] =	vst.idx.msk $0xffff, v3  }
0x4de: {  	v3 =	vld.idx.msk [tilespmem:v54+s25+$0x0], $0xffff  }
0x4df: {  	v55 =	vor.u32 $0x16, v2;
	_ =	sdelay $0x3  }
0x4e0: {  	[tilespmem:v1+s0+$0xE280 ss:$0x1] =	vst.idx.msk $0xffff, v3  }
0x4e1: {  	v3 =	vld.idx.msk [tilespmem:v55+s25+$0x0], $0xffff  }
0x4e2: {  	v56 =	vor.u32 $0x17, v2;
	_ =	sdelay $0x3  }
0x4e3: {  	[tilespmem:v1+s0+$0xE300 ss:$0x1] =	vst.idx.msk $0xffff, v3  }
0x4e4: {  	v3 =	vld.idx.msk [tilespmem:v56+s25+$0x0], $0xffff  }
0x4e5: {  	v57 =	vor.u32 $0x18, v2;
	_ =	sdelay $0x3  }
0x4e6: {  	[tilespmem:v1+s0+$0xE380 ss:$0x1] =	vst.idx.msk $0xffff, v3  }
0x4e7: {  	v3 =	vld.idx.msk [tilespmem:v57+s25+$0x0], $0xffff  }
0x4e8: {  	v58 =	vor.u32 $0x19, v2;
	_ =	sdelay $0x3  }
0x4e9: {  	[tilespmem:v1+s0+$0xF000 ss:$0x1] =	vst.idx.msk $0xffff, v3  }
0x4ea: {  	v3 =	vld.idx.msk [tilespmem:v58+s25+$0x0], $0xffff  }
0x4eb: {  	v59 =	vor.u32 $0x1A, v2;
	_ =	sdelay $0x3  }
0x4ec: {  	[tilespmem:v1+s0+$0xF080 ss:$0x1] =	vst.idx.msk $0xffff, v3  }
0x4ed: {  	v3 =	vld.idx.msk [tilespmem:v59+s25+$0x0], $0xffff  }
0x4ee: {  	v60 =	vor.u32 $0x1B, v2;
	_ =	sdelay $0x3  }
0x4ef: {  	[tilespmem:v1+s0+$0xF100 ss:$0x1] =	vst.idx.msk $0xffff, v3  }
0x4f0: {  	v3 =	vld.idx.msk [tilespmem:v60+s25+$0x0], $0xffff  }
0x4f1: {  	v61 =	vor.u32 $0x1C, v2;
	_ =	sdelay $0x3  }
0x4f2: {  	[tilespmem:v1+s0+$0xF180 ss:$0x1] =	vst.idx.msk $0xffff, v3  }
0x4f3: {  	v3 =	vld.idx.msk [tilespmem:v61+s25+$0x0], $0xffff  }
0x4f4: {  	v62 =	vor.u32 $0x1D, v2;
	_ =	sdelay $0x3  }
0x4f5: {  	[tilespmem:v1+s0+$0xF200 ss:$0x1] =	vst.idx.msk $0xffff, v3  }
0x4f6: {  	v3 =	vld.idx.msk [tilespmem:v62+s25+$0x0], $0xffff  }
0x4f7: {  	v63 =	vor.u32 $0x1E, v2;
	_ =	sdelay $0x3  }
0x4f8: {  	[tilespmem:v1+s0+$0xF280 ss:$0x1] =	vst.idx.msk $0xffff, v3  }
0x4f9: {  	v3 =	vld.idx.msk [tilespmem:v63+s25+$0x0], $0xffff  }
0x4fa: {  	v2 =	vor.u32 $0x1F, v2;
	_ =	sdelay $0x3  }
0x4fb: {  	[tilespmem:v1+s0+$0xF300 ss:$0x1] =	vst.idx.msk $0xffff, v3  }
0x4fc: {  	v2 =	vld.idx.msk [tilespmem:v2+s25+$0x0], $0xffff;
	_ =	sdelay $0x4  }
0x4fd: {  	[tilespmem:v1+s0+$0xF380 ss:$0x1] =	vst.idx.msk $0xffff, v2  }
0x4fe: {  	v1 =	vld @!p0 [tilespmem:s8+$0x600];
	_ =	sdelay $0x4  }
0x4ff: {  	v1 =	vshrl.u32 @!p0 v1, $0x2  }
0x500: {  	[tilespmem:$0x980] =	vst @!p0 v1  }
0x501: {  	v1 =	vld @!p0 [tilespmem:s8+$0x610];
	_ =	sdelay $0x4  }
0x502: {  	v1 =	vshrl.u32 @!p0 v1, $0x2  }
0x503: {  	[tilespmem:$0x990] =	vst @!p0 v1  }
0x504: {  	v1 =	vld @!p0 [tilespmem:s8+$0x620];
	_ =	sdelay $0x4  }
0x505: {  	v1 =	vshrl.u32 @!p0 v1, $0x2  }
0x506: {  	[tilespmem:$0x9A0] =	vst @!p0 v1  }
0x507: {  	v1 =	vld @!p0 [tilespmem:s8+$0x630]  }
0x508: {  	p1 =	sne.s32 @!p0 s7, $0x8  }
0x509: {  	p1 =	por p0, !p1  }
.Ltmp4:
0x50a: {  	s5 =	simm.s32 @!p0 $0x6A00;
	s6 =	sadd.s32 @!p0 $0x40, s6;
	(pc) =	sbr.rel @!p1 .LBB2_2-.Ltmp4, $4  }
0x50b: {  	s12 =	sadd.s32 @!p0 $0x200, s12;
	s13 =	sadd.s32 @!p0 $0x40, s13;
	s31 =	sadd.s32 @!p0 $0x4, s31  }
0x50c: {  	s20 =	sadd.s32 @!p0 $0x40, s20;
	s22 =	sadd.s32 @!p0 $0x40, s22;
	s24 =	sadd.s32 @!p0 $0x40, s24;
	v1 =	vshrl.u32 @!p0 v1, $0x2  }
0x50d: {  	s1 =	simm.s32 @!p0 $0x980;
	s0 =	simm.s32 @!p0 $0x40;
	s8 =	smov.u32 s7;
	[tilespmem:$0x9B0] =	vst @!p0 v1  }
0x50e: {  	[tilespmem:s5], [sflag:$0x4] =	stream.indirect.gather @!p0 [hbm4b:s4+s0], $0x80, s1, s0, $0xb8;
	[tilespmem:$0x18A00] =	vst v63  }
0x50f: {  	s0 =	rddreg [dreg:$0x3]  }
0x510: {  	s1 =	simm.s32 $0x1000;
	s5 =	simm.s32 $0x20000;
	s6 =	simm.s32 $0x8A00  }
0x511: {  	[hbm4b:s0+s1] =	stream.strided.scatter [tilespmem:s6], [sflag:$0x7], $0x10000, s5, s1, $0x38;
	[tilespmem:$0x18A00] =	vst v63  }
0x512: {  	_ =	swait.ge [sflag:s14], $0x10000  }
0x513: {  	[sflag:s14] =	ssyncset.done $0x0  }
0x514: {  	[sflag:s14] =	ssyncadd.s32 $0xFFFF0000  }
0x515: {  	_ =	swait.ge [sflag:s15], $0x400  }
0x516: {  	s18 =	sadd.s32 $0x1, s18;
	s31 =	rddreg [dreg:$0xb]  }
0x517: {  	p0 =	sne.s32 s18, s31  }
.Ltmp5:
0x518: {  	_ = 	snop;
	(pc) =	sbr.rel @p0 .LBB2_1-.Ltmp5, $3  }
0x519: {  	_ =	sdelay $0x1  }
0x51a: {  	[sflag:s15] =	ssyncset.done $0x0  }
0x51b: {  	[sflag:s15] =	ssyncadd.s32 $0xFFFFFC00  }
0x51c: {  	_ =	sfence.sel $0x180000  }
0x51d: {  	[bflag:$0x0] =	sbarrier.arrive $0xFFFF  }
0x51e: {  	_ =	strace $0x90000047  }
0x51f: {  	s0 =	stileid.u32;
	[bflag:$0x2] =	sbarrier.arrive $0xFFFF  }
0x520: {  	p0 =	sne.s32 s0, $0x0;
	s0 =	rddreg [dreg:$0x2]  }
0x521: {  	s0 =	sadd.s32 @!p0 $0x100000, s0  }
0x522: {  	[sflag:s0] =	ssyncadd.tile.s32 @!p0 $0x1;
	_ =	shalt  }
.Lfunc_end2:
_tile_overlayer_lowered:
.L_overlay_start_2:
0x523: {  	(tag) =	ssettag $0x2  }
0x524: {  	s0 =	rddreg [dreg:$0x0];
	s2 =	stileid.u32  }
0x525: {  	s1 =	rddreg [dreg:$0x1];
	p0 =	sne.s32 s2, $0x0  }
0x526: {  	s3 =	rddreg [dreg:$0x2];
	[bflag:$0x3] =	sbarrier.arrive $0xFFFF;
	s2 =	simm.s32 @!p0 $0x1C07  }
0x527: {  	[timem:s3], [sflag:s2] =	dma.local @!p0 [hbm:s0], s1  }
0x528: {  	s0 =	simm.s32 @!p0 $0x7  }
0x529: {  	_ =	swait.ge @!p0 [sflag:s0], s1  }
0x52a: {  	s1 =	ssub.s32 @!p0 $0x0, s1;
	[sflag:s0] =	ssyncset.done @!p0 $0x0  }
0x52b: {  	[sflag:s0] =	ssyncadd.s32 @!p0 s1  }
0x52c: {  	[bflag:$0x3] =	sbarrier.arrive $0xFFFF  }
0x52d: {  	_ =	shalt  }

</sc_bundles>
